<compile_context>
chip_gen: v7x
topology: tpu7x:2x2x1
jax: 0.10.2.dev20260603
libtpu: 0.0.44.dev20260713+nightly
codegen_flags: <defaults>
</compile_context>

<pallas_src>
import functools

import jax
import jax.numpy as jnp
from jax import lax
from jax.experimental import pallas as pl
from jax.experimental.pallas import tpu as pltpu
from jax.experimental.pallas import tpu_sc as plsc

_LANES = 16


@functools.lru_cache(maxsize=None)
def _build(B, D):
    info = plsc.get_sparse_core_info()
    nc, ns = info.num_cores, info.num_subcores
    nw = nc * ns
    assert B % (8 * nw) == 0 and D % _LANES == 0
    b_per_w = B // nw
    half = b_per_w // 2
    n_groups = half // _LANES
    mesh = plsc.VectorSubcoreMesh(core_axis_name="c", subcore_axis_name="s")

    @functools.partial(
        pl.kernel,
        mesh=mesh,
        out_type=jax.ShapeDtypeStruct((B * D,), jnp.float32),
        compiler_params=pltpu.CompilerParams(use_tc_tiling_on_sc=True),
        scratch_types=[
            pltpu.VMEM((b_per_w,), jnp.int32),
            pltpu.VMEM((b_per_w,), jnp.int32),
            pltpu.VMEM((half, D), jnp.float32),
            pltpu.VMEM((half, D), jnp.float32),
            pltpu.VMEM((b_per_w * D,), jnp.float32),
            pltpu.SemaphoreType.DMA,
            pltpu.SemaphoreType.DMA,
        ],
    )
    def gmf(uid_hbm, iid_hbm, ut_hbm, it_hbm, out_hbm,
            uidx_v, iidx_v, ubuf, ibuf, obuf, usem, isem):
        wid = lax.axis_index("s") * nc + lax.axis_index("c")
        base = wid * b_per_w
        pltpu.sync_copy(uid_hbm.at[pl.ds(base, b_per_w)], uidx_v)
        pltpu.sync_copy(iid_hbm.at[pl.ds(base, b_per_w)], iidx_v)

        def group_wait(sem):
            pltpu.make_async_copy(
                ut_hbm.at[pl.ds(0, _LANES)], ubuf.at[pl.ds(0, _LANES)],
                sem).wait()

        for p in range(2):
            off = p * half

            def issue(g, carry):
                vu = uidx_v[pl.ds(off + g * _LANES, _LANES)]
                vi = iidx_v[pl.ds(off + g * _LANES, _LANES)]
                for l in range(_LANES):
                    j = g * _LANES + l
                    pltpu.async_copy(ut_hbm.at[vu[l]], ubuf.at[j], usem)
                    pltpu.async_copy(it_hbm.at[vi[l]], ibuf.at[j], isem)

                @pl.when(g >= 4)
                def _():
                    group_wait(usem)
                    group_wait(isem)

                return carry

            lax.fori_loop(0, n_groups, issue, 0)
            for _ in range(4):
                group_wait(usem)
                group_wait(isem)

            def mul(r, carry):
                for k in range(D // _LANES):
                    ksl = pl.ds(k * _LANES, _LANES)
                    osl = pl.ds((off + r) * D + k * _LANES, _LANES)
                    obuf[osl] = ubuf[r, ksl] * ibuf[r, ksl]
                return carry

            lax.fori_loop(0, half, mul, 0)

        pltpu.sync_copy(obuf, out_hbm.at[pl.ds(base * D, b_per_w * D)])

    return gmf


def kernel(uid, iid, user_table, item_table):
    B = uid.shape[0]
    D = user_table.shape[1]
    fn = _build(B, D)
    out = fn(uid.astype(jnp.int32), iid.astype(jnp.int32),
             user_table, item_table)
    return out.reshape(B, D)

# --- scband reference (transcript-rebuilt; emitter-appended) ---
"""Pipeline reference for scband-gmf-89601607729256 (READ-ONLY COPY).

The authoritative reference and input builder live on the scoring server;
editing this copy changes nothing except your own understanding.
"""

import jax, jax.numpy as jnp
import numpy as np

NUM_USERS = 1000000
NUM_ITEMS = 1000000
K = 64
BATCH = 16384

def setup_inputs(seed: int = 0) -> dict:
    key = jax.random.key(seed)
    k_uid, k_iid, k_ut, k_it = jax.random.split(key, 4)
    uid = jax.random.randint(k_uid, (BATCH,), 0, NUM_USERS, dtype=jnp.int64 if jax.config.jax_enable_x64 else jnp.int32)
    iid = jax.random.randint(k_iid, (BATCH,), 0, NUM_ITEMS, dtype=jnp.int64 if jax.config.jax_enable_x64 else jnp.int32)
    user_table = jax.random.normal(k_ut, (NUM_USERS, K), dtype=jnp.float32)
    item_table = jax.random.normal(k_it, (NUM_ITEMS, K), dtype=jnp.float32)
    return {"uid": uid, "iid": iid, "user_table": user_table, "item_table": item_table}

def reference(uid, iid, user_table, item_table):
    user_emb = jnp.take(user_table, uid, axis=0)
    item_emb = jnp.take(item_table, iid, axis=0)
    out = user_emb * item_emb
    return out

if __name__ == "__main__":
    import jax
    _d = setup_inputs()
    print(jax.jit(kernel)(*tuple(_d.values())))

</pallas_src>

<mosaic_0001>
#map = affine_map<(d0, d1) -> (0)>
#map1 = affine_map<(d0, d1) -> (0, 0)>
module attributes {stable_mosaic.version = 14 : i64} {
  func.func @gmf(%arg0: i32, %arg1: i32, %arg2: memref<16384xi32, #tpu.memory_space<hbm>>, %arg3: memref<16384xi32, #tpu.memory_space<hbm>>, %arg4: memref<1000000x64xf32, #tpu.memory_space<hbm>>, %arg5: memref<1000000x64xf32, #tpu.memory_space<hbm>>, %arg6: memref<1048576xf32, #tpu.memory_space<hbm>>, %arg7: memref<512xi32, #tpu.memory_space<vmem>>, %arg8: memref<512xi32, #tpu.memory_space<vmem>>, %arg9: memref<256x64xf32, #tpu.memory_space<vmem>>, %arg10: memref<256x64xf32, #tpu.memory_space<vmem>>, %arg11: memref<32768xf32, #tpu.memory_space<vmem>>, %arg12: memref<!tpu.dma_semaphore, #tpu.memory_space<semaphore_mem>>, %arg13: memref<!tpu.dma_semaphore, #tpu.memory_space<semaphore_mem>>) attributes {dimension_semantics = [#tpu.dimension_semantics<core_parallel>, #tpu.dimension_semantics<subcore_parallel>], iteration_bounds = array<i64: 2, 16>, scalar_prefetch = 0 : i64, scratch_operands = 7 : i64, tpu.core_type = #tpu.core_type<sc_vector_subcore>, window_params = [{transform_indices = #map}, {transform_indices = #map}, {transform_indices = #map1}, {transform_indices = #map1}, {transform_indices = #map}]} {
    %mul3A = arith.constant 2 : i32
    %mul3A_0 = arith.muli %arg1, %mul3A : i32
    %add3A = arith.addi %mul3A_0, %arg0 : i32
    %mul3A_1 = arith.constant 512 : i32
    %mul3A_2 = arith.muli %add3A, %mul3A_1 : i32
    "tpu.region"() ({
      %run_scoped3A = tpu.sem_alloc : memref<!tpu.dma_semaphore, #tpu.memory_space<semaphore_mem>>
      %dma_start3A = tpu.memref_slice %arg2[%mul3A_2] : memref<16384xi32, #tpu.memory_space<hbm>> -> memref<512xi32, #tpu.memory_space<hbm>>
      %dma_start3A_219 = tpu.memref_slice %arg2[%mul3A_2] : memref<16384xi32, #tpu.memory_space<hbm>> -> memref<512xi32, #tpu.memory_space<hbm>>
      tpu.enqueue_dma source(%dma_start3A_219 : memref<512xi32, #tpu.memory_space<hbm>>) target(%arg7 : memref<512xi32, #tpu.memory_space<vmem>>) target_semaphore(%run_scoped3A : memref<!tpu.dma_semaphore, #tpu.memory_space<semaphore_mem>>)
      %dma_wait3A_220 = tpu.memref_slice %arg2[%mul3A_2] : memref<16384xi32, #tpu.memory_space<hbm>> -> memref<512xi32, #tpu.memory_space<hbm>>
      %dma_wait3A_221 = tpu.memref_slice %arg2[%mul3A_2] : memref<16384xi32, #tpu.memory_space<hbm>> -> memref<512xi32, #tpu.memory_space<hbm>>
      tpu.wait_dma2 semaphore(%run_scoped3A : memref<!tpu.dma_semaphore, #tpu.memory_space<semaphore_mem>>) src(%dma_wait3A_221 : memref<512xi32, #tpu.memory_space<hbm>>) dst(%arg7 : memref<512xi32, #tpu.memory_space<vmem>>)
      tpu.yield
    }) : () -> ()
    "tpu.region"() ({
      %run_scoped3A = tpu.sem_alloc : memref<!tpu.dma_semaphore, #tpu.memory_space<semaphore_mem>>
      %dma_start3A = tpu.memref_slice %arg3[%mul3A_2] : memref<16384xi32, #tpu.memory_space<hbm>> -> memref<512xi32, #tpu.memory_space<hbm>>
      %dma_start3A_219 = tpu.memref_slice %arg3[%mul3A_2] : memref<16384xi32, #tpu.memory_space<hbm>> -> memref<512xi32, #tpu.memory_space<hbm>>
      tpu.enqueue_dma source(%dma_start3A_219 : memref<512xi32, #tpu.memory_space<hbm>>) target(%arg8 : memref<512xi32, #tpu.memory_space<vmem>>) target_semaphore(%run_scoped3A : memref<!tpu.dma_semaphore, #tpu.memory_space<semaphore_mem>>)
      %dma_wait3A_220 = tpu.memref_slice %arg3[%mul3A_2] : memref<16384xi32, #tpu.memory_space<hbm>> -> memref<512xi32, #tpu.memory_space<hbm>>
      %dma_wait3A_221 = tpu.memref_slice %arg3[%mul3A_2] : memref<16384xi32, #tpu.memory_space<hbm>> -> memref<512xi32, #tpu.memory_space<hbm>>
      tpu.wait_dma2 semaphore(%run_scoped3A : memref<!tpu.dma_semaphore, #tpu.memory_space<semaphore_mem>>) src(%dma_wait3A_221 : memref<512xi32, #tpu.memory_space<hbm>>) dst(%arg8 : memref<512xi32, #tpu.memory_space<vmem>>)
      tpu.yield
    }) : () -> ()
    %scan3A = arith.constant 0 : i32
    %scan3A_3 = arith.constant 0 : i32
    %scan3A_4 = arith.constant 16 : i32
    %scan3A_5 = arith.addi %scan3A_3, %scan3A_4 : i32
    %scan3A_6 = arith.constant 1 : i32
    scf.for %scan3A_219 = %scan3A_3 to %scan3A_5 step %scan3A_6  : i32 {
      %mul3A_220 = arith.constant 16 : i32
      %mul3A_221 = arith.muli %scan3A_219, %mul3A_220 : i32
      %add3A_222 = arith.constant 0 : i32
      %add3A_223 = arith.addi %add3A_222, %mul3A_221 : i32
      %get3A = arith.index_cast %add3A_223 : i32 to index
      %get3A_224 = tpu.vector_load %arg7[%get3A] {strides = array<i32>} : memref<512xi32, #tpu.memory_space<vmem>>, vector<16xi32>,
      %get3A_225 = vector.shape_cast %get3A_224 : vector<16xi32> to vector<16xi32>
      %mul3A_226 = arith.constant 16 : i32
      %mul3A_227 = arith.muli %scan3A_219, %mul3A_226 : i32
      %add3A_228 = arith.constant 0 : i32
      %add3A_229 = arith.addi %add3A_228, %mul3A_227 : i32
      %get3A_230 = arith.index_cast %add3A_229 : i32 to index
      %get3A_231 = tpu.vector_load %arg8[%get3A_230] {strides = array<i32>} : memref<512xi32, #tpu.memory_space<vmem>>, vector<16xi32>,
      %get3A_232 = vector.shape_cast %get3A_231 : vector<16xi32> to vector<16xi32>
      %mul3A_233 = arith.constant 16 : i32
      %mul3A_234 = arith.muli %scan3A_219, %mul3A_233 : i32
      %add3A_235 = arith.constant 0 : i32
      %add3A_236 = arith.addi %mul3A_234, %add3A_235 : i32
      %slice3A = vector.extract_strided_slice %get3A_225 {offsets = [0], sizes = [1], strides = [1]} : vector<16xi32> to vector<1xi32>
      %squeeze3A = vector.extract %slice3A[0] : i32 from vector<1xi32>
      %dma_start3A = arith.constant 0 : i32
      %dma_start3A_237 = tpu.memref_slice %arg9[%add3A_236, %dma_start3A] : memref<256x64xf32, #tpu.memory_space<vmem>> -> memref<1x64xf32, #tpu.memory_space<vmem>>
      %dma_start3A_238 = tpu.memref_squeeze %dma_start3A_237 : memref<1x64xf32, #tpu.memory_space<vmem>> -> memref<64xf32, #tpu.memory_space<vmem>>
      %dma_start3A_239 = arith.constant 0 : i32
      %dma_start3A_240 = tpu.memref_slice %arg4[%squeeze3A, %dma_start3A_239] : memref<1000000x64xf32, #tpu.memory_space<hbm>> -> memref<1x64xf32, #tpu.memory_space<hbm>>
      %dma_start3A_241 = tpu.memref_squeeze %dma_start3A_240 : memref<1x64xf32, #tpu.memory_space<hbm>> -> memref<64xf32, #tpu.memory_space<hbm>>
      %dma_start3A_242 = arith.constant 0 : i32
      %dma_start3A_243 = tpu.memref_slice %arg9[%add3A_236, %dma_start3A_242] : memref<256x64xf32, #tpu.memory_space<vmem>> -> memref<1x64xf32, #tpu.memory_space<vmem>>
      %dma_start3A_244 = tpu.memref_squeeze %dma_start3A_243 : memref<1x64xf32, #tpu.memory_space<vmem>> -> memref<64xf32, #tpu.memory_space<vmem>>
      %dma_start3A_245 = arith.constant 0 : i32
      %dma_start3A_246 = tpu.memref_slice %arg4[%squeeze3A, %dma_start3A_245] : memref<1000000x64xf32, #tpu.memory_space<hbm>> -> memref<1x64xf32, #tpu.memory_space<hbm>>
      %dma_start3A_247 = tpu.memref_squeeze %dma_start3A_246 : memref<1x64xf32, #tpu.memory_space<hbm>> -> memref<64xf32, #tpu.memory_space<hbm>>
      tpu.enqueue_dma source(%dma_start3A_247 : memref<64xf32, #tpu.memory_space<hbm>>) target(%dma_start3A_244 : memref<64xf32, #tpu.memory_space<vmem>>) target_semaphore(%arg12 : memref<!tpu.dma_semaphore, #tpu.memory_space<semaphore_mem>>)
      %slice3A_248 = vector.extract_strided_slice %get3A_232 {offsets = [0], sizes = [1], strides = [1]} : vector<16xi32> to vector<1xi32>
      %squeeze3A_249 = vector.extract %slice3A_248[0] : i32 from vector<1xi32>
      %dma_start3A_250 = arith.constant 0 : i32
      %dma_start3A_251 = tpu.memref_slice %arg10[%add3A_236, %dma_start3A_250] : memref<256x64xf32, #tpu.memory_space<vmem>> -> memref<1x64xf32, #tpu.memory_space<vmem>>
      %dma_start3A_252 = tpu.memref_squeeze %dma_start3A_251 : memref<1x64xf32, #tpu.memory_space<vmem>> -> memref<64xf32, #tpu.memory_space<vmem>>
      %dma_start3A_253 = arith.constant 0 : i32
      %dma_start3A_254 = tpu.memref_slice %arg5[%squeeze3A_249, %dma_start3A_253] : memref<1000000x64xf32, #tpu.memory_space<hbm>> -> memref<1x64xf32, #tpu.memory_space<hbm>>
      %dma_start3A_255 = tpu.memref_squeeze %dma_start3A_254 : memref<1x64xf32, #tpu.memory_space<hbm>> -> memref<64xf32, #tpu.memory_space<hbm>>
      %dma_start3A_256 = arith.constant 0 : i32
      %dma_start3A_257 = tpu.memref_slice %arg10[%add3A_236, %dma_start3A_256] : memref<256x64xf32, #tpu.memory_space<vmem>> -> memref<1x64xf32, #tpu.memory_space<vmem>>
      %dma_start3A_258 = tpu.memref_squeeze %dma_start3A_257 : memref<1x64xf32, #tpu.memory_space<vmem>> -> memref<64xf32, #tpu.memory_space<vmem>>
      %dma_start3A_259 = arith.constant 0 : i32
      %dma_start3A_260 = tpu.memref_slice %arg5[%squeeze3A_249, %dma_start3A_259] : memref<1000000x64xf32, #tpu.memory_space<hbm>> -> memref<1x64xf32, #tpu.memory_space<hbm>>
      %dma_start3A_261 = tpu.memref_squeeze %dma_start3A_260 : memref<1x64xf32, #tpu.memory_space<hbm>> -> memref<64xf32, #tpu.memory_space<hbm>>
      tpu.enqueue_dma source(%dma_start3A_261 : memref<64xf32, #tpu.memory_space<hbm>>) target(%dma_start3A_258 : memref<64xf32, #tpu.memory_space<vmem>>) target_semaphore(%arg13 : memref<!tpu.dma_semaphore, #tpu.memory_space<semaphore_mem>>)
      %mul3A_262 = arith.constant 16 : i32
      %mul3A_263 = arith.muli %scan3A_219, %mul3A_262 : i32
      %add3A_264 = arith.constant 1 : i32
      %add3A_265 = arith.addi %mul3A_263, %add3A_264 : i32
      %slice3A_266 = vector.extract_strided_slice %get3A_225 {offsets = [1], sizes = [1], strides = [1]} : vector<16xi32> to vector<1xi32>
      %squeeze3A_267 = vector.extract %slice3A_266[0] : i32 from vector<1xi32>
      %dma_start3A_268 = arith.constant 0 : i32
      %dma_start3A_269 = tpu.memref_slice %arg9[%add3A_265, %dma_start3A_268] : memref<256x64xf32, #tpu.memory_space<vmem>> -> memref<1x64xf32, #tpu.memory_space<vmem>>
      %dma_start3A_270 = tpu.memref_squeeze %dma_start3A_269 : memref<1x64xf32, #tpu.memory_space<vmem>> -> memref<64xf32, #tpu.memory_space<vmem>>
      %dma_start3A_271 = arith.constant 0 : i32
      %dma_start3A_272 = tpu.memref_slice %arg4[%squeeze3A_267, %dma_start3A_271] : memref<1000000x64xf32, #tpu.memory_space<hbm>> -> memref<1x64xf32, #tpu.memory_space<hbm>>
      %dma_start3A_273 = tpu.memref_squeeze %dma_start3A_272 : memref<1x64xf32, #tpu.memory_space<hbm>> -> memref<64xf32, #tpu.memory_space<hbm>>
      %dma_start3A_274 = arith.constant 0 : i32
      %dma_start3A_275 = tpu.memref_slice %arg9[%add3A_265, %dma_start3A_274] : memref<256x64xf32, #tpu.memory_space<vmem>> -> memref<1x64xf32, #tpu.memory_space<vmem>>
      %dma_start3A_276 = tpu.memref_squeeze %dma_start3A_275 : memref<1x64xf32, #tpu.memory_space<vmem>> -> memref<64xf32, #tpu.memory_space<vmem>>
      %dma_start3A_277 = arith.constant 0 : i32
      %dma_start3A_278 = tpu.memref_slice %arg4[%squeeze3A_267, %dma_start3A_277] : memref<1000000x64xf32, #tpu.memory_space<hbm>> -> memref<1x64xf32, #tpu.memory_space<hbm>>
      %dma_start3A_279 = tpu.memref_squeeze %dma_start3A_278 : memref<1x64xf32, #tpu.memory_space<hbm>> -> memref<64xf32, #tpu.memory_space<hbm>>
      tpu.enqueue_dma source(%dma_start3A_279 : memref<64xf32, #tpu.memory_space<hbm>>) target(%dma_start3A_276 : memref<64xf32, #tpu.memory_space<vmem>>) target_semaphore(%arg12 : memref<!tpu.dma_semaphore, #tpu.memory_space<semaphore_mem>>)
      %slice3A_280 = vector.extract_strided_slice %get3A_232 {offsets = [1], sizes = [1], strides = [1]} : vector<16xi32> to vector<1xi32>
      %squeeze3A_281 = vector.extract %slice3A_280[0] : i32 from vector<1xi32>
      %dma_start3A_282 = arith.constant 0 : i32
      %dma_start3A_283 = tpu.memref_slice %arg10[%add3A_265, %dma_start3A_282] : memref<256x64xf32, #tpu.memory_space<vmem>> -> memref<1x64xf32, #tpu.memory_space<vmem>>
      %dma_start3A_284 = tpu.memref_squeeze %dma_start3A_283 : memref<1x64xf32, #tpu.memory_space<vmem>> -> memref<64xf32, #tpu.memory_space<vmem>>
      %dma_start3A_285 = arith.constant 0 : i32
      %dma_start3A_286 = tpu.memref_slice %arg5[%squeeze3A_281, %dma_start3A_285] : memref<1000000x64xf32, #tpu.memory_space<hbm>> -> memref<1x64xf32, #tpu.memory_space<hbm>>
      %dma_start3A_287 = tpu.memref_squeeze %dma_start3A_286 : memref<1x64xf32, #tpu.memory_space<hbm>> -> memref<64xf32, #tpu.memory_space<hbm>>
      %dma_start3A_288 = arith.constant 0 : i32
      %dma_start3A_289 = tpu.memref_slice %arg10[%add3A_265, %dma_start3A_288] : memref<256x64xf32, #tpu.memory_space<vmem>> -> memref<1x64xf32, #tpu.memory_space<vmem>>
      %dma_start3A_290 = tpu.memref_squeeze %dma_start3A_289 : memref<1x64xf32, #tpu.memory_space<vmem>> -> memref<64xf32, #tpu.memory_space<vmem>>
      %dma_start3A_291 = arith.constant 0 : i32
      %dma_start3A_292 = tpu.memref_slice %arg5[%squeeze3A_281, %dma_start3A_291] : memref<1000000x64xf32, #tpu.memory_space<hbm>> -> memref<1x64xf32, #tpu.memory_space<hbm>>
      %dma_start3A_293 = tpu.memref_squeeze %dma_start3A_292 : memref<1x64xf32, #tpu.memory_space<hbm>> -> memref<64xf32, #tpu.memory_space<hbm>>
      tpu.enqueue_dma source(%dma_start3A_293 : memref<64xf32, #tpu.memory_space<hbm>>) target(%dma_start3A_290 : memref<64xf32, #tpu.memory_space<vmem>>) target_semaphore(%arg13 : memref<!tpu.dma_semaphore, #tpu.memory_space<semaphore_mem>>)
      %mul3A_294 = arith.constant 16 : i32
      %mul3A_295 = arith.muli %scan3A_219, %mul3A_294 : i32
      %add3A_296 = arith.constant 2 : i32
      %add3A_297 = arith.addi %mul3A_295, %add3A_296 : i32
      %slice3A_298 = vector.extract_strided_slice %get3A_225 {offsets = [2], sizes = [1], strides = [1]} : vector<16xi32> to vector<1xi32>
      %squeeze3A_299 = vector.extract %slice3A_298[0] : i32 from vector<1xi32>
      %dma_start3A_300 = arith.constant 0 : i32
      %dma_start3A_301 = tpu.memref_slice %arg9[%add3A_297, %dma_start3A_300] : memref<256x64xf32, #tpu.memory_space<vmem>> -> memref<1x64xf32, #tpu.memory_space<vmem>>
      %dma_start3A_302 = tpu.memref_squeeze %dma_start3A_301 : memref<1x64xf32, #tpu.memory_space<vmem>> -> memref<64xf32, #tpu.memory_space<vmem>>
      %dma_start3A_303 = arith.constant 0 : i32
      %dma_start3A_304 = tpu.memref_slice %arg4[%squeeze3A_299, %dma_start3A_303] : memref<1000000x64xf32, #tpu.memory_space<hbm>> -> memref<1x64xf32, #tpu.memory_space<hbm>>
      %dma_start3A_305 = tpu.memref_squeeze %dma_start3A_304 : memref<1x64xf32, #tpu.memory_space<hbm>> -> memref<64xf32, #tpu.memory_space<hbm>>
      %dma_start3A_306 = arith.constant 0 : i32
      %dma_start3A_307 = tpu.memref_slice %arg9[%add3A_297, %dma_start3A_306] : memref<256x64xf32, #tpu.memory_space<vmem>> -> memref<1x64xf32, #tpu.memory_space<vmem>>
      %dma_start3A_308 = tpu.memref_squeeze %dma_start3A_307 : memref<1x64xf32, #tpu.memory_space<vmem>> -> memref<64xf32, #tpu.memory_space<vmem>>
      %dma_start3A_309 = arith.constant 0 : i32
      %dma_start3A_310 = tpu.memref_slice %arg4[%squeeze3A_299, %dma_start3A_309] : memref<1000000x64xf32, #tpu.memory_space<hbm>> -> memref<1x64xf32, #tpu.memory_space<hbm>>
      %dma_start3A_311 = tpu.memref_squeeze %dma_start3A_310 : memref<1x64xf32, #tpu.memory_space<hbm>> -> memref<64xf32, #tpu.memory_space<hbm>>
      tpu.enqueue_dma source(%dma_start3A_311 : memref<64xf32, #tpu.memory_space<hbm>>) target(%dma_start3A_308 : memref<64xf32, #tpu.memory_space<vmem>>) target_semaphore(%arg12 : memref<!tpu.dma_semaphore, #tpu.memory_space<semaphore_mem>>)
      %slice3A_312 = vector.extract_strided_slice %get3A_232 {offsets = [2], sizes = [1], strides = [1]} : vector<16xi32> to vector<1xi32>
      %squeeze3A_313 = vector.extract %slice3A_312[0] : i32 from vector<1xi32>
      %dma_start3A_314 = arith.constant 0 : i32
      %dma_start3A_315 = tpu.memref_slice %arg10[%add3A_297, %dma_start3A_314] : memref<256x64xf32, #tpu.memory_space<vmem>> -> memref<1x64xf32, #tpu.memory_space<vmem>>
      %dma_start3A_316 = tpu.memref_squeeze %dma_start3A_315 : memref<1x64xf32, #tpu.memory_space<vmem>> -> memref<64xf32, #tpu.memory_space<vmem>>
      %dma_start3A_317 = arith.constant 0 : i32
      %dma_start3A_318 = tpu.memref_slice %arg5[%squeeze3A_313, %dma_start3A_317] : memref<1000000x64xf32, #tpu.memory_space<hbm>> -> memref<1x64xf32, #tpu.memory_space<hbm>>
      %dma_start3A_319 = tpu.memref_squeeze %dma_start3A_318 : memref<1x64xf32, #tpu.memory_space<hbm>> -> memref<64xf32, #tpu.memory_space<hbm>>
      %dma_start3A_320 = arith.constant 0 : i32
      %dma_start3A_321 = tpu.memref_slice %arg10[%add3A_297, %dma_start3A_320] : memref<256x64xf32, #tpu.memory_space<vmem>> -> memref<1x64xf32, #tpu.memory_space<vmem>>
      %dma_start3A_322 = tpu.memref_squeeze %dma_start3A_321 : memref<1x64xf32, #tpu.memory_space<vmem>> -> memref<64xf32, #tpu.memory_space<vmem>>
      %dma_start3A_323 = arith.constant 0 : i32
      %dma_start3A_324 = tpu.memref_slice %arg5[%squeeze3A_313, %dma_start3A_323] : memref<1000000x64xf32, #tpu.memory_space<hbm>> -> memref<1x64xf32, #tpu.memory_space<hbm>>
      %dma_start3A_325 = tpu.memref_squeeze %dma_start3A_324 : memref<1x64xf32, #tpu.memory_space<hbm>> -> memref<64xf32, #tpu.memory_space<hbm>>
      tpu.enqueue_dma source(%dma_start3A_325 : memref<64xf32, #tpu.memory_space<hbm>>) target(%dma_start3A_322 : memref<64xf32, #tpu.memory_space<vmem>>) target_semaphore(%arg13 : memref<!tpu.dma_semaphore, #tpu.memory_space<semaphore_mem>>)
      %mul3A_326 = arith.constant 16 : i32
      %mul3A_327 = arith.muli %scan3A_219, %mul3A_326 : i32
      %add3A_328 = arith.constant 3 : i32
      %add3A_329 = arith.addi %mul3A_327, %add3A_328 : i32
      %slice3A_330 = vector.extract_strided_slice %get3A_225 {offsets = [3], sizes = [1], strides = [1]} : vector<16xi32> to vector<1xi32>
      %squeeze3A_331 = vector.extract %slice3A_330[0] : i32 from vector<1xi32>
      %dma_start3A_332 = arith.constant 0 : i32
      %dma_start3A_333 = tpu.memref_slice %arg9[%add3A_329, %dma_start3A_332] : memref<256x64xf32, #tpu.memory_space<vmem>> -> memref<1x64xf32, #tpu.memory_space<vmem>>
      %dma_start3A_334 = tpu.memref_squeeze %dma_start3A_333 : memref<1x64xf32, #tpu.memory_space<vmem>> -> memref<64xf32, #tpu.memory_space<vmem>>
      %dma_start3A_335 = arith.constant 0 : i32
      %dma_start3A_336 = tpu.memref_slice %arg4[%squeeze3A_331, %dma_start3A_335] : memref<1000000x64xf32, #tpu.memory_space<hbm>> -> memref<1x64xf32, #tpu.memory_space<hbm>>
      %dma_start3A_337 = tpu.memref_squeeze %dma_start3A_336 : memref<1x64xf32, #tpu.memory_space<hbm>> -> memref<64xf32, #tpu.memory_space<hbm>>
      %dma_start3A_338 = arith.constant 0 : i32
      %dma_start3A_339 = tpu.memref_slice %arg9[%add3A_329, %dma_start3A_338] : memref<256x64xf32, #tpu.memory_space<vmem>> -> memref<1x64xf32, #tpu.memory_space<vmem>>
      %dma_start3A_340 = tpu.memref_squeeze %dma_start3A_339 : memref<1x64xf32, #tpu.memory_space<vmem>> -> memref<64xf32, #tpu.memory_space<vmem>>
      %dma_start3A_341 = arith.constant 0 : i32
      %dma_start3A_342 = tpu.memref_slice %arg4[%squeeze3A_331, %dma_start3A_341] : memref<1000000x64xf32, #tpu.memory_space<hbm>> -> memref<1x64xf32, #tpu.memory_space<hbm>>
      %dma_start3A_343 = tpu.memref_squeeze %dma_start3A_342 : memref<1x64xf32, #tpu.memory_space<hbm>> -> memref<64xf32, #tpu.memory_space<hbm>>
      tpu.enqueue_dma source(%dma_start3A_343 : memref<64xf32, #tpu.memory_space<hbm>>) target(%dma_start3A_340 : memref<64xf32, #tpu.memory_space<vmem>>) target_semaphore(%arg12 : memref<!tpu.dma_semaphore, #tpu.memory_space<semaphore_mem>>)
      %slice3A_344 = vector.extract_strided_slice %get3A_232 {offsets = [3], sizes = [1], strides = [1]} : vector<16xi32> to vector<1xi32>
      %squeeze3A_345 = vector.extract %slice3A_344[0] : i32 from vector<1xi32>
      %dma_start3A_346 = arith.constant 0 : i32
      %dma_start3A_347 = tpu.memref_slice %arg10[%add3A_329, %dma_start3A_346] : memref<256x64xf32, #tpu.memory_space<vmem>> -> memref<1x64xf32, #tpu.memory_space<vmem>>
      %dma_start3A_348 = tpu.memref_squeeze %dma_start3A_347 : memref<1x64xf32, #tpu.memory_space<vmem>> -> memref<64xf32, #tpu.memory_space<vmem>>
      %dma_start3A_349 = arith.constant 0 : i32
      %dma_start3A_350 = tpu.memref_slice %arg5[%squeeze3A_345, %dma_start3A_349] : memref<1000000x64xf32, #tpu.memory_space<hbm>> -> memref<1x64xf32, #tpu.memory_space<hbm>>
      %dma_start3A_351 = tpu.memref_squeeze %dma_start3A_350 : memref<1x64xf32, #tpu.memory_space<hbm>> -> memref<64xf32, #tpu.memory_space<hbm>>
      %dma_start3A_352 = arith.constant 0 : i32
      %dma_start3A_353 = tpu.memref_slice %arg10[%add3A_329, %dma_start3A_352] : memref<256x64xf32, #tpu.memory_space<vmem>> -> memref<1x64xf32, #tpu.memory_space<vmem>>
      %dma_start3A_354 = tpu.memref_squeeze %dma_start3A_353 : memref<1x64xf32, #tpu.memory_space<vmem>> -> memref<64xf32, #tpu.memory_space<vmem>>
      %dma_start3A_355 = arith.constant 0 : i32
      %dma_start3A_356 = tpu.memref_slice %arg5[%squeeze3A_345, %dma_start3A_355] : memref<1000000x64xf32, #tpu.memory_space<hbm>> -> memref<1x64xf32, #tpu.memory_space<hbm>>
      %dma_start3A_357 = tpu.memref_squeeze %dma_start3A_356 : memref<1x64xf32, #tpu.memory_space<hbm>> -> memref<64xf32, #tpu.memory_space<hbm>>
      tpu.enqueue_dma source(%dma_start3A_357 : memref<64xf32, #tpu.memory_space<hbm>>) target(%dma_start3A_354 : memref<64xf32, #tpu.memory_space<vmem>>) target_semaphore(%arg13 : memref<!tpu.dma_semaphore, #tpu.memory_space<semaphore_mem>>)
      %mul3A_358 = arith.constant 16 : i32
      %mul3A_359 = arith.muli %scan3A_219, %mul3A_358 : i32
      %add3A_360 = arith.constant 4 : i32
      %add3A_361 = arith.addi %mul3A_359, %add3A_360 : i32
      %slice3A_362 = vector.extract_strided_slice %get3A_225 {offsets = [4], sizes = [1], strides = [1]} : vector<16xi32> to vector<1xi32>
      %squeeze3A_363 = vector.extract %slice3A_362[0] : i32 from vector<1xi32>
      %dma_start3A_364 = arith.constant 0 : i32
      %dma_start3A_365 = tpu.memref_slice %arg9[%add3A_361, %dma_start3A_364] : memref<256x64xf32, #tpu.memory_space<vmem>> -> memref<1x64xf32, #tpu.memory_space<vmem>>
      %dma_start3A_366 = tpu.memref_squeeze %dma_start3A_365 : memref<1x64xf32, #tpu.memory_space<vmem>> -> memref<64xf32, #tpu.memory_space<vmem>>
      %dma_start3A_367 = arith.constant 0 : i32
      %dma_start3A_368 = tpu.memref_slice %arg4[%squeeze3A_363, %dma_start3A_367] : memref<1000000x64xf32, #tpu.memory_space<hbm>> -> memref<1x64xf32, #tpu.memory_space<hbm>>
      %dma_start3A_369 = tpu.memref_squeeze %dma_start3A_368 : memref<1x64xf32, #tpu.memory_space<hbm>> -> memref<64xf32, #tpu.memory_space<hbm>>
      %dma_start3A_370 = arith.constant 0 : i32
      %dma_start3A_371 = tpu.memref_slice %arg9[%add3A_361, %dma_start3A_370] : memref<256x64xf32, #tpu.memory_space<vmem>> -> memref<1x64xf32, #tpu.memory_space<vmem>>
      %dma_start3A_372 = tpu.memref_squeeze %dma_start3A_371 : memref<1x64xf32, #tpu.memory_space<vmem>> -> memref<64xf32, #tpu.memory_space<vmem>>
      %dma_start3A_373 = arith.constant 0 : i32
      %dma_start3A_374 = tpu.memref_slice %arg4[%squeeze3A_363, %dma_start3A_373] : memref<1000000x64xf32, #tpu.memory_space<hbm>> -> memref<1x64xf32, #tpu.memory_space<hbm>>
      %dma_start3A_375 = tpu.memref_squeeze %dma_start3A_374 : memref<1x64xf32, #tpu.memory_space<hbm>> -> memref<64xf32, #tpu.memory_space<hbm>>
      tpu.enqueue_dma source(%dma_start3A_375 : memref<64xf32, #tpu.memory_space<hbm>>) target(%dma_start3A_372 : memref<64xf32, #tpu.memory_space<vmem>>) target_semaphore(%arg12 : memref<!tpu.dma_semaphore, #tpu.memory_space<semaphore_mem>>)
      %slice3A_376 = vector.extract_strided_slice %get3A_232 {offsets = [4], sizes = [1], strides = [1]} : vector<16xi32> to vector<1xi32>
      %squeeze3A_377 = vector.extract %slice3A_376[0] : i32 from vector<1xi32>
      %dma_start3A_378 = arith.constant 0 : i32
      %dma_start3A_379 = tpu.memref_slice %arg10[%add3A_361, %dma_start3A_378] : memref<256x64xf32, #tpu.memory_space<vmem>> -> memref<1x64xf32, #tpu.memory_space<vmem>>
      %dma_start3A_380 = tpu.memref_squeeze %dma_start3A_379 : memref<1x64xf32, #tpu.memory_space<vmem>> -> memref<64xf32, #tpu.memory_space<vmem>>
      %dma_start3A_381 = arith.constant 0 : i32
      %dma_start3A_382 = tpu.memref_slice %arg5[%squeeze3A_377, %dma_start3A_381] : memref<1000000x64xf32, #tpu.memory_space<hbm>> -> memref<1x64xf32, #tpu.memory_space<hbm>>
      %dma_start3A_383 = tpu.memref_squeeze %dma_start3A_382 : memref<1x64xf32, #tpu.memory_space<hbm>> -> memref<64xf32, #tpu.memory_space<hbm>>
      %dma_start3A_384 = arith.constant 0 : i32
      %dma_start3A_385 = tpu.memref_slice %arg10[%add3A_361, %dma_start3A_384] : memref<256x64xf32, #tpu.memory_space<vmem>> -> memref<1x64xf32, #tpu.memory_space<vmem>>
      %dma_start3A_386 = tpu.memref_squeeze %dma_start3A_385 : memref<1x64xf32, #tpu.memory_space<vmem>> -> memref<64xf32, #tpu.memory_space<vmem>>
      %dma_start3A_387 = arith.constant 0 : i32
      %dma_start3A_388 = tpu.memref_slice %arg5[%squeeze3A_377, %dma_start3A_387] : memref<1000000x64xf32, #tpu.memory_space<hbm>> -> memref<1x64xf32, #tpu.memory_space<hbm>>
      %dma_start3A_389 = tpu.memref_squeeze %dma_start3A_388 : memref<1x64xf32, #tpu.memory_space<hbm>> -> memref<64xf32, #tpu.memory_space<hbm>>
      tpu.enqueue_dma source(%dma_start3A_389 : memref<64xf32, #tpu.memory_space<hbm>>) target(%dma_start3A_386 : memref<64xf32, #tpu.memory_space<vmem>>) target_semaphore(%arg13 : memref<!tpu.dma_semaphore, #tpu.memory_space<semaphore_mem>>)
      %mul3A_390 = arith.constant 16 : i32
      %mul3A_391 = arith.muli %scan3A_219, %mul3A_390 : i32
      %add3A_392 = arith.constant 5 : i32
      %add3A_393 = arith.addi %mul3A_391, %add3A_392 : i32
      %slice3A_394 = vector.extract_strided_slice %get3A_225 {offsets = [5], sizes = [1], strides = [1]} : vector<16xi32> to vector<1xi32>
      %squeeze3A_395 = vector.extract %slice3A_394[0] : i32 from vector<1xi32>
      %dma_start3A_396 = arith.constant 0 : i32
      %dma_start3A_397 = tpu.memref_slice %arg9[%add3A_393, %dma_start3A_396] : memref<256x64xf32, #tpu.memory_space<vmem>> -> memref<1x64xf32, #tpu.memory_space<vmem>>
      %dma_start3A_398 = tpu.memref_squeeze %dma_start3A_397 : memref<1x64xf32, #tpu.memory_space<vmem>> -> memref<64xf32, #tpu.memory_space<vmem>>
      %dma_start3A_399 = arith.constant 0 : i32
      %dma_start3A_400 = tpu.memref_slice %arg4[%squeeze3A_395, %dma_start3A_399] : memref<1000000x64xf32, #tpu.memory_space<hbm>> -> memref<1x64xf32, #tpu.memory_space<hbm>>
      %dma_start3A_401 = tpu.memref_squeeze %dma_start3A_400 : memref<1x64xf32, #tpu.memory_space<hbm>> -> memref<64xf32, #tpu.memory_space<hbm>>
      %dma_start3A_402 = arith.constant 0 : i32
      %dma_start3A_403 = tpu.memref_slice %arg9[%add3A_393, %dma_start3A_402] : memref<256x64xf32, #tpu.memory_space<vmem>> -> memref<1x64xf32, #tpu.memory_space<vmem>>
      %dma_start3A_404 = tpu.memref_squeeze %dma_start3A_403 : memref<1x64xf32, #tpu.memory_space<vmem>> -> memref<64xf32, #tpu.memory_space<vmem>>
      %dma_start3A_405 = arith.constant 0 : i32
      %dma_start3A_406 = tpu.memref_slice %arg4[%squeeze3A_395, %dma_start3A_405] : memref<1000000x64xf32, #tpu.memory_space<hbm>> -> memref<1x64xf32, #tpu.memory_space<hbm>>
      %dma_start3A_407 = tpu.memref_squeeze %dma_start3A_406 : memref<1x64xf32, #tpu.memory_space<hbm>> -> memref<64xf32, #tpu.memory_space<hbm>>
      tpu.enqueue_dma source(%dma_start3A_407 : memref<64xf32, #tpu.memory_space<hbm>>) target(%dma_start3A_404 : memref<64xf32, #tpu.memory_space<vmem>>) target_semaphore(%arg12 : memref<!tpu.dma_semaphore, #tpu.memory_space<semaphore_mem>>)
      %slice3A_408 = vector.extract_strided_slice %get3A_232 {offsets = [5], sizes = [1], strides = [1]} : vector<16xi32> to vector<1xi32>
      %squeeze3A_409 = vector.extract %slice3A_408[0] : i32 from vector<1xi32>
      %dma_start3A_410 = arith.constant 0 : i32
      %dma_start3A_411 = tpu.memref_slice %arg10[%add3A_393, %dma_start3A_410] : memref<256x64xf32, #tpu.memory_space<vmem>> -> memref<1x64xf32, #tpu.memory_space<vmem>>
      %dma_start3A_412 = tpu.memref_squeeze %dma_start3A_411 : memref<1x64xf32, #tpu.memory_space<vmem>> -> memref<64xf32, #tpu.memory_space<vmem>>
      %dma_start3A_413 = arith.constant 0 : i32
      %dma_start3A_414 = tpu.memref_slice %arg5[%squeeze3A_409, %dma_start3A_413] : memref<1000000x64xf32, #tpu.memory_space<hbm>> -> memref<1x64xf32, #tpu.memory_space<hbm>>
      %dma_start3A_415 = tpu.memref_squeeze %dma_start3A_414 : memref<1x64xf32, #tpu.memory_space<hbm>> -> memref<64xf32, #tpu.memory_space<hbm>>
      %dma_start3A_416 = arith.constant 0 : i32
      %dma_start3A_417 = tpu.memref_slice %arg10[%add3A_393, %dma_start3A_416] : memref<256x64xf32, #tpu.memory_space<vmem>> -> memref<1x64xf32, #tpu.memory_space<vmem>>
      %dma_start3A_418 = tpu.memref_squeeze %dma_start3A_417 : memref<1x64xf32, #tpu.memory_space<vmem>> -> memref<64xf32, #tpu.memory_space<vmem>>
      %dma_start3A_419 = arith.constant 0 : i32
      %dma_start3A_420 = tpu.memref_slice %arg5[%squeeze3A_409, %dma_start3A_419] : memref<1000000x64xf32, #tpu.memory_space<hbm>> -> memref<1x64xf32, #tpu.memory_space<hbm>>
      %dma_start3A_421 = tpu.memref_squeeze %dma_start3A_420 : memref<1x64xf32, #tpu.memory_space<hbm>> -> memref<64xf32, #tpu.memory_space<hbm>>
      tpu.enqueue_dma source(%dma_start3A_421 : memref<64xf32, #tpu.memory_space<hbm>>) target(%dma_start3A_418 : memref<64xf32, #tpu.memory_space<vmem>>) target_semaphore(%arg13 : memref<!tpu.dma_semaphore, #tpu.memory_space<semaphore_mem>>)
      %mul3A_422 = arith.constant 16 : i32
      %mul3A_423 = arith.muli %scan3A_219, %mul3A_422 : i32
      %add3A_424 = arith.constant 6 : i32
      %add3A_425 = arith.addi %mul3A_423, %add3A_424 : i32
      %slice3A_426 = vector.extract_strided_slice %get3A_225 {offsets = [6], sizes = [1], strides = [1]} : vector<16xi32> to vector<1xi32>
      %squeeze3A_427 = vector.extract %slice3A_426[0] : i32 from vector<1xi32>
      %dma_start3A_428 = arith.constant 0 : i32
      %dma_start3A_429 = tpu.memref_slice %arg9[%add3A_425, %dma_start3A_428] : memref<256x64xf32, #tpu.memory_space<vmem>> -> memref<1x64xf32, #tpu.memory_space<vmem>>
      %dma_start3A_430 = tpu.memref_squeeze %dma_start3A_429 : memref<1x64xf32, #tpu.memory_space<vmem>> -> memref<64xf32, #tpu.memory_space<vmem>>
      %dma_start3A_431 = arith.constant 0 : i32
      %dma_start3A_432 = tpu.memref_slice %arg4[%squeeze3A_427, %dma_start3A_431] : memref<1000000x64xf32, #tpu.memory_space<hbm>> -> memref<1x64xf32, #tpu.memory_space<hbm>>
      %dma_start3A_433 = tpu.memref_squeeze %dma_start3A_432 : memref<1x64xf32, #tpu.memory_space<hbm>> -> memref<64xf32, #tpu.memory_space<hbm>>
      %dma_start3A_434 = arith.constant 0 : i32
      %dma_start3A_435 = tpu.memref_slice %arg9[%add3A_425, %dma_start3A_434] : memref<256x64xf32, #tpu.memory_space<vmem>> -> memref<1x64xf32, #tpu.memory_space<vmem>>
      %dma_start3A_436 = tpu.memref_squeeze %dma_start3A_435 : memref<1x64xf32, #tpu.memory_space<vmem>> -> memref<64xf32, #tpu.memory_space<vmem>>
      %dma_start3A_437 = arith.constant 0 : i32
      %dma_start3A_438 = tpu.memref_slice %arg4[%squeeze3A_427, %dma_start3A_437] : memref<1000000x64xf32, #tpu.memory_space<hbm>> -> memref<1x64xf32, #tpu.memory_space<hbm>>
      %dma_start3A_439 = tpu.memref_squeeze %dma_start3A_438 : memref<1x64xf32, #tpu.memory_space<hbm>> -> memref<64xf32, #tpu.memory_space<hbm>>
      tpu.enqueue_dma source(%dma_start3A_439 : memref<64xf32, #tpu.memory_space<hbm>>) target(%dma_start3A_436 : memref<64xf32, #tpu.memory_space<vmem>>) target_semaphore(%arg12 : memref<!tpu.dma_semaphore, #tpu.memory_space<semaphore_mem>>)
      %slice3A_440 = vector.extract_strided_slice %get3A_232 {offsets = [6], sizes = [1], strides = [1]} : vector<16xi32> to vector<1xi32>
      %squeeze3A_441 = vector.extract %slice3A_440[0] : i32 from vector<1xi32>
      %dma_start3A_442 = arith.constant 0 : i32
      %dma_start3A_443 = tpu.memref_slice %arg10[%add3A_425, %dma_start3A_442] : memref<256x64xf32, #tpu.memory_space<vmem>> -> memref<1x64xf32, #tpu.memory_space<vmem>>
      %dma_start3A_444 = tpu.memref_squeeze %dma_start3A_443 : memref<1x64xf32, #tpu.memory_space<vmem>> -> memref<64xf32, #tpu.memory_space<vmem>>
      %dma_start3A_445 = arith.constant 0 : i32
      %dma_start3A_446 = tpu.memref_slice %arg5[%squeeze3A_441, %dma_start3A_445] : memref<1000000x64xf32, #tpu.memory_space<hbm>> -> memref<1x64xf32, #tpu.memory_space<hbm>>
      %dma_start3A_447 = tpu.memref_squeeze %dma_start3A_446 : memref<1x64xf32, #tpu.memory_space<hbm>> -> memref<64xf32, #tpu.memory_space<hbm>>
      %dma_start3A_448 = arith.constant 0 : i32
      %dma_start3A_449 = tpu.memref_slice %arg10[%add3A_425, %dma_start3A_448] : memref<256x64xf32, #tpu.memory_space<vmem>> -> memref<1x64xf32, #tpu.memory_space<vmem>>
      %dma_start3A_450 = tpu.memref_squeeze %dma_start3A_449 : memref<1x64xf32, #tpu.memory_space<vmem>> -> memref<64xf32, #tpu.memory_space<vmem>>
      %dma_start3A_451 = arith.constant 0 : i32
      %dma_start3A_452 = tpu.memref_slice %arg5[%squeeze3A_441, %dma_start3A_451] : memref<1000000x64xf32, #tpu.memory_space<hbm>> -> memref<1x64xf32, #tpu.memory_space<hbm>>
      %dma_start3A_453 = tpu.memref_squeeze %dma_start3A_452 : memref<1x64xf32, #tpu.memory_space<hbm>> -> memref<64xf32, #tpu.memory_space<hbm>>
      tpu.enqueue_dma source(%dma_start3A_453 : memref<64xf32, #tpu.memory_space<hbm>>) target(%dma_start3A_450 : memref<64xf32, #tpu.memory_space<vmem>>) target_semaphore(%arg13 : memref<!tpu.dma_semaphore, #tpu.memory_space<semaphore_mem>>)
      %mul3A_454 = arith.constant 16 : i32
      %mul3A_455 = arith.muli %scan3A_219, %mul3A_454 : i32
      %add3A_456 = arith.constant 7 : i32
      %add3A_457 = arith.addi %mul3A_455, %add3A_456 : i32
      %slice3A_458 = vector.extract_strided_slice %get3A_225 {offsets = [7], sizes = [1], strides = [1]} : vector<16xi32> to vector<1xi32>
      %squeeze3A_459 = vector.extract %slice3A_458[0] : i32 from vector<1xi32>
      %dma_start3A_460 = arith.constant 0 : i32
      %dma_start3A_461 = tpu.memref_slice %arg9[%add3A_457, %dma_start3A_460] : memref<256x64xf32, #tpu.memory_space<vmem>> -> memref<1x64xf32, #tpu.memory_space<vmem>>
      %dma_start3A_462 = tpu.memref_squeeze %dma_start3A_461 : memref<1x64xf32, #tpu.memory_space<vmem>> -> memref<64xf32, #tpu.memory_space<vmem>>
      %dma_start3A_463 = arith.constant 0 : i32
      %dma_start3A_464 = tpu.memref_slice %arg4[%squeeze3A_459, %dma_start3A_463] : memref<1000000x64xf32, #tpu.memory_space<hbm>> -> memref<1x64xf32, #tpu.memory_space<hbm>>
      %dma_start3A_465 = tpu.memref_squeeze %dma_start3A_464 : memref<1x64xf32, #tpu.memory_space<hbm>> -> memref<64xf32, #tpu.memory_space<hbm>>
      %dma_start3A_466 = arith.constant 0 : i32
      %dma_start3A_467 = tpu.memref_slice %arg9[%add3A_457, %dma_start3A_466] : memref<256x64xf32, #tpu.memory_space<vmem>> -> memref<1x64xf32, #tpu.memory_space<vmem>>
      %dma_start3A_468 = tpu.memref_squeeze %dma_start3A_467 : memref<1x64xf32, #tpu.memory_space<vmem>> -> memref<64xf32, #tpu.memory_space<vmem>>
      %dma_start3A_469 = arith.constant 0 : i32
      %dma_start3A_470 = tpu.memref_slice %arg4[%squeeze3A_459, %dma_start3A_469] : memref<1000000x64xf32, #tpu.memory_space<hbm>> -> memref<1x64xf32, #tpu.memory_space<hbm>>
      %dma_start3A_471 = tpu.memref_squeeze %dma_start3A_470 : memref<1x64xf32, #tpu.memory_space<hbm>> -> memref<64xf32, #tpu.memory_space<hbm>>
      tpu.enqueue_dma source(%dma_start3A_471 : memref<64xf32, #tpu.memory_space<hbm>>) target(%dma_start3A_468 : memref<64xf32, #tpu.memory_space<vmem>>) target_semaphore(%arg12 : memref<!tpu.dma_semaphore, #tpu.memory_space<semaphore_mem>>)
      %slice3A_472 = vector.extract_strided_slice %get3A_232 {offsets = [7], sizes = [1], strides = [1]} : vector<16xi32> to vector<1xi32>
      %squeeze3A_473 = vector.extract %slice3A_472[0] : i32 from vector<1xi32>
      %dma_start3A_474 = arith.constant 0 : i32
      %dma_start3A_475 = tpu.memref_slice %arg10[%add3A_457, %dma_start3A_474] : memref<256x64xf32, #tpu.memory_space<vmem>> -> memref<1x64xf32, #tpu.memory_space<vmem>>
      %dma_start3A_476 = tpu.memref_squeeze %dma_start3A_475 : memref<1x64xf32, #tpu.memory_space<vmem>> -> memref<64xf32, #tpu.memory_space<vmem>>
      %dma_start3A_477 = arith.constant 0 : i32
      %dma_start3A_478 = tpu.memref_slice %arg5[%squeeze3A_473, %dma_start3A_477] : memref<1000000x64xf32, #tpu.memory_space<hbm>> -> memref<1x64xf32, #tpu.memory_space<hbm>>
      %dma_start3A_479 = tpu.memref_squeeze %dma_start3A_478 : memref<1x64xf32, #tpu.memory_space<hbm>> -> memref<64xf32, #tpu.memory_space<hbm>>
      %dma_start3A_480 = arith.constant 0 : i32
      %dma_start3A_481 = tpu.memref_slice %arg10[%add3A_457, %dma_start3A_480] : memref<256x64xf32, #tpu.memory_space<vmem>> -> memref<1x64xf32, #tpu.memory_space<vmem>>
      %dma_start3A_482 = tpu.memref_squeeze %dma_start3A_481 : memref<1x64xf32, #tpu.memory_space<vmem>> -> memref<64xf32, #tpu.memory_space<vmem>>
      %dma_start3A_483 = arith.constant 0 : i32
      %dma_start3A_484 = tpu.memref_slice %arg5[%squeeze3A_473, %dma_start3A_483] : memref<1000000x64xf32, #tpu.memory_space<hbm>> -> memref<1x64xf32, #tpu.memory_space<hbm>>
      %dma_start3A_485 = tpu.memref_squeeze %dma_start3A_484 : memref<1x64xf32, #tpu.memory_space<hbm>> -> memref<64xf32, #tpu.memory_space<hbm>>
      tpu.enqueue_dma source(%dma_start3A_485 : memref<64xf32, #tpu.memory_space<hbm>>) target(%dma_start3A_482 : memref<64xf32, #tpu.memory_space<vmem>>) target_semaphore(%arg13 : memref<!tpu.dma_semaphore, #tpu.memory_space<semaphore_mem>>)
      %mul3A_486 = arith.constant 16 : i32
      %mul3A_487 = arith.muli %scan3A_219, %mul3A_486 : i32
      %add3A_488 = arith.constant 8 : i32
      %add3A_489 = arith.addi %mul3A_487, %add3A_488 : i32
      %slice3A_490 = vector.extract_strided_slice %get3A_225 {offsets = [8], sizes = [1], strides = [1]} : vector<16xi32> to vector<1xi32>
      %squeeze3A_491 = vector.extract %slice3A_490[0] : i32 from vector<1xi32>
      %dma_start3A_492 = arith.constant 0 : i32
      %dma_start3A_493 = tpu.memref_slice %arg9[%add3A_489, %dma_start3A_492] : memref<256x64xf32, #tpu.memory_space<vmem>> -> memref<1x64xf32, #tpu.memory_space<vmem>>
      %dma_start3A_494 = tpu.memref_squeeze %dma_start3A_493 : memref<1x64xf32, #tpu.memory_space<vmem>> -> memref<64xf32, #tpu.memory_space<vmem>>
      %dma_start3A_495 = arith.constant 0 : i32
      %dma_start3A_496 = tpu.memref_slice %arg4[%squeeze3A_491, %dma_start3A_495] : memref<1000000x64xf32, #tpu.memory_space<hbm>> -> memref<1x64xf32, #tpu.memory_space<hbm>>
      %dma_start3A_497 = tpu.memref_squeeze %dma_start3A_496 : memref<1x64xf32, #tpu.memory_space<hbm>> -> memref<64xf32, #tpu.memory_space<hbm>>
      %dma_start3A_498 = arith.constant 0 : i32
      %dma_start3A_499 = tpu.memref_slice %arg9[%add3A_489, %dma_start3A_498] : memref<256x64xf32, #tpu.memory_space<vmem>> -> memref<1x64xf32, #tpu.memory_space<vmem>>
      %dma_start3A_500 = tpu.memref_squeeze %dma_start3A_499 : memref<1x64xf32, #tpu.memory_space<vmem>> -> memref<64xf32, #tpu.memory_space<vmem>>
      %dma_start3A_501 = arith.constant 0 : i32
      %dma_start3A_502 = tpu.memref_slice %arg4[%squeeze3A_491, %dma_start3A_501] : memref<1000000x64xf32, #tpu.memory_space<hbm>> -> memref<1x64xf32, #tpu.memory_space<hbm>>
      %dma_start3A_503 = tpu.memref_squeeze %dma_start3A_502 : memref<1x64xf32, #tpu.memory_space<hbm>> -> memref<64xf32, #tpu.memory_space<hbm>>
      tpu.enqueue_dma source(%dma_start3A_503 : memref<64xf32, #tpu.memory_space<hbm>>) target(%dma_start3A_500 : memref<64xf32, #tpu.memory_space<vmem>>) target_semaphore(%arg12 : memref<!tpu.dma_semaphore, #tpu.memory_space<semaphore_mem>>)
      %slice3A_504 = vector.extract_strided_slice %get3A_232 {offsets = [8], sizes = [1], strides = [1]} : vector<16xi32> to vector<1xi32>
      %squeeze3A_505 = vector.extract %slice3A_504[0] : i32 from vector<1xi32>
      %dma_start3A_506 = arith.constant 0 : i32
      %dma_start3A_507 = tpu.memref_slice %arg10[%add3A_489, %dma_start3A_506] : memref<256x64xf32, #tpu.memory_space<vmem>> -> memref<1x64xf32, #tpu.memory_space<vmem>>
      %dma_start3A_508 = tpu.memref_squeeze %dma_start3A_507 : memref<1x64xf32, #tpu.memory_space<vmem>> -> memref<64xf32, #tpu.memory_space<vmem>>
      %dma_start3A_509 = arith.constant 0 : i32
      %dma_start3A_510 = tpu.memref_slice %arg5[%squeeze3A_505, %dma_start3A_509] : memref<1000000x64xf32, #tpu.memory_space<hbm>> -> memref<1x64xf32, #tpu.memory_space<hbm>>
      %dma_start3A_511 = tpu.memref_squeeze %dma_start3A_510 : memref<1x64xf32, #tpu.memory_space<hbm>> -> memref<64xf32, #tpu.memory_space<hbm>>
      %dma_start3A_512 = arith.constant 0 : i32
      %dma_start3A_513 = tpu.memref_slice %arg10[%add3A_489, %dma_start3A_512] : memref<256x64xf32, #tpu.memory_space<vmem>> -> memref<1x64xf32, #tpu.memory_space<vmem>>
      %dma_start3A_514 = tpu.memref_squeeze %dma_start3A_513 : memref<1x64xf32, #tpu.memory_space<vmem>> -> memref<64xf32, #tpu.memory_space<vmem>>
      %dma_start3A_515 = arith.constant 0 : i32
      %dma_start3A_516 = tpu.memref_slice %arg5[%squeeze3A_505, %dma_start3A_515] : memref<1000000x64xf32, #tpu.memory_space<hbm>> -> memref<1x64xf32, #tpu.memory_space<hbm>>
      %dma_start3A_517 = tpu.memref_squeeze %dma_start3A_516 : memref<1x64xf32, #tpu.memory_space<hbm>> -> memref<64xf32, #tpu.memory_space<hbm>>
      tpu.enqueue_dma source(%dma_start3A_517 : memref<64xf32, #tpu.memory_space<hbm>>) target(%dma_start3A_514 : memref<64xf32, #tpu.memory_space<vmem>>) target_semaphore(%arg13 : memref<!tpu.dma_semaphore, #tpu.memory_space<semaphore_mem>>)
      %mul3A_518 = arith.constant 16 : i32
      %mul3A_519 = arith.muli %scan3A_219, %mul3A_518 : i32
      %add3A_520 = arith.constant 9 : i32
      %add3A_521 = arith.addi %mul3A_519, %add3A_520 : i32
      %slice3A_522 = vector.extract_strided_slice %get3A_225 {offsets = [9], sizes = [1], strides = [1]} : vector<16xi32> to vector<1xi32>
      %squeeze3A_523 = vector.extract %slice3A_522[0] : i32 from vector<1xi32>
      %dma_start3A_524 = arith.constant 0 : i32
      %dma_start3A_525 = tpu.memref_slice %arg9[%add3A_521, %dma_start3A_524] : memref<256x64xf32, #tpu.memory_space<vmem>> -> memref<1x64xf32, #tpu.memory_space<vmem>>
      %dma_start3A_526 = tpu.memref_squeeze %dma_start3A_525 : memref<1x64xf32, #tpu.memory_space<vmem>> -> memref<64xf32, #tpu.memory_space<vmem>>
      %dma_start3A_527 = arith.constant 0 : i32
      %dma_start3A_528 = tpu.memref_slice %arg4[%squeeze3A_523, %dma_start3A_527] : memref<1000000x64xf32, #tpu.memory_space<hbm>> -> memref<1x64xf32, #tpu.memory_space<hbm>>
      %dma_start3A_529 = tpu.memref_squeeze %dma_start3A_528 : memref<1x64xf32, #tpu.memory_space<hbm>> -> memref<64xf32, #tpu.memory_space<hbm>>
      %dma_start3A_530 = arith.constant 0 : i32
      %dma_start3A_531 = tpu.memref_slice %arg9[%add3A_521, %dma_start3A_530] : memref<256x64xf32, #tpu.memory_space<vmem>> -> memref<1x64xf32, #tpu.memory_space<vmem>>
      %dma_start3A_532 = tpu.memref_squeeze %dma_start3A_531 : memref<1x64xf32, #tpu.memory_space<vmem>> -> memref<64xf32, #tpu.memory_space<vmem>>
      %dma_start3A_533 = arith.constant 0 : i32
      %dma_start3A_534 = tpu.memref_slice %arg4[%squeeze3A_523, %dma_start3A_533] : memref<1000000x64xf32, #tpu.memory_space<hbm>> -> memref<1x64xf32, #tpu.memory_space<hbm>>
      %dma_start3A_535 = tpu.memref_squeeze %dma_start3A_534 : memref<1x64xf32, #tpu.memory_space<hbm>> -> memref<64xf32, #tpu.memory_space<hbm>>
      tpu.enqueue_dma source(%dma_start3A_535 : memref<64xf32, #tpu.memory_space<hbm>>) target(%dma_start3A_532 : memref<64xf32, #tpu.memory_space<vmem>>) target_semaphore(%arg12 : memref<!tpu.dma_semaphore, #tpu.memory_space<semaphore_mem>>)
      %slice3A_536 = vector.extract_strided_slice %get3A_232 {offsets = [9], sizes = [1], strides = [1]} : vector<16xi32> to vector<1xi32>
      %squeeze3A_537 = vector.extract %slice3A_536[0] : i32 from vector<1xi32>
      %dma_start3A_538 = arith.constant 0 : i32
      %dma_start3A_539 = tpu.memref_slice %arg10[%add3A_521, %dma_start3A_538] : memref<256x64xf32, #tpu.memory_space<vmem>> -> memref<1x64xf32, #tpu.memory_space<vmem>>
      %dma_start3A_540 = tpu.memref_squeeze %dma_start3A_539 : memref<1x64xf32, #tpu.memory_space<vmem>> -> memref<64xf32, #tpu.memory_space<vmem>>
      %dma_start3A_541 = arith.constant 0 : i32
      %dma_start3A_542 = tpu.memref_slice %arg5[%squeeze3A_537, %dma_start3A_541] : memref<1000000x64xf32, #tpu.memory_space<hbm>> -> memref<1x64xf32, #tpu.memory_space<hbm>>
      %dma_start3A_543 = tpu.memref_squeeze %dma_start3A_542 : memref<1x64xf32, #tpu.memory_space<hbm>> -> memref<64xf32, #tpu.memory_space<hbm>>
      %dma_start3A_544 = arith.constant 0 : i32
      %dma_start3A_545 = tpu.memref_slice %arg10[%add3A_521, %dma_start3A_544] : memref<256x64xf32, #tpu.memory_space<vmem>> -> memref<1x64xf32, #tpu.memory_space<vmem>>
      %dma_start3A_546 = tpu.memref_squeeze %dma_start3A_545 : memref<1x64xf32, #tpu.memory_space<vmem>> -> memref<64xf32, #tpu.memory_space<vmem>>
      %dma_start3A_547 = arith.constant 0 : i32
      %dma_start3A_548 = tpu.memref_slice %arg5[%squeeze3A_537, %dma_start3A_547] : memref<1000000x64xf32, #tpu.memory_space<hbm>> -> memref<1x64xf32, #tpu.memory_space<hbm>>
      %dma_start3A_549 = tpu.memref_squeeze %dma_start3A_548 : memref<1x64xf32, #tpu.memory_space<hbm>> -> memref<64xf32, #tpu.memory_space<hbm>>
      tpu.enqueue_dma source(%dma_start3A_549 : memref<64xf32, #tpu.memory_space<hbm>>) target(%dma_start3A_546 : memref<64xf32, #tpu.memory_space<vmem>>) target_semaphore(%arg13 : memref<!tpu.dma_semaphore, #tpu.memory_space<semaphore_mem>>)
      %mul3A_550 = arith.constant 16 : i32
      %mul3A_551 = arith.muli %scan3A_219, %mul3A_550 : i32
      %add3A_552 = arith.constant 10 : i32
      %add3A_553 = arith.addi %mul3A_551, %add3A_552 : i32
      %slice3A_554 = vector.extract_strided_slice %get3A_225 {offsets = [10], sizes = [1], strides = [1]} : vector<16xi32> to vector<1xi32>
      %squeeze3A_555 = vector.extract %slice3A_554[0] : i32 from vector<1xi32>
      %dma_start3A_556 = arith.constant 0 : i32
      %dma_start3A_557 = tpu.memref_slice %arg9[%add3A_553, %dma_start3A_556] : memref<256x64xf32, #tpu.memory_space<vmem>> -> memref<1x64xf32, #tpu.memory_space<vmem>>
      %dma_start3A_558 = tpu.memref_squeeze %dma_start3A_557 : memref<1x64xf32, #tpu.memory_space<vmem>> -> memref<64xf32, #tpu.memory_space<vmem>>
      %dma_start3A_559 = arith.constant 0 : i32
      %dma_start3A_560 = tpu.memref_slice %arg4[%squeeze3A_555, %dma_start3A_559] : memref<1000000x64xf32, #tpu.memory_space<hbm>> -> memref<1x64xf32, #tpu.memory_space<hbm>>
      %dma_start3A_561 = tpu.memref_squeeze %dma_start3A_560 : memref<1x64xf32, #tpu.memory_space<hbm>> -> memref<64xf32, #tpu.memory_space<hbm>>
      %dma_start3A_562 = arith.constant 0 : i32
      %dma_start3A_563 = tpu.memref_slice %arg9[%add3A_553, %dma_start3A_562] : memref<256x64xf32, #tpu.memory_space<vmem>> -> memref<1x64xf32, #tpu.memory_space<vmem>>
      %dma_start3A_564 = tpu.memref_squeeze %dma_start3A_563 : memref<1x64xf32, #tpu.memory_space<vmem>> -> memref<64xf32, #tpu.memory_space<vmem>>
      %dma_start3A_565 = arith.constant 0 : i32
      %dma_start3A_566 = tpu.memref_slice %arg4[%squeeze3A_555, %dma_start3A_565] : memref<1000000x64xf32, #tpu.memory_space<hbm>> -> memref<1x64xf32, #tpu.memory_space<hbm>>
      %dma_start3A_567 = tpu.memref_squeeze %dma_start3A_566 : memref<1x64xf32, #tpu.memory_space<hbm>> -> memref<64xf32, #tpu.memory_space<hbm>>
      tpu.enqueue_dma source(%dma_start3A_567 : memref<64xf32, #tpu.memory_space<hbm>>) target(%dma_start3A_564 : memref<64xf32, #tpu.memory_space<vmem>>) target_semaphore(%arg12 : memref<!tpu.dma_semaphore, #tpu.memory_space<semaphore_mem>>)
      %slice3A_568 = vector.extract_strided_slice %get3A_232 {offsets = [10], sizes = [1], strides = [1]} : vector<16xi32> to vector<1xi32>
      %squeeze3A_569 = vector.extract %slice3A_568[0] : i32 from vector<1xi32>
      %dma_start3A_570 = arith.constant 0 : i32
      %dma_start3A_571 = tpu.memref_slice %arg10[%add3A_553, %dma_start3A_570] : memref<256x64xf32, #tpu.memory_space<vmem>> -> memref<1x64xf32, #tpu.memory_space<vmem>>
      %dma_start3A_572 = tpu.memref_squeeze %dma_start3A_571 : memref<1x64xf32, #tpu.memory_space<vmem>> -> memref<64xf32, #tpu.memory_space<vmem>>
      %dma_start3A_573 = arith.constant 0 : i32
      %dma_start3A_574 = tpu.memref_slice %arg5[%squeeze3A_569, %dma_start3A_573] : memref<1000000x64xf32, #tpu.memory_space<hbm>> -> memref<1x64xf32, #tpu.memory_space<hbm>>
      %dma_start3A_575 = tpu.memref_squeeze %dma_start3A_574 : memref<1x64xf32, #tpu.memory_space<hbm>> -> memref<64xf32, #tpu.memory_space<hbm>>
      %dma_start3A_576 = arith.constant 0 : i32
      %dma_start3A_577 = tpu.memref_slice %arg10[%add3A_553, %dma_start3A_576] : memref<256x64xf32, #tpu.memory_space<vmem>> -> memref<1x64xf32, #tpu.memory_space<vmem>>
      %dma_start3A_578 = tpu.memref_squeeze %dma_start3A_577 : memref<1x64xf32, #tpu.memory_space<vmem>> -> memref<64xf32, #tpu.memory_space<vmem>>
      %dma_start3A_579 = arith.constant 0 : i32
      %dma_start3A_580 = tpu.memref_slice %arg5[%squeeze3A_569, %dma_start3A_579] : memref<1000000x64xf32, #tpu.memory_space<hbm>> -> memref<1x64xf32, #tpu.memory_space<hbm>>
      %dma_start3A_581 = tpu.memref_squeeze %dma_start3A_580 : memref<1x64xf32, #tpu.memory_space<hbm>> -> memref<64xf32, #tpu.memory_space<hbm>>
      tpu.enqueue_dma source(%dma_start3A_581 : memref<64xf32, #tpu.memory_space<hbm>>) target(%dma_start3A_578 : memref<64xf32, #tpu.memory_space<vmem>>) target_semaphore(%arg13 : memref<!tpu.dma_semaphore, #tpu.memory_space<semaphore_mem>>)
      %mul3A_582 = arith.constant 16 : i32
      %mul3A_583 = arith.muli %scan3A_219, %mul3A_582 : i32
      %add3A_584 = arith.constant 11 : i32
      %add3A_585 = arith.addi %mul3A_583, %add3A_584 : i32
      %slice3A_586 = vector.extract_strided_slice %get3A_225 {offsets = [11], sizes = [1], strides = [1]} : vector<16xi32> to vector<1xi32>
      %squeeze3A_587 = vector.extract %slice3A_586[0] : i32 from vector<1xi32>
      %dma_start3A_588 = arith.constant 0 : i32
      %dma_start3A_589 = tpu.memref_slice %arg9[%add3A_585, %dma_start3A_588] : memref<256x64xf32, #tpu.memory_space<vmem>> -> memref<1x64xf32, #tpu.memory_space<vmem>>
      %dma_start3A_590 = tpu.memref_squeeze %dma_start3A_589 : memref<1x64xf32, #tpu.memory_space<vmem>> -> memref<64xf32, #tpu.memory_space<vmem>>
      %dma_start3A_591 = arith.constant 0 : i32
      %dma_start3A_592 = tpu.memref_slice %arg4[%squeeze3A_587, %dma_start3A_591] : memref<1000000x64xf32, #tpu.memory_space<hbm>> -> memref<1x64xf32, #tpu.memory_space<hbm>>
      %dma_start3A_593 = tpu.memref_squeeze %dma_start3A_592 : memref<1x64xf32, #tpu.memory_space<hbm>> -> memref<64xf32, #tpu.memory_space<hbm>>
      %dma_start3A_594 = arith.constant 0 : i32
      %dma_start3A_595 = tpu.memref_slice %arg9[%add3A_585, %dma_start3A_594] : memref<256x64xf32, #tpu.memory_space<vmem>> -> memref<1x64xf32, #tpu.memory_space<vmem>>
      %dma_start3A_596 = tpu.memref_squeeze %dma_start3A_595 : memref<1x64xf32, #tpu.memory_space<vmem>> -> memref<64xf32, #tpu.memory_space<vmem>>
      %dma_start3A_597 = arith.constant 0 : i32
      %dma_start3A_598 = tpu.memref_slice %arg4[%squeeze3A_587, %dma_start3A_597] : memref<1000000x64xf32, #tpu.memory_space<hbm>> -> memref<1x64xf32, #tpu.memory_space<hbm>>
      %dma_start3A_599 = tpu.memref_squeeze %dma_start3A_598 : memref<1x64xf32, #tpu.memory_space<hbm>> -> memref<64xf32, #tpu.memory_space<hbm>>
      tpu.enqueue_dma source(%dma_start3A_599 : memref<64xf32, #tpu.memory_space<hbm>>) target(%dma_start3A_596 : memref<64xf32, #tpu.memory_space<vmem>>) target_semaphore(%arg12 : memref<!tpu.dma_semaphore, #tpu.memory_space<semaphore_mem>>)
      %slice3A_600 = vector.extract_strided_slice %get3A_232 {offsets = [11], sizes = [1], strides = [1]} : vector<16xi32> to vector<1xi32>
      %squeeze3A_601 = vector.extract %slice3A_600[0] : i32 from vector<1xi32>
      %dma_start3A_602 = arith.constant 0 : i32
      %dma_start3A_603 = tpu.memref_slice %arg10[%add3A_585, %dma_start3A_602] : memref<256x64xf32, #tpu.memory_space<vmem>> -> memref<1x64xf32, #tpu.memory_space<vmem>>
      %dma_start3A_604 = tpu.memref_squeeze %dma_start3A_603 : memref<1x64xf32, #tpu.memory_space<vmem>> -> memref<64xf32, #tpu.memory_space<vmem>>
      %dma_start3A_605 = arith.constant 0 : i32
      %dma_start3A_606 = tpu.memref_slice %arg5[%squeeze3A_601, %dma_start3A_605] : memref<1000000x64xf32, #tpu.memory_space<hbm>> -> memref<1x64xf32, #tpu.memory_space<hbm>>
      %dma_start3A_607 = tpu.memref_squeeze %dma_start3A_606 : memref<1x64xf32, #tpu.memory_space<hbm>> -> memref<64xf32, #tpu.memory_space<hbm>>
      %dma_start3A_608 = arith.constant 0 : i32
      %dma_start3A_609 = tpu.memref_slice %arg10[%add3A_585, %dma_start3A_608] : memref<256x64xf32, #tpu.memory_space<vmem>> -> memref<1x64xf32, #tpu.memory_space<vmem>>
      %dma_start3A_610 = tpu.memref_squeeze %dma_start3A_609 : memref<1x64xf32, #tpu.memory_space<vmem>> -> memref<64xf32, #tpu.memory_space<vmem>>
      %dma_start3A_611 = arith.constant 0 : i32
      %dma_start3A_612 = tpu.memref_slice %arg5[%squeeze3A_601, %dma_start3A_611] : memref<1000000x64xf32, #tpu.memory_space<hbm>> -> memref<1x64xf32, #tpu.memory_space<hbm>>
      %dma_start3A_613 = tpu.memref_squeeze %dma_start3A_612 : memref<1x64xf32, #tpu.memory_space<hbm>> -> memref<64xf32, #tpu.memory_space<hbm>>
      tpu.enqueue_dma source(%dma_start3A_613 : memref<64xf32, #tpu.memory_space<hbm>>) target(%dma_start3A_610 : memref<64xf32, #tpu.memory_space<vmem>>) target_semaphore(%arg13 : memref<!tpu.dma_semaphore, #tpu.memory_space<semaphore_mem>>)
      %mul3A_614 = arith.constant 16 : i32
      %mul3A_615 = arith.muli %scan3A_219, %mul3A_614 : i32
      %add3A_616 = arith.constant 12 : i32
      %add3A_617 = arith.addi %mul3A_615, %add3A_616 : i32
      %slice3A_618 = vector.extract_strided_slice %get3A_225 {offsets = [12], sizes = [1], strides = [1]} : vector<16xi32> to vector<1xi32>
      %squeeze3A_619 = vector.extract %slice3A_618[0] : i32 from vector<1xi32>
      %dma_start3A_620 = arith.constant 0 : i32
      %dma_start3A_621 = tpu.memref_slice %arg9[%add3A_617, %dma_start3A_620] : memref<256x64xf32, #tpu.memory_space<vmem>> -> memref<1x64xf32, #tpu.memory_space<vmem>>
      %dma_start3A_622 = tpu.memref_squeeze %dma_start3A_621 : memref<1x64xf32, #tpu.memory_space<vmem>> -> memref<64xf32, #tpu.memory_space<vmem>>
      %dma_start3A_623 = arith.constant 0 : i32
      %dma_start3A_624 = tpu.memref_slice %arg4[%squeeze3A_619, %dma_start3A_623] : memref<1000000x64xf32, #tpu.memory_space<hbm>> -> memref<1x64xf32, #tpu.memory_space<hbm>>
      %dma_start3A_625 = tpu.memref_squeeze %dma_start3A_624 : memref<1x64xf32, #tpu.memory_space<hbm>> -> memref<64xf32, #tpu.memory_space<hbm>>
      %dma_start3A_626 = arith.constant 0 : i32
      %dma_start3A_627 = tpu.memref_slice %arg9[%add3A_617, %dma_start3A_626] : memref<256x64xf32, #tpu.memory_space<vmem>> -> memref<1x64xf32, #tpu.memory_space<vmem>>
      %dma_start3A_628 = tpu.memref_squeeze %dma_start3A_627 : memref<1x64xf32, #tpu.memory_space<vmem>> -> memref<64xf32, #tpu.memory_space<vmem>>
      %dma_start3A_629 = arith.constant 0 : i32
      %dma_start3A_630 = tpu.memref_slice %arg4[%squeeze3A_619, %dma_start3A_629] : memref<1000000x64xf32, #tpu.memory_space<hbm>> -> memref<1x64xf32, #tpu.memory_space<hbm>>
      %dma_start3A_631 = tpu.memref_squeeze %dma_start3A_630 : memref<1x64xf32, #tpu.memory_space<hbm>> -> memref<64xf32, #tpu.memory_space<hbm>>
      tpu.enqueue_dma source(%dma_start3A_631 : memref<64xf32, #tpu.memory_space<hbm>>) target(%dma_start3A_628 : memref<64xf32, #tpu.memory_space<vmem>>) target_semaphore(%arg12 : memref<!tpu.dma_semaphore, #tpu.memory_space<semaphore_mem>>)
      %slice3A_632 = vector.extract_strided_slice %get3A_232 {offsets = [12], sizes = [1], strides = [1]} : vector<16xi32> to vector<1xi32>
      %squeeze3A_633 = vector.extract %slice3A_632[0] : i32 from vector<1xi32>
      %dma_start3A_634 = arith.constant 0 : i32
      %dma_start3A_635 = tpu.memref_slice %arg10[%add3A_617, %dma_start3A_634] : memref<256x64xf32, #tpu.memory_space<vmem>> -> memref<1x64xf32, #tpu.memory_space<vmem>>
      %dma_start3A_636 = tpu.memref_squeeze %dma_start3A_635 : memref<1x64xf32, #tpu.memory_space<vmem>> -> memref<64xf32, #tpu.memory_space<vmem>>
      %dma_start3A_637 = arith.constant 0 : i32
      %dma_start3A_638 = tpu.memref_slice %arg5[%squeeze3A_633, %dma_start3A_637] : memref<1000000x64xf32, #tpu.memory_space<hbm>> -> memref<1x64xf32, #tpu.memory_space<hbm>>
      %dma_start3A_639 = tpu.memref_squeeze %dma_start3A_638 : memref<1x64xf32, #tpu.memory_space<hbm>> -> memref<64xf32, #tpu.memory_space<hbm>>
      %dma_start3A_640 = arith.constant 0 : i32
      %dma_start3A_641 = tpu.memref_slice %arg10[%add3A_617, %dma_start3A_640] : memref<256x64xf32, #tpu.memory_space<vmem>> -> memref<1x64xf32, #tpu.memory_space<vmem>>
      %dma_start3A_642 = tpu.memref_squeeze %dma_start3A_641 : memref<1x64xf32, #tpu.memory_space<vmem>> -> memref<64xf32, #tpu.memory_space<vmem>>
      %dma_start3A_643 = arith.constant 0 : i32
      %dma_start3A_644 = tpu.memref_slice %arg5[%squeeze3A_633, %dma_start3A_643] : memref<1000000x64xf32, #tpu.memory_space<hbm>> -> memref<1x64xf32, #tpu.memory_space<hbm>>
      %dma_start3A_645 = tpu.memref_squeeze %dma_start3A_644 : memref<1x64xf32, #tpu.memory_space<hbm>> -> memref<64xf32, #tpu.memory_space<hbm>>
      tpu.enqueue_dma source(%dma_start3A_645 : memref<64xf32, #tpu.memory_space<hbm>>) target(%dma_start3A_642 : memref<64xf32, #tpu.memory_space<vmem>>) target_semaphore(%arg13 : memref<!tpu.dma_semaphore, #tpu.memory_space<semaphore_mem>>)
      %mul3A_646 = arith.constant 16 : i32
      %mul3A_647 = arith.muli %scan3A_219, %mul3A_646 : i32
      %add3A_648 = arith.constant 13 : i32
      %add3A_649 = arith.addi %mul3A_647, %add3A_648 : i32
      %slice3A_650 = vector.extract_strided_slice %get3A_225 {offsets = [13], sizes = [1], strides = [1]} : vector<16xi32> to vector<1xi32>
      %squeeze3A_651 = vector.extract %slice3A_650[0] : i32 from vector<1xi32>
      %dma_start3A_652 = arith.constant 0 : i32
      %dma_start3A_653 = tpu.memref_slice %arg9[%add3A_649, %dma_start3A_652] : memref<256x64xf32, #tpu.memory_space<vmem>> -> memref<1x64xf32, #tpu.memory_space<vmem>>
      %dma_start3A_654 = tpu.memref_squeeze %dma_start3A_653 : memref<1x64xf32, #tpu.memory_space<vmem>> -> memref<64xf32, #tpu.memory_space<vmem>>
      %dma_start3A_655 = arith.constant 0 : i32
      %dma_start3A_656 = tpu.memref_slice %arg4[%squeeze3A_651, %dma_start3A_655] : memref<1000000x64xf32, #tpu.memory_space<hbm>> -> memref<1x64xf32, #tpu.memory_space<hbm>>
      %dma_start3A_657 = tpu.memref_squeeze %dma_start3A_656 : memref<1x64xf32, #tpu.memory_space<hbm>> -> memref<64xf32, #tpu.memory_space<hbm>>
      %dma_start3A_658 = arith.constant 0 : i32
      %dma_start3A_659 = tpu.memref_slice %arg9[%add3A_649, %dma_start3A_658] : memref<256x64xf32, #tpu.memory_space<vmem>> -> memref<1x64xf32, #tpu.memory_space<vmem>>
      %dma_start3A_660 = tpu.memref_squeeze %dma_start3A_659 : memref<1x64xf32, #tpu.memory_space<vmem>> -> memref<64xf32, #tpu.memory_space<vmem>>
      %dma_start3A_661 = arith.constant 0 : i32
      %dma_start3A_662 = tpu.memref_slice %arg4[%squeeze3A_651, %dma_start3A_661] : memref<1000000x64xf32, #tpu.memory_space<hbm>> -> memref<1x64xf32, #tpu.memory_space<hbm>>
      %dma_start3A_663 = tpu.memref_squeeze %dma_start3A_662 : memref<1x64xf32, #tpu.memory_space<hbm>> -> memref<64xf32, #tpu.memory_space<hbm>>
      tpu.enqueue_dma source(%dma_start3A_663 : memref<64xf32, #tpu.memory_space<hbm>>) target(%dma_start3A_660 : memref<64xf32, #tpu.memory_space<vmem>>) target_semaphore(%arg12 : memref<!tpu.dma_semaphore, #tpu.memory_space<semaphore_mem>>)
      %slice3A_664 = vector.extract_strided_slice %get3A_232 {offsets = [13], sizes = [1], strides = [1]} : vector<16xi32> to vector<1xi32>
      %squeeze3A_665 = vector.extract %slice3A_664[0] : i32 from vector<1xi32>
      %dma_start3A_666 = arith.constant 0 : i32
      %dma_start3A_667 = tpu.memref_slice %arg10[%add3A_649, %dma_start3A_666] : memref<256x64xf32, #tpu.memory_space<vmem>> -> memref<1x64xf32, #tpu.memory_space<vmem>>
      %dma_start3A_668 = tpu.memref_squeeze %dma_start3A_667 : memref<1x64xf32, #tpu.memory_space<vmem>> -> memref<64xf32, #tpu.memory_space<vmem>>
      %dma_start3A_669 = arith.constant 0 : i32
      %dma_start3A_670 = tpu.memref_slice %arg5[%squeeze3A_665, %dma_start3A_669] : memref<1000000x64xf32, #tpu.memory_space<hbm>> -> memref<1x64xf32, #tpu.memory_space<hbm>>
      %dma_start3A_671 = tpu.memref_squeeze %dma_start3A_670 : memref<1x64xf32, #tpu.memory_space<hbm>> -> memref<64xf32, #tpu.memory_space<hbm>>
      %dma_start3A_672 = arith.constant 0 : i32
      %dma_start3A_673 = tpu.memref_slice %arg10[%add3A_649, %dma_start3A_672] : memref<256x64xf32, #tpu.memory_space<vmem>> -> memref<1x64xf32, #tpu.memory_space<vmem>>
      %dma_start3A_674 = tpu.memref_squeeze %dma_start3A_673 : memref<1x64xf32, #tpu.memory_space<vmem>> -> memref<64xf32, #tpu.memory_space<vmem>>
      %dma_start3A_675 = arith.constant 0 : i32
      %dma_start3A_676 = tpu.memref_slice %arg5[%squeeze3A_665, %dma_start3A_675] : memref<1000000x64xf32, #tpu.memory_space<hbm>> -> memref<1x64xf32, #tpu.memory_space<hbm>>
      %dma_start3A_677 = tpu.memref_squeeze %dma_start3A_676 : memref<1x64xf32, #tpu.memory_space<hbm>> -> memref<64xf32, #tpu.memory_space<hbm>>
      tpu.enqueue_dma source(%dma_start3A_677 : memref<64xf32, #tpu.memory_space<hbm>>) target(%dma_start3A_674 : memref<64xf32, #tpu.memory_space<vmem>>) target_semaphore(%arg13 : memref<!tpu.dma_semaphore, #tpu.memory_space<semaphore_mem>>)
      %mul3A_678 = arith.constant 16 : i32
      %mul3A_679 = arith.muli %scan3A_219, %mul3A_678 : i32
      %add3A_680 = arith.constant 14 : i32
      %add3A_681 = arith.addi %mul3A_679, %add3A_680 : i32
      %slice3A_682 = vector.extract_strided_slice %get3A_225 {offsets = [14], sizes = [1], strides = [1]} : vector<16xi32> to vector<1xi32>
      %squeeze3A_683 = vector.extract %slice3A_682[0] : i32 from vector<1xi32>
      %dma_start3A_684 = arith.constant 0 : i32
      %dma_start3A_685 = tpu.memref_slice %arg9[%add3A_681, %dma_start3A_684] : memref<256x64xf32, #tpu.memory_space<vmem>> -> memref<1x64xf32, #tpu.memory_space<vmem>>
      %dma_start3A_686 = tpu.memref_squeeze %dma_start3A_685 : memref<1x64xf32, #tpu.memory_space<vmem>> -> memref<64xf32, #tpu.memory_space<vmem>>
      %dma_start3A_687 = arith.constant 0 : i32
      %dma_start3A_688 = tpu.memref_slice %arg4[%squeeze3A_683, %dma_start3A_687] : memref<1000000x64xf32, #tpu.memory_space<hbm>> -> memref<1x64xf32, #tpu.memory_space<hbm>>
      %dma_start3A_689 = tpu.memref_squeeze %dma_start3A_688 : memref<1x64xf32, #tpu.memory_space<hbm>> -> memref<64xf32, #tpu.memory_space<hbm>>
      %dma_start3A_690 = arith.constant 0 : i32
      %dma_start3A_691 = tpu.memref_slice %arg9[%add3A_681, %dma_start3A_690] : memref<256x64xf32, #tpu.memory_space<vmem>> -> memref<1x64xf32, #tpu.memory_space<vmem>>
      %dma_start3A_692 = tpu.memref_squeeze %dma_start3A_691 : memref<1x64xf32, #tpu.memory_space<vmem>> -> memref<64xf32, #tpu.memory_space<vmem>>
      %dma_start3A_693 = arith.constant 0 : i32
      %dma_start3A_694 = tpu.memref_slice %arg4[%squeeze3A_683, %dma_start3A_693] : memref<1000000x64xf32, #tpu.memory_space<hbm>> -> memref<1x64xf32, #tpu.memory_space<hbm>>
      %dma_start3A_695 = tpu.memref_squeeze %dma_start3A_694 : memref<1x64xf32, #tpu.memory_space<hbm>> -> memref<64xf32, #tpu.memory_space<hbm>>
      tpu.enqueue_dma source(%dma_start3A_695 : memref<64xf32, #tpu.memory_space<hbm>>) target(%dma_start3A_692 : memref<64xf32, #tpu.memory_space<vmem>>) target_semaphore(%arg12 : memref<!tpu.dma_semaphore, #tpu.memory_space<semaphore_mem>>)
      %slice3A_696 = vector.extract_strided_slice %get3A_232 {offsets = [14], sizes = [1], strides = [1]} : vector<16xi32> to vector<1xi32>
      %squeeze3A_697 = vector.extract %slice3A_696[0] : i32 from vector<1xi32>
      %dma_start3A_698 = arith.constant 0 : i32
      %dma_start3A_699 = tpu.memref_slice %arg10[%add3A_681, %dma_start3A_698] : memref<256x64xf32, #tpu.memory_space<vmem>> -> memref<1x64xf32, #tpu.memory_space<vmem>>
      %dma_start3A_700 = tpu.memref_squeeze %dma_start3A_699 : memref<1x64xf32, #tpu.memory_space<vmem>> -> memref<64xf32, #tpu.memory_space<vmem>>
      %dma_start3A_701 = arith.constant 0 : i32
      %dma_start3A_702 = tpu.memref_slice %arg5[%squeeze3A_697, %dma_start3A_701] : memref<1000000x64xf32, #tpu.memory_space<hbm>> -> memref<1x64xf32, #tpu.memory_space<hbm>>
      %dma_start3A_703 = tpu.memref_squeeze %dma_start3A_702 : memref<1x64xf32, #tpu.memory_space<hbm>> -> memref<64xf32, #tpu.memory_space<hbm>>
      %dma_start3A_704 = arith.constant 0 : i32
      %dma_start3A_705 = tpu.memref_slice %arg10[%add3A_681, %dma_start3A_704] : memref<256x64xf32, #tpu.memory_space<vmem>> -> memref<1x64xf32, #tpu.memory_space<vmem>>
      %dma_start3A_706 = tpu.memref_squeeze %dma_start3A_705 : memref<1x64xf32, #tpu.memory_space<vmem>> -> memref<64xf32, #tpu.memory_space<vmem>>
      %dma_start3A_707 = arith.constant 0 : i32
      %dma_start3A_708 = tpu.memref_slice %arg5[%squeeze3A_697, %dma_start3A_707] : memref<1000000x64xf32, #tpu.memory_space<hbm>> -> memref<1x64xf32, #tpu.memory_space<hbm>>
      %dma_start3A_709 = tpu.memref_squeeze %dma_start3A_708 : memref<1x64xf32, #tpu.memory_space<hbm>> -> memref<64xf32, #tpu.memory_space<hbm>>
      tpu.enqueue_dma source(%dma_start3A_709 : memref<64xf32, #tpu.memory_space<hbm>>) target(%dma_start3A_706 : memref<64xf32, #tpu.memory_space<vmem>>) target_semaphore(%arg13 : memref<!tpu.dma_semaphore, #tpu.memory_space<semaphore_mem>>)
      %mul3A_710 = arith.constant 16 : i32
      %mul3A_711 = arith.muli %scan3A_219, %mul3A_710 : i32
      %add3A_712 = arith.constant 15 : i32
      %add3A_713 = arith.addi %mul3A_711, %add3A_712 : i32
      %slice3A_714 = vector.extract_strided_slice %get3A_225 {offsets = [15], sizes = [1], strides = [1]} : vector<16xi32> to vector<1xi32>
      %squeeze3A_715 = vector.extract %slice3A_714[0] : i32 from vector<1xi32>
      %dma_start3A_716 = arith.constant 0 : i32
      %dma_start3A_717 = tpu.memref_slice %arg9[%add3A_713, %dma_start3A_716] : memref<256x64xf32, #tpu.memory_space<vmem>> -> memref<1x64xf32, #tpu.memory_space<vmem>>
      %dma_start3A_718 = tpu.memref_squeeze %dma_start3A_717 : memref<1x64xf32, #tpu.memory_space<vmem>> -> memref<64xf32, #tpu.memory_space<vmem>>
      %dma_start3A_719 = arith.constant 0 : i32
      %dma_start3A_720 = tpu.memref_slice %arg4[%squeeze3A_715, %dma_start3A_719] : memref<1000000x64xf32, #tpu.memory_space<hbm>> -> memref<1x64xf32, #tpu.memory_space<hbm>>
      %dma_start3A_721 = tpu.memref_squeeze %dma_start3A_720 : memref<1x64xf32, #tpu.memory_space<hbm>> -> memref<64xf32, #tpu.memory_space<hbm>>
      %dma_start3A_722 = arith.constant 0 : i32
      %dma_start3A_723 = tpu.memref_slice %arg9[%add3A_713, %dma_start3A_722] : memref<256x64xf32, #tpu.memory_space<vmem>> -> memref<1x64xf32, #tpu.memory_space<vmem>>
      %dma_start3A_724 = tpu.memref_squeeze %dma_start3A_723 : memref<1x64xf32, #tpu.memory_space<vmem>> -> memref<64xf32, #tpu.memory_space<vmem>>
      %dma_start3A_725 = arith.constant 0 : i32
      %dma_start3A_726 = tpu.memref_slice %arg4[%squeeze3A_715, %dma_start3A_725] : memref<1000000x64xf32, #tpu.memory_space<hbm>> -> memref<1x64xf32, #tpu.memory_space<hbm>>
      %dma_start3A_727 = tpu.memref_squeeze %dma_start3A_726 : memref<1x64xf32, #tpu.memory_space<hbm>> -> memref<64xf32, #tpu.memory_space<hbm>>
      tpu.enqueue_dma source(%dma_start3A_727 : memref<64xf32, #tpu.memory_space<hbm>>) target(%dma_start3A_724 : memref<64xf32, #tpu.memory_space<vmem>>) target_semaphore(%arg12 : memref<!tpu.dma_semaphore, #tpu.memory_space<semaphore_mem>>)
      %slice3A_728 = vector.extract_strided_slice %get3A_232 {offsets = [15], sizes = [1], strides = [1]} : vector<16xi32> to vector<1xi32>
      %squeeze3A_729 = vector.extract %slice3A_728[0] : i32 from vector<1xi32>
      %dma_start3A_730 = arith.constant 0 : i32
      %dma_start3A_731 = tpu.memref_slice %arg10[%add3A_713, %dma_start3A_730] : memref<256x64xf32, #tpu.memory_space<vmem>> -> memref<1x64xf32, #tpu.memory_space<vmem>>
      %dma_start3A_732 = tpu.memref_squeeze %dma_start3A_731 : memref<1x64xf32, #tpu.memory_space<vmem>> -> memref<64xf32, #tpu.memory_space<vmem>>
      %dma_start3A_733 = arith.constant 0 : i32
      %dma_start3A_734 = tpu.memref_slice %arg5[%squeeze3A_729, %dma_start3A_733] : memref<1000000x64xf32, #tpu.memory_space<hbm>> -> memref<1x64xf32, #tpu.memory_space<hbm>>
      %dma_start3A_735 = tpu.memref_squeeze %dma_start3A_734 : memref<1x64xf32, #tpu.memory_space<hbm>> -> memref<64xf32, #tpu.memory_space<hbm>>
      %dma_start3A_736 = arith.constant 0 : i32
      %dma_start3A_737 = tpu.memref_slice %arg10[%add3A_713, %dma_start3A_736] : memref<256x64xf32, #tpu.memory_space<vmem>> -> memref<1x64xf32, #tpu.memory_space<vmem>>
      %dma_start3A_738 = tpu.memref_squeeze %dma_start3A_737 : memref<1x64xf32, #tpu.memory_space<vmem>> -> memref<64xf32, #tpu.memory_space<vmem>>
      %dma_start3A_739 = arith.constant 0 : i32
      %dma_start3A_740 = tpu.memref_slice %arg5[%squeeze3A_729, %dma_start3A_739] : memref<1000000x64xf32, #tpu.memory_space<hbm>> -> memref<1x64xf32, #tpu.memory_space<hbm>>
      %dma_start3A_741 = tpu.memref_squeeze %dma_start3A_740 : memref<1x64xf32, #tpu.memory_space<hbm>> -> memref<64xf32, #tpu.memory_space<hbm>>
      tpu.enqueue_dma source(%dma_start3A_741 : memref<64xf32, #tpu.memory_space<hbm>>) target(%dma_start3A_738 : memref<64xf32, #tpu.memory_space<vmem>>) target_semaphore(%arg13 : memref<!tpu.dma_semaphore, #tpu.memory_space<semaphore_mem>>)
      %ge3A = arith.constant 4 : i32
      %ge3A_742 = arith.cmpi sge, %scan3A_219, %ge3A : i32
      %convert_element_type3A = arith.extui %ge3A_742 : i1 to i32
      %cond3A = arith.constant 0 : i32
      %cond3A_743 = arith.cmpi ne, %convert_element_type3A, %cond3A : i32
      scf.if %cond3A_743 {
        %dma_wait3A_744 = arith.constant 0 : i32
        %dma_wait3A_745 = arith.constant 0 : i32
        %dma_wait3A_746 = tpu.memref_slice %arg9[%dma_wait3A_744, %dma_wait3A_745] : memref<256x64xf32, #tpu.memory_space<vmem>> -> memref<16x64xf32, #tpu.memory_space<vmem>>
        %dma_wait3A_747 = arith.constant 0 : i32
        %dma_wait3A_748 = arith.constant 0 : i32
        %dma_wait3A_749 = tpu.memref_slice %arg4[%dma_wait3A_747, %dma_wait3A_748] : memref<1000000x64xf32, #tpu.memory_space<hbm>> -> memref<16x64xf32, #tpu.memory_space<hbm>>
        %dma_wait3A_750 = arith.constant 0 : i32
        %dma_wait3A_751 = arith.constant 0 : i32
        %dma_wait3A_752 = tpu.memref_slice %arg9[%dma_wait3A_750, %dma_wait3A_751] : memref<256x64xf32, #tpu.memory_space<vmem>> -> memref<16x64xf32, #tpu.memory_space<vmem>>
        %dma_wait3A_753 = arith.constant 0 : i32
        %dma_wait3A_754 = arith.constant 0 : i32
        %dma_wait3A_755 = tpu.memref_slice %arg4[%dma_wait3A_753, %dma_wait3A_754] : memref<1000000x64xf32, #tpu.memory_space<hbm>> -> memref<16x64xf32, #tpu.memory_space<hbm>>
        tpu.wait_dma2 semaphore(%arg12 : memref<!tpu.dma_semaphore, #tpu.memory_space<semaphore_mem>>) src(%dma_wait3A_755 : memref<16x64xf32, #tpu.memory_space<hbm>>) dst(%dma_wait3A_752 : memref<16x64xf32, #tpu.memory_space<vmem>>)
        %dma_wait3A_756 = arith.constant 0 : i32
        %dma_wait3A_757 = arith.constant 0 : i32
        %dma_wait3A_758 = tpu.memref_slice %arg9[%dma_wait3A_756, %dma_wait3A_757] : memref<256x64xf32, #tpu.memory_space<vmem>> -> memref<16x64xf32, #tpu.memory_space<vmem>>
        %dma_wait3A_759 = arith.constant 0 : i32
        %dma_wait3A_760 = arith.constant 0 : i32
        %dma_wait3A_761 = tpu.memref_slice %arg4[%dma_wait3A_759, %dma_wait3A_760] : memref<1000000x64xf32, #tpu.memory_space<hbm>> -> memref<16x64xf32, #tpu.memory_space<hbm>>
        %dma_wait3A_762 = arith.constant 0 : i32
        %dma_wait3A_763 = arith.constant 0 : i32
        %dma_wait3A_764 = tpu.memref_slice %arg9[%dma_wait3A_762, %dma_wait3A_763] : memref<256x64xf32, #tpu.memory_space<vmem>> -> memref<16x64xf32, #tpu.memory_space<vmem>>
        %dma_wait3A_765 = arith.constant 0 : i32
        %dma_wait3A_766 = arith.constant 0 : i32
        %dma_wait3A_767 = tpu.memref_slice %arg4[%dma_wait3A_765, %dma_wait3A_766] : memref<1000000x64xf32, #tpu.memory_space<hbm>> -> memref<16x64xf32, #tpu.memory_space<hbm>>
        tpu.wait_dma2 semaphore(%arg13 : memref<!tpu.dma_semaphore, #tpu.memory_space<semaphore_mem>>) src(%dma_wait3A_767 : memref<16x64xf32, #tpu.memory_space<hbm>>) dst(%dma_wait3A_764 : memref<16x64xf32, #tpu.memory_space<vmem>>)
      } else {
      }
    }
    %scan3A_7 = arith.constant 16 : i32
    %dma_wait3A = arith.constant 0 : i32
    %dma_wait3A_8 = arith.constant 0 : i32
    %dma_wait3A_9 = tpu.memref_slice %arg9[%dma_wait3A, %dma_wait3A_8] : memref<256x64xf32, #tpu.memory_space<vmem>> -> memref<16x64xf32, #tpu.memory_space<vmem>>
    %dma_wait3A_10 = arith.constant 0 : i32
    %dma_wait3A_11 = arith.constant 0 : i32
    %dma_wait3A_12 = tpu.memref_slice %arg4[%dma_wait3A_10, %dma_wait3A_11] : memref<1000000x64xf32, #tpu.memory_space<hbm>> -> memref<16x64xf32, #tpu.memory_space<hbm>>
    %dma_wait3A_13 = arith.constant 0 : i32
    %dma_wait3A_14 = arith.constant 0 : i32
    %dma_wait3A_15 = tpu.memref_slice %arg9[%dma_wait3A_13, %dma_wait3A_14] : memref<256x64xf32, #tpu.memory_space<vmem>> -> memref<16x64xf32, #tpu.memory_space<vmem>>
    %dma_wait3A_16 = arith.constant 0 : i32
    %dma_wait3A_17 = arith.constant 0 : i32
    %dma_wait3A_18 = tpu.memref_slice %arg4[%dma_wait3A_16, %dma_wait3A_17] : memref<1000000x64xf32, #tpu.memory_space<hbm>> -> memref<16x64xf32, #tpu.memory_space<hbm>>
    tpu.wait_dma2 semaphore(%arg12 : memref<!tpu.dma_semaphore, #tpu.memory_space<semaphore_mem>>) src(%dma_wait3A_18 : memref<16x64xf32, #tpu.memory_space<hbm>>) dst(%dma_wait3A_15 : memref<16x64xf32, #tpu.memory_space<vmem>>)
    %dma_wait3A_19 = arith.constant 0 : i32
    %dma_wait3A_20 = arith.constant 0 : i32
    %dma_wait3A_21 = tpu.memref_slice %arg9[%dma_wait3A_19, %dma_wait3A_20] : memref<256x64xf32, #tpu.memory_space<vmem>> -> memref<16x64xf32, #tpu.memory_space<vmem>>
    %dma_wait3A_22 = arith.constant 0 : i32
    %dma_wait3A_23 = arith.constant 0 : i32
    %dma_wait3A_24 = tpu.memref_slice %arg4[%dma_wait3A_22, %dma_wait3A_23] : memref<1000000x64xf32, #tpu.memory_space<hbm>> -> memref<16x64xf32, #tpu.memory_space<hbm>>
    %dma_wait3A_25 = arith.constant 0 : i32
    %dma_wait3A_26 = arith.constant 0 : i32
    %dma_wait3A_27 = tpu.memref_slice %arg9[%dma_wait3A_25, %dma_wait3A_26] : memref<256x64xf32, #tpu.memory_space<vmem>> -> memref<16x64xf32, #tpu.memory_space<vmem>>
    %dma_wait3A_28 = arith.constant 0 : i32
    %dma_wait3A_29 = arith.constant 0 : i32
    %dma_wait3A_30 = tpu.memref_slice %arg4[%dma_wait3A_28, %dma_wait3A_29] : memref<1000000x64xf32, #tpu.memory_space<hbm>> -> memref<16x64xf32, #tpu.memory_space<hbm>>
    tpu.wait_dma2 semaphore(%arg13 : memref<!tpu.dma_semaphore, #tpu.memory_space<semaphore_mem>>) src(%dma_wait3A_30 : memref<16x64xf32, #tpu.memory_space<hbm>>) dst(%dma_wait3A_27 : memref<16x64xf32, #tpu.memory_space<vmem>>)
    %dma_wait3A_31 = arith.constant 0 : i32
    %dma_wait3A_32 = arith.constant 0 : i32
    %dma_wait3A_33 = tpu.memref_slice %arg9[%dma_wait3A_31, %dma_wait3A_32] : memref<256x64xf32, #tpu.memory_space<vmem>> -> memref<16x64xf32, #tpu.memory_space<vmem>>
    %dma_wait3A_34 = arith.constant 0 : i32
    %dma_wait3A_35 = arith.constant 0 : i32
    %dma_wait3A_36 = tpu.memref_slice %arg4[%dma_wait3A_34, %dma_wait3A_35] : memref<1000000x64xf32, #tpu.memory_space<hbm>> -> memref<16x64xf32, #tpu.memory_space<hbm>>
    %dma_wait3A_37 = arith.constant 0 : i32
    %dma_wait3A_38 = arith.constant 0 : i32
    %dma_wait3A_39 = tpu.memref_slice %arg9[%dma_wait3A_37, %dma_wait3A_38] : memref<256x64xf32, #tpu.memory_space<vmem>> -> memref<16x64xf32, #tpu.memory_space<vmem>>
    %dma_wait3A_40 = arith.constant 0 : i32
    %dma_wait3A_41 = arith.constant 0 : i32
    %dma_wait3A_42 = tpu.memref_slice %arg4[%dma_wait3A_40, %dma_wait3A_41] : memref<1000000x64xf32, #tpu.memory_space<hbm>> -> memref<16x64xf32, #tpu.memory_space<hbm>>
    tpu.wait_dma2 semaphore(%arg12 : memref<!tpu.dma_semaphore, #tpu.memory_space<semaphore_mem>>) src(%dma_wait3A_42 : memref<16x64xf32, #tpu.memory_space<hbm>>) dst(%dma_wait3A_39 : memref<16x64xf32, #tpu.memory_space<vmem>>)
    %dma_wait3A_43 = arith.constant 0 : i32
    %dma_wait3A_44 = arith.constant 0 : i32
    %dma_wait3A_45 = tpu.memref_slice %arg9[%dma_wait3A_43, %dma_wait3A_44] : memref<256x64xf32, #tpu.memory_space<vmem>> -> memref<16x64xf32, #tpu.memory_space<vmem>>
    %dma_wait3A_46 = arith.constant 0 : i32
    %dma_wait3A_47 = arith.constant 0 : i32
    %dma_wait3A_48 = tpu.memref_slice %arg4[%dma_wait3A_46, %dma_wait3A_47] : memref<1000000x64xf32, #tpu.memory_space<hbm>> -> memref<16x64xf32, #tpu.memory_space<hbm>>
    %dma_wait3A_49 = arith.constant 0 : i32
    %dma_wait3A_50 = arith.constant 0 : i32
    %dma_wait3A_51 = tpu.memref_slice %arg9[%dma_wait3A_49, %dma_wait3A_50] : memref<256x64xf32, #tpu.memory_space<vmem>> -> memref<16x64xf32, #tpu.memory_space<vmem>>
    %dma_wait3A_52 = arith.constant 0 : i32
    %dma_wait3A_53 = arith.constant 0 : i32
    %dma_wait3A_54 = tpu.memref_slice %arg4[%dma_wait3A_52, %dma_wait3A_53] : memref<1000000x64xf32, #tpu.memory_space<hbm>> -> memref<16x64xf32, #tpu.memory_space<hbm>>
    tpu.wait_dma2 semaphore(%arg13 : memref<!tpu.dma_semaphore, #tpu.memory_space<semaphore_mem>>) src(%dma_wait3A_54 : memref<16x64xf32, #tpu.memory_space<hbm>>) dst(%dma_wait3A_51 : memref<16x64xf32, #tpu.memory_space<vmem>>)
    %dma_wait3A_55 = arith.constant 0 : i32
    %dma_wait3A_56 = arith.constant 0 : i32
    %dma_wait3A_57 = tpu.memref_slice %arg9[%dma_wait3A_55, %dma_wait3A_56] : memref<256x64xf32, #tpu.memory_space<vmem>> -> memref<16x64xf32, #tpu.memory_space<vmem>>
    %dma_wait3A_58 = arith.constant 0 : i32
    %dma_wait3A_59 = arith.constant 0 : i32
    %dma_wait3A_60 = tpu.memref_slice %arg4[%dma_wait3A_58, %dma_wait3A_59] : memref<1000000x64xf32, #tpu.memory_space<hbm>> -> memref<16x64xf32, #tpu.memory_space<hbm>>
    %dma_wait3A_61 = arith.constant 0 : i32
    %dma_wait3A_62 = arith.constant 0 : i32
    %dma_wait3A_63 = tpu.memref_slice %arg9[%dma_wait3A_61, %dma_wait3A_62] : memref<256x64xf32, #tpu.memory_space<vmem>> -> memref<16x64xf32, #tpu.memory_space<vmem>>
    %dma_wait3A_64 = arith.constant 0 : i32
    %dma_wait3A_65 = arith.constant 0 : i32
    %dma_wait3A_66 = tpu.memref_slice %arg4[%dma_wait3A_64, %dma_wait3A_65] : memref<1000000x64xf32, #tpu.memory_space<hbm>> -> memref<16x64xf32, #tpu.memory_space<hbm>>
    tpu.wait_dma2 semaphore(%arg12 : memref<!tpu.dma_semaphore, #tpu.memory_space<semaphore_mem>>) src(%dma_wait3A_66 : memref<16x64xf32, #tpu.memory_space<hbm>>) dst(%dma_wait3A_63 : memref<16x64xf32, #tpu.memory_space<vmem>>)
    %dma_wait3A_67 = arith.constant 0 : i32
    %dma_wait3A_68 = arith.constant 0 : i32
    %dma_wait3A_69 = tpu.memref_slice %arg9[%dma_wait3A_67, %dma_wait3A_68] : memref<256x64xf32, #tpu.memory_space<vmem>> -> memref<16x64xf32, #tpu.memory_space<vmem>>
    %dma_wait3A_70 = arith.constant 0 : i32
    %dma_wait3A_71 = arith.constant 0 : i32
    %dma_wait3A_72 = tpu.memref_slice %arg4[%dma_wait3A_70, %dma_wait3A_71] : memref<1000000x64xf32, #tpu.memory_space<hbm>> -> memref<16x64xf32, #tpu.memory_space<hbm>>
    %dma_wait3A_73 = arith.constant 0 : i32
    %dma_wait3A_74 = arith.constant 0 : i32
    %dma_wait3A_75 = tpu.memref_slice %arg9[%dma_wait3A_73, %dma_wait3A_74] : memref<256x64xf32, #tpu.memory_space<vmem>> -> memref<16x64xf32, #tpu.memory_space<vmem>>
    %dma_wait3A_76 = arith.constant 0 : i32
    %dma_wait3A_77 = arith.constant 0 : i32
    %dma_wait3A_78 = tpu.memref_slice %arg4[%dma_wait3A_76, %dma_wait3A_77] : memref<1000000x64xf32, #tpu.memory_space<hbm>> -> memref<16x64xf32, #tpu.memory_space<hbm>>
    tpu.wait_dma2 semaphore(%arg13 : memref<!tpu.dma_semaphore, #tpu.memory_space<semaphore_mem>>) src(%dma_wait3A_78 : memref<16x64xf32, #tpu.memory_space<hbm>>) dst(%dma_wait3A_75 : memref<16x64xf32, #tpu.memory_space<vmem>>)
    %dma_wait3A_79 = arith.constant 0 : i32
    %dma_wait3A_80 = arith.constant 0 : i32
    %dma_wait3A_81 = tpu.memref_slice %arg9[%dma_wait3A_79, %dma_wait3A_80] : memref<256x64xf32, #tpu.memory_space<vmem>> -> memref<16x64xf32, #tpu.memory_space<vmem>>
    %dma_wait3A_82 = arith.constant 0 : i32
    %dma_wait3A_83 = arith.constant 0 : i32
    %dma_wait3A_84 = tpu.memref_slice %arg4[%dma_wait3A_82, %dma_wait3A_83] : memref<1000000x64xf32, #tpu.memory_space<hbm>> -> memref<16x64xf32, #tpu.memory_space<hbm>>
    %dma_wait3A_85 = arith.constant 0 : i32
    %dma_wait3A_86 = arith.constant 0 : i32
    %dma_wait3A_87 = tpu.memref_slice %arg9[%dma_wait3A_85, %dma_wait3A_86] : memref<256x64xf32, #tpu.memory_space<vmem>> -> memref<16x64xf32, #tpu.memory_space<vmem>>
    %dma_wait3A_88 = arith.constant 0 : i32
    %dma_wait3A_89 = arith.constant 0 : i32
    %dma_wait3A_90 = tpu.memref_slice %arg4[%dma_wait3A_88, %dma_wait3A_89] : memref<1000000x64xf32, #tpu.memory_space<hbm>> -> memref<16x64xf32, #tpu.memory_space<hbm>>
    tpu.wait_dma2 semaphore(%arg12 : memref<!tpu.dma_semaphore, #tpu.memory_space<semaphore_mem>>) src(%dma_wait3A_90 : memref<16x64xf32, #tpu.memory_space<hbm>>) dst(%dma_wait3A_87 : memref<16x64xf32, #tpu.memory_space<vmem>>)
    %dma_wait3A_91 = arith.constant 0 : i32
    %dma_wait3A_92 = arith.constant 0 : i32
    %dma_wait3A_93 = tpu.memref_slice %arg9[%dma_wait3A_91, %dma_wait3A_92] : memref<256x64xf32, #tpu.memory_space<vmem>> -> memref<16x64xf32, #tpu.memory_space<vmem>>
    %dma_wait3A_94 = arith.constant 0 : i32
    %dma_wait3A_95 = arith.constant 0 : i32
    %dma_wait3A_96 = tpu.memref_slice %arg4[%dma_wait3A_94, %dma_wait3A_95] : memref<1000000x64xf32, #tpu.memory_space<hbm>> -> memref<16x64xf32, #tpu.memory_space<hbm>>
    %dma_wait3A_97 = arith.constant 0 : i32
    %dma_wait3A_98 = arith.constant 0 : i32
    %dma_wait3A_99 = tpu.memref_slice %arg9[%dma_wait3A_97, %dma_wait3A_98] : memref<256x64xf32, #tpu.memory_space<vmem>> -> memref<16x64xf32, #tpu.memory_space<vmem>>
    %dma_wait3A_100 = arith.constant 0 : i32
    %dma_wait3A_101 = arith.constant 0 : i32
    %dma_wait3A_102 = tpu.memref_slice %arg4[%dma_wait3A_100, %dma_wait3A_101] : memref<1000000x64xf32, #tpu.memory_space<hbm>> -> memref<16x64xf32, #tpu.memory_space<hbm>>
    tpu.wait_dma2 semaphore(%arg13 : memref<!tpu.dma_semaphore, #tpu.memory_space<semaphore_mem>>) src(%dma_wait3A_102 : memref<16x64xf32, #tpu.memory_space<hbm>>) dst(%dma_wait3A_99 : memref<16x64xf32, #tpu.memory_space<vmem>>)
    %scan3A_103 = arith.constant 0 : i32
    %scan3A_104 = arith.constant 0 : i32
    %scan3A_105 = arith.constant 256 : i32
    %scan3A_106 = arith.addi %scan3A_104, %scan3A_105 : i32
    %scan3A_107 = arith.constant 1 : i32
    scf.for %scan3A_219 = %scan3A_104 to %scan3A_106 step %scan3A_107  : i32 {
      %add3A_220 = arith.constant 0 : i32
      %add3A_221 = arith.addi %add3A_220, %scan3A_219 : i32
      %mul3A_222 = arith.constant 64 : i32
      %mul3A_223 = arith.muli %add3A_221, %mul3A_222 : i32
      %add3A_224 = arith.constant 0 : i32
      %add3A_225 = arith.addi %mul3A_223, %add3A_224 : i32
      %get3A = arith.index_cast %scan3A_219 : i32 to index
      %get3A_226 = arith.constant 0 : index
      %get3A_227 = tpu.vector_load %arg9[%get3A, %get3A_226] {strides = array<i32>} : memref<256x64xf32, #tpu.memory_space<vmem>>, vector<1x16xf32>,
      %get3A_228 = vector.shape_cast %get3A_227 : vector<1x16xf32> to vector<16xf32>
      %get3A_229 = arith.index_cast %scan3A_219 : i32 to index
      %get3A_230 = arith.constant 0 : index
      %get3A_231 = tpu.vector_load %arg10[%get3A_229, %get3A_230] {strides = array<i32>} : memref<256x64xf32, #tpu.memory_space<vmem>>, vector<1x16xf32>,
      %get3A_232 = vector.shape_cast %get3A_231 : vector<1x16xf32> to vector<16xf32>
      %mul3A_233 = arith.mulf %get3A_228, %get3A_232 : vector<16xf32>
      %swap3A = arith.index_cast %add3A_225 : i32 to index
      %swap3A_234 = tpu.vector_load %arg11[%swap3A] {strides = array<i32>} : memref<32768xf32, #tpu.memory_space<vmem>>, vector<16xf32>,
      %swap3A_235 = vector.shape_cast %swap3A_234 : vector<16xf32> to vector<16xf32>
      %swap3A_236 = vector.shape_cast %mul3A_233 : vector<16xf32> to vector<16xf32>
      tpu.vector_store %arg11[%swap3A], %swap3A_236 {strides = array<i32>} : memref<32768xf32, #tpu.memory_space<vmem>>, vector<16xf32>,
      %add3A_237 = arith.constant 0 : i32
      %add3A_238 = arith.addi %add3A_237, %scan3A_219 : i32
      %mul3A_239 = arith.constant 64 : i32
      %mul3A_240 = arith.muli %add3A_238, %mul3A_239 : i32
      %add3A_241 = arith.constant 16 : i32
      %add3A_242 = arith.addi %mul3A_240, %add3A_241 : i32
      %get3A_243 = arith.index_cast %scan3A_219 : i32 to index
      %get3A_244 = arith.constant 16 : index
      %get3A_245 = tpu.vector_load %arg9[%get3A_243, %get3A_244] {strides = array<i32>} : memref<256x64xf32, #tpu.memory_space<vmem>>, vector<1x16xf32>,
      %get3A_246 = vector.shape_cast %get3A_245 : vector<1x16xf32> to vector<16xf32>
      %get3A_247 = arith.index_cast %scan3A_219 : i32 to index
      %get3A_248 = arith.constant 16 : index
      %get3A_249 = tpu.vector_load %arg10[%get3A_247, %get3A_248] {strides = array<i32>} : memref<256x64xf32, #tpu.memory_space<vmem>>, vector<1x16xf32>,
      %get3A_250 = vector.shape_cast %get3A_249 : vector<1x16xf32> to vector<16xf32>
      %mul3A_251 = arith.mulf %get3A_246, %get3A_250 : vector<16xf32>
      %swap3A_252 = arith.index_cast %add3A_242 : i32 to index
      %swap3A_253 = tpu.vector_load %arg11[%swap3A_252] {strides = array<i32>} : memref<32768xf32, #tpu.memory_space<vmem>>, vector<16xf32>,
      %swap3A_254 = vector.shape_cast %swap3A_253 : vector<16xf32> to vector<16xf32>
      %swap3A_255 = vector.shape_cast %mul3A_251 : vector<16xf32> to vector<16xf32>
      tpu.vector_store %arg11[%swap3A_252], %swap3A_255 {strides = array<i32>} : memref<32768xf32, #tpu.memory_space<vmem>>, vector<16xf32>,
      %add3A_256 = arith.constant 0 : i32
      %add3A_257 = arith.addi %add3A_256, %scan3A_219 : i32
      %mul3A_258 = arith.constant 64 : i32
      %mul3A_259 = arith.muli %add3A_257, %mul3A_258 : i32
      %add3A_260 = arith.constant 32 : i32
      %add3A_261 = arith.addi %mul3A_259, %add3A_260 : i32
      %get3A_262 = arith.index_cast %scan3A_219 : i32 to index
      %get3A_263 = arith.constant 32 : index
      %get3A_264 = tpu.vector_load %arg9[%get3A_262, %get3A_263] {strides = array<i32>} : memref<256x64xf32, #tpu.memory_space<vmem>>, vector<1x16xf32>,
      %get3A_265 = vector.shape_cast %get3A_264 : vector<1x16xf32> to vector<16xf32>
      %get3A_266 = arith.index_cast %scan3A_219 : i32 to index
      %get3A_267 = arith.constant 32 : index
      %get3A_268 = tpu.vector_load %arg10[%get3A_266, %get3A_267] {strides = array<i32>} : memref<256x64xf32, #tpu.memory_space<vmem>>, vector<1x16xf32>,
      %get3A_269 = vector.shape_cast %get3A_268 : vector<1x16xf32> to vector<16xf32>
      %mul3A_270 = arith.mulf %get3A_265, %get3A_269 : vector<16xf32>
      %swap3A_271 = arith.index_cast %add3A_261 : i32 to index
      %swap3A_272 = tpu.vector_load %arg11[%swap3A_271] {strides = array<i32>} : memref<32768xf32, #tpu.memory_space<vmem>>, vector<16xf32>,
      %swap3A_273 = vector.shape_cast %swap3A_272 : vector<16xf32> to vector<16xf32>
      %swap3A_274 = vector.shape_cast %mul3A_270 : vector<16xf32> to vector<16xf32>
      tpu.vector_store %arg11[%swap3A_271], %swap3A_274 {strides = array<i32>} : memref<32768xf32, #tpu.memory_space<vmem>>, vector<16xf32>,
      %add3A_275 = arith.constant 0 : i32
      %add3A_276 = arith.addi %add3A_275, %scan3A_219 : i32
      %mul3A_277 = arith.constant 64 : i32
      %mul3A_278 = arith.muli %add3A_276, %mul3A_277 : i32
      %add3A_279 = arith.constant 48 : i32
      %add3A_280 = arith.addi %mul3A_278, %add3A_279 : i32
      %get3A_281 = arith.index_cast %scan3A_219 : i32 to index
      %get3A_282 = arith.constant 48 : index
      %get3A_283 = tpu.vector_load %arg9[%get3A_281, %get3A_282] {strides = array<i32>} : memref<256x64xf32, #tpu.memory_space<vmem>>, vector<1x16xf32>,
      %get3A_284 = vector.shape_cast %get3A_283 : vector<1x16xf32> to vector<16xf32>
      %get3A_285 = arith.index_cast %scan3A_219 : i32 to index
      %get3A_286 = arith.constant 48 : index
      %get3A_287 = tpu.vector_load %arg10[%get3A_285, %get3A_286] {strides = array<i32>} : memref<256x64xf32, #tpu.memory_space<vmem>>, vector<1x16xf32>,
      %get3A_288 = vector.shape_cast %get3A_287 : vector<1x16xf32> to vector<16xf32>
      %mul3A_289 = arith.mulf %get3A_284, %get3A_288 : vector<16xf32>
      %swap3A_290 = arith.index_cast %add3A_280 : i32 to index
      %swap3A_291 = tpu.vector_load %arg11[%swap3A_290] {strides = array<i32>} : memref<32768xf32, #tpu.memory_space<vmem>>, vector<16xf32>,
      %swap3A_292 = vector.shape_cast %swap3A_291 : vector<16xf32> to vector<16xf32>
      %swap3A_293 = vector.shape_cast %mul3A_289 : vector<16xf32> to vector<16xf32>
      tpu.vector_store %arg11[%swap3A_290], %swap3A_293 {strides = array<i32>} : memref<32768xf32, #tpu.memory_space<vmem>>, vector<16xf32>,
    }
    %scan3A_108 = arith.constant 256 : i32
    %scan3A_109 = arith.constant 0 : i32
    %scan3A_110 = arith.constant 0 : i32
    %scan3A_111 = arith.constant 16 : i32
    %scan3A_112 = arith.addi %scan3A_110, %scan3A_111 : i32
    %scan3A_113 = arith.constant 1 : i32
    scf.for %scan3A_219 = %scan3A_110 to %scan3A_112 step %scan3A_113  : i32 {
      %mul3A_220 = arith.constant 16 : i32
      %mul3A_221 = arith.muli %scan3A_219, %mul3A_220 : i32
      %add3A_222 = arith.constant 256 : i32
      %add3A_223 = arith.addi %add3A_222, %mul3A_221 : i32
      %get3A = arith.index_cast %add3A_223 : i32 to index
      %get3A_224 = tpu.vector_load %arg7[%get3A] {strides = array<i32>} : memref<512xi32, #tpu.memory_space<vmem>>, vector<16xi32>,
      %get3A_225 = vector.shape_cast %get3A_224 : vector<16xi32> to vector<16xi32>
      %mul3A_226 = arith.constant 16 : i32
      %mul3A_227 = arith.muli %scan3A_219, %mul3A_226 : i32
      %add3A_228 = arith.constant 256 : i32
      %add3A_229 = arith.addi %add3A_228, %mul3A_227 : i32
      %get3A_230 = arith.index_cast %add3A_229 : i32 to index
      %get3A_231 = tpu.vector_load %arg8[%get3A_230] {strides = array<i32>} : memref<512xi32, #tpu.memory_space<vmem>>, vector<16xi32>,
      %get3A_232 = vector.shape_cast %get3A_231 : vector<16xi32> to vector<16xi32>
      %mul3A_233 = arith.constant 16 : i32
      %mul3A_234 = arith.muli %scan3A_219, %mul3A_233 : i32
      %add3A_235 = arith.constant 0 : i32
      %add3A_236 = arith.addi %mul3A_234, %add3A_235 : i32
      %slice3A = vector.extract_strided_slice %get3A_225 {offsets = [0], sizes = [1], strides = [1]} : vector<16xi32> to vector<1xi32>
      %squeeze3A = vector.extract %slice3A[0] : i32 from vector<1xi32>
      %dma_start3A = arith.constant 0 : i32
      %dma_start3A_237 = tpu.memref_slice %arg9[%add3A_236, %dma_start3A] : memref<256x64xf32, #tpu.memory_space<vmem>> -> memref<1x64xf32, #tpu.memory_space<vmem>>
      %dma_start3A_238 = tpu.memref_squeeze %dma_start3A_237 : memref<1x64xf32, #tpu.memory_space<vmem>> -> memref<64xf32, #tpu.memory_space<vmem>>
      %dma_start3A_239 = arith.constant 0 : i32
      %dma_start3A_240 = tpu.memref_slice %arg4[%squeeze3A, %dma_start3A_239] : memref<1000000x64xf32, #tpu.memory_space<hbm>> -> memref<1x64xf32, #tpu.memory_space<hbm>>
      %dma_start3A_241 = tpu.memref_squeeze %dma_start3A_240 : memref<1x64xf32, #tpu.memory_space<hbm>> -> memref<64xf32, #tpu.memory_space<hbm>>
      %dma_start3A_242 = arith.constant 0 : i32
      %dma_start3A_243 = tpu.memref_slice %arg9[%add3A_236, %dma_start3A_242] : memref<256x64xf32, #tpu.memory_space<vmem>> -> memref<1x64xf32, #tpu.memory_space<vmem>>
      %dma_start3A_244 = tpu.memref_squeeze %dma_start3A_243 : memref<1x64xf32, #tpu.memory_space<vmem>> -> memref<64xf32, #tpu.memory_space<vmem>>
      %dma_start3A_245 = arith.constant 0 : i32
      %dma_start3A_246 = tpu.memref_slice %arg4[%squeeze3A, %dma_start3A_245] : memref<1000000x64xf32, #tpu.memory_space<hbm>> -> memref<1x64xf32, #tpu.memory_space<hbm>>
      %dma_start3A_247 = tpu.memref_squeeze %dma_start3A_246 : memref<1x64xf32, #tpu.memory_space<hbm>> -> memref<64xf32, #tpu.memory_space<hbm>>
      tpu.enqueue_dma source(%dma_start3A_247 : memref<64xf32, #tpu.memory_space<hbm>>) target(%dma_start3A_244 : memref<64xf32, #tpu.memory_space<vmem>>) target_semaphore(%arg12 : memref<!tpu.dma_semaphore, #tpu.memory_space<semaphore_mem>>)
      %slice3A_248 = vector.extract_strided_slice %get3A_232 {offsets = [0], sizes = [1], strides = [1]} : vector<16xi32> to vector<1xi32>
      %squeeze3A_249 = vector.extract %slice3A_248[0] : i32 from vector<1xi32>
      %dma_start3A_250 = arith.constant 0 : i32
      %dma_start3A_251 = tpu.memref_slice %arg10[%add3A_236, %dma_start3A_250] : memref<256x64xf32, #tpu.memory_space<vmem>> -> memref<1x64xf32, #tpu.memory_space<vmem>>
      %dma_start3A_252 = tpu.memref_squeeze %dma_start3A_251 : memref<1x64xf32, #tpu.memory_space<vmem>> -> memref<64xf32, #tpu.memory_space<vmem>>
      %dma_start3A_253 = arith.constant 0 : i32
      %dma_start3A_254 = tpu.memref_slice %arg5[%squeeze3A_249, %dma_start3A_253] : memref<1000000x64xf32, #tpu.memory_space<hbm>> -> memref<1x64xf32, #tpu.memory_space<hbm>>
      %dma_start3A_255 = tpu.memref_squeeze %dma_start3A_254 : memref<1x64xf32, #tpu.memory_space<hbm>> -> memref<64xf32, #tpu.memory_space<hbm>>
      %dma_start3A_256 = arith.constant 0 : i32
      %dma_start3A_257 = tpu.memref_slice %arg10[%add3A_236, %dma_start3A_256] : memref<256x64xf32, #tpu.memory_space<vmem>> -> memref<1x64xf32, #tpu.memory_space<vmem>>
      %dma_start3A_258 = tpu.memref_squeeze %dma_start3A_257 : memref<1x64xf32, #tpu.memory_space<vmem>> -> memref<64xf32, #tpu.memory_space<vmem>>
      %dma_start3A_259 = arith.constant 0 : i32
      %dma_start3A_260 = tpu.memref_slice %arg5[%squeeze3A_249, %dma_start3A_259] : memref<1000000x64xf32, #tpu.memory_space<hbm>> -> memref<1x64xf32, #tpu.memory_space<hbm>>
      %dma_start3A_261 = tpu.memref_squeeze %dma_start3A_260 : memref<1x64xf32, #tpu.memory_space<hbm>> -> memref<64xf32, #tpu.memory_space<hbm>>
      tpu.enqueue_dma source(%dma_start3A_261 : memref<64xf32, #tpu.memory_space<hbm>>) target(%dma_start3A_258 : memref<64xf32, #tpu.memory_space<vmem>>) target_semaphore(%arg13 : memref<!tpu.dma_semaphore, #tpu.memory_space<semaphore_mem>>)
      %mul3A_262 = arith.constant 16 : i32
      %mul3A_263 = arith.muli %scan3A_219, %mul3A_262 : i32
      %add3A_264 = arith.constant 1 : i32
      %add3A_265 = arith.addi %mul3A_263, %add3A_264 : i32
      %slice3A_266 = vector.extract_strided_slice %get3A_225 {offsets = [1], sizes = [1], strides = [1]} : vector<16xi32> to vector<1xi32>
      %squeeze3A_267 = vector.extract %slice3A_266[0] : i32 from vector<1xi32>
      %dma_start3A_268 = arith.constant 0 : i32
      %dma_start3A_269 = tpu.memref_slice %arg9[%add3A_265, %dma_start3A_268] : memref<256x64xf32, #tpu.memory_space<vmem>> -> memref<1x64xf32, #tpu.memory_space<vmem>>
      %dma_start3A_270 = tpu.memref_squeeze %dma_start3A_269 : memref<1x64xf32, #tpu.memory_space<vmem>> -> memref<64xf32, #tpu.memory_space<vmem>>
      %dma_start3A_271 = arith.constant 0 : i32
      %dma_start3A_272 = tpu.memref_slice %arg4[%squeeze3A_267, %dma_start3A_271] : memref<1000000x64xf32, #tpu.memory_space<hbm>> -> memref<1x64xf32, #tpu.memory_space<hbm>>
      %dma_start3A_273 = tpu.memref_squeeze %dma_start3A_272 : memref<1x64xf32, #tpu.memory_space<hbm>> -> memref<64xf32, #tpu.memory_space<hbm>>
      %dma_start3A_274 = arith.constant 0 : i32
      %dma_start3A_275 = tpu.memref_slice %arg9[%add3A_265, %dma_start3A_274] : memref<256x64xf32, #tpu.memory_space<vmem>> -> memref<1x64xf32, #tpu.memory_space<vmem>>
      %dma_start3A_276 = tpu.memref_squeeze %dma_start3A_275 : memref<1x64xf32, #tpu.memory_space<vmem>> -> memref<64xf32, #tpu.memory_space<vmem>>
      %dma_start3A_277 = arith.constant 0 : i32
      %dma_start3A_278 = tpu.memref_slice %arg4[%squeeze3A_267, %dma_start3A_277] : memref<1000000x64xf32, #tpu.memory_space<hbm>> -> memref<1x64xf32, #tpu.memory_space<hbm>>
      %dma_start3A_279 = tpu.memref_squeeze %dma_start3A_278 : memref<1x64xf32, #tpu.memory_space<hbm>> -> memref<64xf32, #tpu.memory_space<hbm>>
      tpu.enqueue_dma source(%dma_start3A_279 : memref<64xf32, #tpu.memory_space<hbm>>) target(%dma_start3A_276 : memref<64xf32, #tpu.memory_space<vmem>>) target_semaphore(%arg12 : memref<!tpu.dma_semaphore, #tpu.memory_space<semaphore_mem>>)
      %slice3A_280 = vector.extract_strided_slice %get3A_232 {offsets = [1], sizes = [1], strides = [1]} : vector<16xi32> to vector<1xi32>
      %squeeze3A_281 = vector.extract %slice3A_280[0] : i32 from vector<1xi32>
      %dma_start3A_282 = arith.constant 0 : i32
      %dma_start3A_283 = tpu.memref_slice %arg10[%add3A_265, %dma_start3A_282] : memref<256x64xf32, #tpu.memory_space<vmem>> -> memref<1x64xf32, #tpu.memory_space<vmem>>
      %dma_start3A_284 = tpu.memref_squeeze %dma_start3A_283 : memref<1x64xf32, #tpu.memory_space<vmem>> -> memref<64xf32, #tpu.memory_space<vmem>>
      %dma_start3A_285 = arith.constant 0 : i32
      %dma_start3A_286 = tpu.memref_slice %arg5[%squeeze3A_281, %dma_start3A_285] : memref<1000000x64xf32, #tpu.memory_space<hbm>> -> memref<1x64xf32, #tpu.memory_space<hbm>>
      %dma_start3A_287 = tpu.memref_squeeze %dma_start3A_286 : memref<1x64xf32, #tpu.memory_space<hbm>> -> memref<64xf32, #tpu.memory_space<hbm>>
      %dma_start3A_288 = arith.constant 0 : i32
      %dma_start3A_289 = tpu.memref_slice %arg10[%add3A_265, %dma_start3A_288] : memref<256x64xf32, #tpu.memory_space<vmem>> -> memref<1x64xf32, #tpu.memory_space<vmem>>
      %dma_start3A_290 = tpu.memref_squeeze %dma_start3A_289 : memref<1x64xf32, #tpu.memory_space<vmem>> -> memref<64xf32, #tpu.memory_space<vmem>>
      %dma_start3A_291 = arith.constant 0 : i32
      %dma_start3A_292 = tpu.memref_slice %arg5[%squeeze3A_281, %dma_start3A_291] : memref<1000000x64xf32, #tpu.memory_space<hbm>> -> memref<1x64xf32, #tpu.memory_space<hbm>>
      %dma_start3A_293 = tpu.memref_squeeze %dma_start3A_292 : memref<1x64xf32, #tpu.memory_space<hbm>> -> memref<64xf32, #tpu.memory_space<hbm>>
      tpu.enqueue_dma source(%dma_start3A_293 : memref<64xf32, #tpu.memory_space<hbm>>) target(%dma_start3A_290 : memref<64xf32, #tpu.memory_space<vmem>>) target_semaphore(%arg13 : memref<!tpu.dma_semaphore, #tpu.memory_space<semaphore_mem>>)
      %mul3A_294 = arith.constant 16 : i32
      %mul3A_295 = arith.muli %scan3A_219, %mul3A_294 : i32
      %add3A_296 = arith.constant 2 : i32
      %add3A_297 = arith.addi %mul3A_295, %add3A_296 : i32
      %slice3A_298 = vector.extract_strided_slice %get3A_225 {offsets = [2], sizes = [1], strides = [1]} : vector<16xi32> to vector<1xi32>
      %squeeze3A_299 = vector.extract %slice3A_298[0] : i32 from vector<1xi32>
      %dma_start3A_300 = arith.constant 0 : i32
      %dma_start3A_301 = tpu.memref_slice %arg9[%add3A_297, %dma_start3A_300] : memref<256x64xf32, #tpu.memory_space<vmem>> -> memref<1x64xf32, #tpu.memory_space<vmem>>
      %dma_start3A_302 = tpu.memref_squeeze %dma_start3A_301 : memref<1x64xf32, #tpu.memory_space<vmem>> -> memref<64xf32, #tpu.memory_space<vmem>>
      %dma_start3A_303 = arith.constant 0 : i32
      %dma_start3A_304 = tpu.memref_slice %arg4[%squeeze3A_299, %dma_start3A_303] : memref<1000000x64xf32, #tpu.memory_space<hbm>> -> memref<1x64xf32, #tpu.memory_space<hbm>>
      %dma_start3A_305 = tpu.memref_squeeze %dma_start3A_304 : memref<1x64xf32, #tpu.memory_space<hbm>> -> memref<64xf32, #tpu.memory_space<hbm>>
      %dma_start3A_306 = arith.constant 0 : i32
      %dma_start3A_307 = tpu.memref_slice %arg9[%add3A_297, %dma_start3A_306] : memref<256x64xf32, #tpu.memory_space<vmem>> -> memref<1x64xf32, #tpu.memory_space<vmem>>
      %dma_start3A_308 = tpu.memref_squeeze %dma_start3A_307 : memref<1x64xf32, #tpu.memory_space<vmem>> -> memref<64xf32, #tpu.memory_space<vmem>>
      %dma_start3A_309 = arith.constant 0 : i32
      %dma_start3A_310 = tpu.memref_slice %arg4[%squeeze3A_299, %dma_start3A_309] : memref<1000000x64xf32, #tpu.memory_space<hbm>> -> memref<1x64xf32, #tpu.memory_space<hbm>>
      %dma_start3A_311 = tpu.memref_squeeze %dma_start3A_310 : memref<1x64xf32, #tpu.memory_space<hbm>> -> memref<64xf32, #tpu.memory_space<hbm>>
      tpu.enqueue_dma source(%dma_start3A_311 : memref<64xf32, #tpu.memory_space<hbm>>) target(%dma_start3A_308 : memref<64xf32, #tpu.memory_space<vmem>>) target_semaphore(%arg12 : memref<!tpu.dma_semaphore, #tpu.memory_space<semaphore_mem>>)
      %slice3A_312 = vector.extract_strided_slice %get3A_232 {offsets = [2], sizes = [1], strides = [1]} : vector<16xi32> to vector<1xi32>
      %squeeze3A_313 = vector.extract %slice3A_312[0] : i32 from vector<1xi32>
      %dma_start3A_314 = arith.constant 0 : i32
      %dma_start3A_315 = tpu.memref_slice %arg10[%add3A_297, %dma_start3A_314] : memref<256x64xf32, #tpu.memory_space<vmem>> -> memref<1x64xf32, #tpu.memory_space<vmem>>
      %dma_start3A_316 = tpu.memref_squeeze %dma_start3A_315 : memref<1x64xf32, #tpu.memory_space<vmem>> -> memref<64xf32, #tpu.memory_space<vmem>>
      %dma_start3A_317 = arith.constant 0 : i32
      %dma_start3A_318 = tpu.memref_slice %arg5[%squeeze3A_313, %dma_start3A_317] : memref<1000000x64xf32, #tpu.memory_space<hbm>> -> memref<1x64xf32, #tpu.memory_space<hbm>>
      %dma_start3A_319 = tpu.memref_squeeze %dma_start3A_318 : memref<1x64xf32, #tpu.memory_space<hbm>> -> memref<64xf32, #tpu.memory_space<hbm>>
      %dma_start3A_320 = arith.constant 0 : i32
      %dma_start3A_321 = tpu.memref_slice %arg10[%add3A_297, %dma_start3A_320] : memref<256x64xf32, #tpu.memory_space<vmem>> -> memref<1x64xf32, #tpu.memory_space<vmem>>
      %dma_start3A_322 = tpu.memref_squeeze %dma_start3A_321 : memref<1x64xf32, #tpu.memory_space<vmem>> -> memref<64xf32, #tpu.memory_space<vmem>>
      %dma_start3A_323 = arith.constant 0 : i32
      %dma_start3A_324 = tpu.memref_slice %arg5[%squeeze3A_313, %dma_start3A_323] : memref<1000000x64xf32, #tpu.memory_space<hbm>> -> memref<1x64xf32, #tpu.memory_space<hbm>>
      %dma_start3A_325 = tpu.memref_squeeze %dma_start3A_324 : memref<1x64xf32, #tpu.memory_space<hbm>> -> memref<64xf32, #tpu.memory_space<hbm>>
      tpu.enqueue_dma source(%dma_start3A_325 : memref<64xf32, #tpu.memory_space<hbm>>) target(%dma_start3A_322 : memref<64xf32, #tpu.memory_space<vmem>>) target_semaphore(%arg13 : memref<!tpu.dma_semaphore, #tpu.memory_space<semaphore_mem>>)
      %mul3A_326 = arith.constant 16 : i32
      %mul3A_327 = arith.muli %scan3A_219, %mul3A_326 : i32
      %add3A_328 = arith.constant 3 : i32
      %add3A_329 = arith.addi %mul3A_327, %add3A_328 : i32
      %slice3A_330 = vector.extract_strided_slice %get3A_225 {offsets = [3], sizes = [1], strides = [1]} : vector<16xi32> to vector<1xi32>
      %squeeze3A_331 = vector.extract %slice3A_330[0] : i32 from vector<1xi32>
      %dma_start3A_332 = arith.constant 0 : i32
      %dma_start3A_333 = tpu.memref_slice %arg9[%add3A_329, %dma_start3A_332] : memref<256x64xf32, #tpu.memory_space<vmem>> -> memref<1x64xf32, #tpu.memory_space<vmem>>
      %dma_start3A_334 = tpu.memref_squeeze %dma_start3A_333 : memref<1x64xf32, #tpu.memory_space<vmem>> -> memref<64xf32, #tpu.memory_space<vmem>>
      %dma_start3A_335 = arith.constant 0 : i32
      %dma_start3A_336 = tpu.memref_slice %arg4[%squeeze3A_331, %dma_start3A_335] : memref<1000000x64xf32, #tpu.memory_space<hbm>> -> memref<1x64xf32, #tpu.memory_space<hbm>>
      %dma_start3A_337 = tpu.memref_squeeze %dma_start3A_336 : memref<1x64xf32, #tpu.memory_space<hbm>> -> memref<64xf32, #tpu.memory_space<hbm>>
      %dma_start3A_338 = arith.constant 0 : i32
      %dma_start3A_339 = tpu.memref_slice %arg9[%add3A_329, %dma_start3A_338] : memref<256x64xf32, #tpu.memory_space<vmem>> -> memref<1x64xf32, #tpu.memory_space<vmem>>
      %dma_start3A_340 = tpu.memref_squeeze %dma_start3A_339 : memref<1x64xf32, #tpu.memory_space<vmem>> -> memref<64xf32, #tpu.memory_space<vmem>>
      %dma_start3A_341 = arith.constant 0 : i32
      %dma_start3A_342 = tpu.memref_slice %arg4[%squeeze3A_331, %dma_start3A_341] : memref<1000000x64xf32, #tpu.memory_space<hbm>> -> memref<1x64xf32, #tpu.memory_space<hbm>>
      %dma_start3A_343 = tpu.memref_squeeze %dma_start3A_342 : memref<1x64xf32, #tpu.memory_space<hbm>> -> memref<64xf32, #tpu.memory_space<hbm>>
      tpu.enqueue_dma source(%dma_start3A_343 : memref<64xf32, #tpu.memory_space<hbm>>) target(%dma_start3A_340 : memref<64xf32, #tpu.memory_space<vmem>>) target_semaphore(%arg12 : memref<!tpu.dma_semaphore, #tpu.memory_space<semaphore_mem>>)
      %slice3A_344 = vector.extract_strided_slice %get3A_232 {offsets = [3], sizes = [1], strides = [1]} : vector<16xi32> to vector<1xi32>
      %squeeze3A_345 = vector.extract %slice3A_344[0] : i32 from vector<1xi32>
      %dma_start3A_346 = arith.constant 0 : i32
      %dma_start3A_347 = tpu.memref_slice %arg10[%add3A_329, %dma_start3A_346] : memref<256x64xf32, #tpu.memory_space<vmem>> -> memref<1x64xf32, #tpu.memory_space<vmem>>
      %dma_start3A_348 = tpu.memref_squeeze %dma_start3A_347 : memref<1x64xf32, #tpu.memory_space<vmem>> -> memref<64xf32, #tpu.memory_space<vmem>>
      %dma_start3A_349 = arith.constant 0 : i32
      %dma_start3A_350 = tpu.memref_slice %arg5[%squeeze3A_345, %dma_start3A_349] : memref<1000000x64xf32, #tpu.memory_space<hbm>> -> memref<1x64xf32, #tpu.memory_space<hbm>>
      %dma_start3A_351 = tpu.memref_squeeze %dma_start3A_350 : memref<1x64xf32, #tpu.memory_space<hbm>> -> memref<64xf32, #tpu.memory_space<hbm>>
      %dma_start3A_352 = arith.constant 0 : i32
      %dma_start3A_353 = tpu.memref_slice %arg10[%add3A_329, %dma_start3A_352] : memref<256x64xf32, #tpu.memory_space<vmem>> -> memref<1x64xf32, #tpu.memory_space<vmem>>
      %dma_start3A_354 = tpu.memref_squeeze %dma_start3A_353 : memref<1x64xf32, #tpu.memory_space<vmem>> -> memref<64xf32, #tpu.memory_space<vmem>>
      %dma_start3A_355 = arith.constant 0 : i32
      %dma_start3A_356 = tpu.memref_slice %arg5[%squeeze3A_345, %dma_start3A_355] : memref<1000000x64xf32, #tpu.memory_space<hbm>> -> memref<1x64xf32, #tpu.memory_space<hbm>>
      %dma_start3A_357 = tpu.memref_squeeze %dma_start3A_356 : memref<1x64xf32, #tpu.memory_space<hbm>> -> memref<64xf32, #tpu.memory_space<hbm>>
      tpu.enqueue_dma source(%dma_start3A_357 : memref<64xf32, #tpu.memory_space<hbm>>) target(%dma_start3A_354 : memref<64xf32, #tpu.memory_space<vmem>>) target_semaphore(%arg13 : memref<!tpu.dma_semaphore, #tpu.memory_space<semaphore_mem>>)
      %mul3A_358 = arith.constant 16 : i32
      %mul3A_359 = arith.muli %scan3A_219, %mul3A_358 : i32
      %add3A_360 = arith.constant 4 : i32
      %add3A_361 = arith.addi %mul3A_359, %add3A_360 : i32
      %slice3A_362 = vector.extract_strided_slice %get3A_225 {offsets = [4], sizes = [1], strides = [1]} : vector<16xi32> to vector<1xi32>
      %squeeze3A_363 = vector.extract %slice3A_362[0] : i32 from vector<1xi32>
      %dma_start3A_364 = arith.constant 0 : i32
      %dma_start3A_365 = tpu.memref_slice %arg9[%add3A_361, %dma_start3A_364] : memref<256x64xf32, #tpu.memory_space<vmem>> -> memref<1x64xf32, #tpu.memory_space<vmem>>
      %dma_start3A_366 = tpu.memref_squeeze %dma_start3A_365 : memref<1x64xf32, #tpu.memory_space<vmem>> -> memref<64xf32, #tpu.memory_space<vmem>>
      %dma_start3A_367 = arith.constant 0 : i32
      %dma_start3A_368 = tpu.memref_slice %arg4[%squeeze3A_363, %dma_start3A_367] : memref<1000000x64xf32, #tpu.memory_space<hbm>> -> memref<1x64xf32, #tpu.memory_space<hbm>>
      %dma_start3A_369 = tpu.memref_squeeze %dma_start3A_368 : memref<1x64xf32, #tpu.memory_space<hbm>> -> memref<64xf32, #tpu.memory_space<hbm>>
      %dma_start3A_370 = arith.constant 0 : i32
      %dma_start3A_371 = tpu.memref_slice %arg9[%add3A_361, %dma_start3A_370] : memref<256x64xf32, #tpu.memory_space<vmem>> -> memref<1x64xf32, #tpu.memory_space<vmem>>
      %dma_start3A_372 = tpu.memref_squeeze %dma_start3A_371 : memref<1x64xf32, #tpu.memory_space<vmem>> -> memref<64xf32, #tpu.memory_space<vmem>>
      %dma_start3A_373 = arith.constant 0 : i32
      %dma_start3A_374 = tpu.memref_slice %arg4[%squeeze3A_363, %dma_start3A_373] : memref<1000000x64xf32, #tpu.memory_space<hbm>> -> memref<1x64xf32, #tpu.memory_space<hbm>>
      %dma_start3A_375 = tpu.memref_squeeze %dma_start3A_374 : memref<1x64xf32, #tpu.memory_space<hbm>> -> memref<64xf32, #tpu.memory_space<hbm>>
      tpu.enqueue_dma source(%dma_start3A_375 : memref<64xf32, #tpu.memory_space<hbm>>) target(%dma_start3A_372 : memref<64xf32, #tpu.memory_space<vmem>>) target_semaphore(%arg12 : memref<!tpu.dma_semaphore, #tpu.memory_space<semaphore_mem>>)
      %slice3A_376 = vector.extract_strided_slice %get3A_232 {offsets = [4], sizes = [1], strides = [1]} : vector<16xi32> to vector<1xi32>
      %squeeze3A_377 = vector.extract %slice3A_376[0] : i32 from vector<1xi32>
      %dma_start3A_378 = arith.constant 0 : i32
      %dma_start3A_379 = tpu.memref_slice %arg10[%add3A_361, %dma_start3A_378] : memref<256x64xf32, #tpu.memory_space<vmem>> -> memref<1x64xf32, #tpu.memory_space<vmem>>
      %dma_start3A_380 = tpu.memref_squeeze %dma_start3A_379 : memref<1x64xf32, #tpu.memory_space<vmem>> -> memref<64xf32, #tpu.memory_space<vmem>>
      %dma_start3A_381 = arith.constant 0 : i32
      %dma_start3A_382 = tpu.memref_slice %arg5[%squeeze3A_377, %dma_start3A_381] : memref<1000000x64xf32, #tpu.memory_space<hbm>> -> memref<1x64xf32, #tpu.memory_space<hbm>>
      %dma_start3A_383 = tpu.memref_squeeze %dma_start3A_382 : memref<1x64xf32, #tpu.memory_space<hbm>> -> memref<64xf32, #tpu.memory_space<hbm>>
      %dma_start3A_384 = arith.constant 0 : i32
      %dma_start3A_385 = tpu.memref_slice %arg10[%add3A_361, %dma_start3A_384] : memref<256x64xf32, #tpu.memory_space<vmem>> -> memref<1x64xf32, #tpu.memory_space<vmem>>
      %dma_start3A_386 = tpu.memref_squeeze %dma_start3A_385 : memref<1x64xf32, #tpu.memory_space<vmem>> -> memref<64xf32, #tpu.memory_space<vmem>>
      %dma_start3A_387 = arith.constant 0 : i32
      %dma_start3A_388 = tpu.memref_slice %arg5[%squeeze3A_377, %dma_start3A_387] : memref<1000000x64xf32, #tpu.memory_space<hbm>> -> memref<1x64xf32, #tpu.memory_space<hbm>>
      %dma_start3A_389 = tpu.memref_squeeze %dma_start3A_388 : memref<1x64xf32, #tpu.memory_space<hbm>> -> memref<64xf32, #tpu.memory_space<hbm>>
      tpu.enqueue_dma source(%dma_start3A_389 : memref<64xf32, #tpu.memory_space<hbm>>) target(%dma_start3A_386 : memref<64xf32, #tpu.memory_space<vmem>>) target_semaphore(%arg13 : memref<!tpu.dma_semaphore, #tpu.memory_space<semaphore_mem>>)
      %mul3A_390 = arith.constant 16 : i32
      %mul3A_391 = arith.muli %scan3A_219, %mul3A_390 : i32
      %add3A_392 = arith.constant 5 : i32
      %add3A_393 = arith.addi %mul3A_391, %add3A_392 : i32
      %slice3A_394 = vector.extract_strided_slice %get3A_225 {offsets = [5], sizes = [1], strides = [1]} : vector<16xi32> to vector<1xi32>
      %squeeze3A_395 = vector.extract %slice3A_394[0] : i32 from vector<1xi32>
      %dma_start3A_396 = arith.constant 0 : i32
      %dma_start3A_397 = tpu.memref_slice %arg9[%add3A_393, %dma_start3A_396] : memref<256x64xf32, #tpu.memory_space<vmem>> -> memref<1x64xf32, #tpu.memory_space<vmem>>
      %dma_start3A_398 = tpu.memref_squeeze %dma_start3A_397 : memref<1x64xf32, #tpu.memory_space<vmem>> -> memref<64xf32, #tpu.memory_space<vmem>>
      %dma_start3A_399 = arith.constant 0 : i32
      %dma_start3A_400 = tpu.memref_slice %arg4[%squeeze3A_395, %dma_start3A_399] : memref<1000000x64xf32, #tpu.memory_space<hbm>> -> memref<1x64xf32, #tpu.memory_space<hbm>>
      %dma_start3A_401 = tpu.memref_squeeze %dma_start3A_400 : memref<1x64xf32, #tpu.memory_space<hbm>> -> memref<64xf32, #tpu.memory_space<hbm>>
      %dma_start3A_402 = arith.constant 0 : i32
      %dma_start3A_403 = tpu.memref_slice %arg9[%add3A_393, %dma_start3A_402] : memref<256x64xf32, #tpu.memory_space<vmem>> -> memref<1x64xf32, #tpu.memory_space<vmem>>
      %dma_start3A_404 = tpu.memref_squeeze %dma_start3A_403 : memref<1x64xf32, #tpu.memory_space<vmem>> -> memref<64xf32, #tpu.memory_space<vmem>>
      %dma_start3A_405 = arith.constant 0 : i32
      %dma_start3A_406 = tpu.memref_slice %arg4[%squeeze3A_395, %dma_start3A_405] : memref<1000000x64xf32, #tpu.memory_space<hbm>> -> memref<1x64xf32, #tpu.memory_space<hbm>>
      %dma_start3A_407 = tpu.memref_squeeze %dma_start3A_406 : memref<1x64xf32, #tpu.memory_space<hbm>> -> memref<64xf32, #tpu.memory_space<hbm>>
      tpu.enqueue_dma source(%dma_start3A_407 : memref<64xf32, #tpu.memory_space<hbm>>) target(%dma_start3A_404 : memref<64xf32, #tpu.memory_space<vmem>>) target_semaphore(%arg12 : memref<!tpu.dma_semaphore, #tpu.memory_space<semaphore_mem>>)
      %slice3A_408 = vector.extract_strided_slice %get3A_232 {offsets = [5], sizes = [1], strides = [1]} : vector<16xi32> to vector<1xi32>
      %squeeze3A_409 = vector.extract %slice3A_408[0] : i32 from vector<1xi32>
      %dma_start3A_410 = arith.constant 0 : i32
      %dma_start3A_411 = tpu.memref_slice %arg10[%add3A_393, %dma_start3A_410] : memref<256x64xf32, #tpu.memory_space<vmem>> -> memref<1x64xf32, #tpu.memory_space<vmem>>
      %dma_start3A_412 = tpu.memref_squeeze %dma_start3A_411 : memref<1x64xf32, #tpu.memory_space<vmem>> -> memref<64xf32, #tpu.memory_space<vmem>>
      %dma_start3A_413 = arith.constant 0 : i32
      %dma_start3A_414 = tpu.memref_slice %arg5[%squeeze3A_409, %dma_start3A_413] : memref<1000000x64xf32, #tpu.memory_space<hbm>> -> memref<1x64xf32, #tpu.memory_space<hbm>>
      %dma_start3A_415 = tpu.memref_squeeze %dma_start3A_414 : memref<1x64xf32, #tpu.memory_space<hbm>> -> memref<64xf32, #tpu.memory_space<hbm>>
      %dma_start3A_416 = arith.constant 0 : i32
      %dma_start3A_417 = tpu.memref_slice %arg10[%add3A_393, %dma_start3A_416] : memref<256x64xf32, #tpu.memory_space<vmem>> -> memref<1x64xf32, #tpu.memory_space<vmem>>
      %dma_start3A_418 = tpu.memref_squeeze %dma_start3A_417 : memref<1x64xf32, #tpu.memory_space<vmem>> -> memref<64xf32, #tpu.memory_space<vmem>>
      %dma_start3A_419 = arith.constant 0 : i32
      %dma_start3A_420 = tpu.memref_slice %arg5[%squeeze3A_409, %dma_start3A_419] : memref<1000000x64xf32, #tpu.memory_space<hbm>> -> memref<1x64xf32, #tpu.memory_space<hbm>>
      %dma_start3A_421 = tpu.memref_squeeze %dma_start3A_420 : memref<1x64xf32, #tpu.memory_space<hbm>> -> memref<64xf32, #tpu.memory_space<hbm>>
      tpu.enqueue_dma source(%dma_start3A_421 : memref<64xf32, #tpu.memory_space<hbm>>) target(%dma_start3A_418 : memref<64xf32, #tpu.memory_space<vmem>>) target_semaphore(%arg13 : memref<!tpu.dma_semaphore, #tpu.memory_space<semaphore_mem>>)
      %mul3A_422 = arith.constant 16 : i32
      %mul3A_423 = arith.muli %scan3A_219, %mul3A_422 : i32
      %add3A_424 = arith.constant 6 : i32
      %add3A_425 = arith.addi %mul3A_423, %add3A_424 : i32
      %slice3A_426 = vector.extract_strided_slice %get3A_225 {offsets = [6], sizes = [1], strides = [1]} : vector<16xi32> to vector<1xi32>
      %squeeze3A_427 = vector.extract %slice3A_426[0] : i32 from vector<1xi32>
      %dma_start3A_428 = arith.constant 0 : i32
      %dma_start3A_429 = tpu.memref_slice %arg9[%add3A_425, %dma_start3A_428] : memref<256x64xf32, #tpu.memory_space<vmem>> -> memref<1x64xf32, #tpu.memory_space<vmem>>
      %dma_start3A_430 = tpu.memref_squeeze %dma_start3A_429 : memref<1x64xf32, #tpu.memory_space<vmem>> -> memref<64xf32, #tpu.memory_space<vmem>>
      %dma_start3A_431 = arith.constant 0 : i32
      %dma_start3A_432 = tpu.memref_slice %arg4[%squeeze3A_427, %dma_start3A_431] : memref<1000000x64xf32, #tpu.memory_space<hbm>> -> memref<1x64xf32, #tpu.memory_space<hbm>>
      %dma_start3A_433 = tpu.memref_squeeze %dma_start3A_432 : memref<1x64xf32, #tpu.memory_space<hbm>> -> memref<64xf32, #tpu.memory_space<hbm>>
      %dma_start3A_434 = arith.constant 0 : i32
      %dma_start3A_435 = tpu.memref_slice %arg9[%add3A_425, %dma_start3A_434] : memref<256x64xf32, #tpu.memory_space<vmem>> -> memref<1x64xf32, #tpu.memory_space<vmem>>
      %dma_start3A_436 = tpu.memref_squeeze %dma_start3A_435 : memref<1x64xf32, #tpu.memory_space<vmem>> -> memref<64xf32, #tpu.memory_space<vmem>>
      %dma_start3A_437 = arith.constant 0 : i32
      %dma_start3A_438 = tpu.memref_slice %arg4[%squeeze3A_427, %dma_start3A_437] : memref<1000000x64xf32, #tpu.memory_space<hbm>> -> memref<1x64xf32, #tpu.memory_space<hbm>>
      %dma_start3A_439 = tpu.memref_squeeze %dma_start3A_438 : memref<1x64xf32, #tpu.memory_space<hbm>> -> memref<64xf32, #tpu.memory_space<hbm>>
      tpu.enqueue_dma source(%dma_start3A_439 : memref<64xf32, #tpu.memory_space<hbm>>) target(%dma_start3A_436 : memref<64xf32, #tpu.memory_space<vmem>>) target_semaphore(%arg12 : memref<!tpu.dma_semaphore, #tpu.memory_space<semaphore_mem>>)
      %slice3A_440 = vector.extract_strided_slice %get3A_232 {offsets = [6], sizes = [1], strides = [1]} : vector<16xi32> to vector<1xi32>
      %squeeze3A_441 = vector.extract %slice3A_440[0] : i32 from vector<1xi32>
      %dma_start3A_442 = arith.constant 0 : i32
      %dma_start3A_443 = tpu.memref_slice %arg10[%add3A_425, %dma_start3A_442] : memref<256x64xf32, #tpu.memory_space<vmem>> -> memref<1x64xf32, #tpu.memory_space<vmem>>
      %dma_start3A_444 = tpu.memref_squeeze %dma_start3A_443 : memref<1x64xf32, #tpu.memory_space<vmem>> -> memref<64xf32, #tpu.memory_space<vmem>>
      %dma_start3A_445 = arith.constant 0 : i32
      %dma_start3A_446 = tpu.memref_slice %arg5[%squeeze3A_441, %dma_start3A_445] : memref<1000000x64xf32, #tpu.memory_space<hbm>> -> memref<1x64xf32, #tpu.memory_space<hbm>>
      %dma_start3A_447 = tpu.memref_squeeze %dma_start3A_446 : memref<1x64xf32, #tpu.memory_space<hbm>> -> memref<64xf32, #tpu.memory_space<hbm>>
      %dma_start3A_448 = arith.constant 0 : i32
      %dma_start3A_449 = tpu.memref_slice %arg10[%add3A_425, %dma_start3A_448] : memref<256x64xf32, #tpu.memory_space<vmem>> -> memref<1x64xf32, #tpu.memory_space<vmem>>
      %dma_start3A_450 = tpu.memref_squeeze %dma_start3A_449 : memref<1x64xf32, #tpu.memory_space<vmem>> -> memref<64xf32, #tpu.memory_space<vmem>>
      %dma_start3A_451 = arith.constant 0 : i32
      %dma_start3A_452 = tpu.memref_slice %arg5[%squeeze3A_441, %dma_start3A_451] : memref<1000000x64xf32, #tpu.memory_space<hbm>> -> memref<1x64xf32, #tpu.memory_space<hbm>>
      %dma_start3A_453 = tpu.memref_squeeze %dma_start3A_452 : memref<1x64xf32, #tpu.memory_space<hbm>> -> memref<64xf32, #tpu.memory_space<hbm>>
      tpu.enqueue_dma source(%dma_start3A_453 : memref<64xf32, #tpu.memory_space<hbm>>) target(%dma_start3A_450 : memref<64xf32, #tpu.memory_space<vmem>>) target_semaphore(%arg13 : memref<!tpu.dma_semaphore, #tpu.memory_space<semaphore_mem>>)
      %mul3A_454 = arith.constant 16 : i32
      %mul3A_455 = arith.muli %scan3A_219, %mul3A_454 : i32
      %add3A_456 = arith.constant 7 : i32
      %add3A_457 = arith.addi %mul3A_455, %add3A_456 : i32
      %slice3A_458 = vector.extract_strided_slice %get3A_225 {offsets = [7], sizes = [1], strides = [1]} : vector<16xi32> to vector<1xi32>
      %squeeze3A_459 = vector.extract %slice3A_458[0] : i32 from vector<1xi32>
      %dma_start3A_460 = arith.constant 0 : i32
      %dma_start3A_461 = tpu.memref_slice %arg9[%add3A_457, %dma_start3A_460] : memref<256x64xf32, #tpu.memory_space<vmem>> -> memref<1x64xf32, #tpu.memory_space<vmem>>
      %dma_start3A_462 = tpu.memref_squeeze %dma_start3A_461 : memref<1x64xf32, #tpu.memory_space<vmem>> -> memref<64xf32, #tpu.memory_space<vmem>>
      %dma_start3A_463 = arith.constant 0 : i32
      %dma_start3A_464 = tpu.memref_slice %arg4[%squeeze3A_459, %dma_start3A_463] : memref<1000000x64xf32, #tpu.memory_space<hbm>> -> memref<1x64xf32, #tpu.memory_space<hbm>>
      %dma_start3A_465 = tpu.memref_squeeze %dma_start3A_464 : memref<1x64xf32, #tpu.memory_space<hbm>> -> memref<64xf32, #tpu.memory_space<hbm>>
      %dma_start3A_466 = arith.constant 0 : i32
      %dma_start3A_467 = tpu.memref_slice %arg9[%add3A_457, %dma_start3A_466] : memref<256x64xf32, #tpu.memory_space<vmem>> -> memref<1x64xf32, #tpu.memory_space<vmem>>
      %dma_start3A_468 = tpu.memref_squeeze %dma_start3A_467 : memref<1x64xf32, #tpu.memory_space<vmem>> -> memref<64xf32, #tpu.memory_space<vmem>>
      %dma_start3A_469 = arith.constant 0 : i32
      %dma_start3A_470 = tpu.memref_slice %arg4[%squeeze3A_459, %dma_start3A_469] : memref<1000000x64xf32, #tpu.memory_space<hbm>> -> memref<1x64xf32, #tpu.memory_space<hbm>>
      %dma_start3A_471 = tpu.memref_squeeze %dma_start3A_470 : memref<1x64xf32, #tpu.memory_space<hbm>> -> memref<64xf32, #tpu.memory_space<hbm>>
      tpu.enqueue_dma source(%dma_start3A_471 : memref<64xf32, #tpu.memory_space<hbm>>) target(%dma_start3A_468 : memref<64xf32, #tpu.memory_space<vmem>>) target_semaphore(%arg12 : memref<!tpu.dma_semaphore, #tpu.memory_space<semaphore_mem>>)
      %slice3A_472 = vector.extract_strided_slice %get3A_232 {offsets = [7], sizes = [1], strides = [1]} : vector<16xi32> to vector<1xi32>
      %squeeze3A_473 = vector.extract %slice3A_472[0] : i32 from vector<1xi32>
      %dma_start3A_474 = arith.constant 0 : i32
      %dma_start3A_475 = tpu.memref_slice %arg10[%add3A_457, %dma_start3A_474] : memref<256x64xf32, #tpu.memory_space<vmem>> -> memref<1x64xf32, #tpu.memory_space<vmem>>
      %dma_start3A_476 = tpu.memref_squeeze %dma_start3A_475 : memref<1x64xf32, #tpu.memory_space<vmem>> -> memref<64xf32, #tpu.memory_space<vmem>>
      %dma_start3A_477 = arith.constant 0 : i32
      %dma_start3A_478 = tpu.memref_slice %arg5[%squeeze3A_473, %dma_start3A_477] : memref<1000000x64xf32, #tpu.memory_space<hbm>> -> memref<1x64xf32, #tpu.memory_space<hbm>>
      %dma_start3A_479 = tpu.memref_squeeze %dma_start3A_478 : memref<1x64xf32, #tpu.memory_space<hbm>> -> memref<64xf32, #tpu.memory_space<hbm>>
      %dma_start3A_480 = arith.constant 0 : i32
      %dma_start3A_481 = tpu.memref_slice %arg10[%add3A_457, %dma_start3A_480] : memref<256x64xf32, #tpu.memory_space<vmem>> -> memref<1x64xf32, #tpu.memory_space<vmem>>
      %dma_start3A_482 = tpu.memref_squeeze %dma_start3A_481 : memref<1x64xf32, #tpu.memory_space<vmem>> -> memref<64xf32, #tpu.memory_space<vmem>>
      %dma_start3A_483 = arith.constant 0 : i32
      %dma_start3A_484 = tpu.memref_slice %arg5[%squeeze3A_473, %dma_start3A_483] : memref<1000000x64xf32, #tpu.memory_space<hbm>> -> memref<1x64xf32, #tpu.memory_space<hbm>>
      %dma_start3A_485 = tpu.memref_squeeze %dma_start3A_484 : memref<1x64xf32, #tpu.memory_space<hbm>> -> memref<64xf32, #tpu.memory_space<hbm>>
      tpu.enqueue_dma source(%dma_start3A_485 : memref<64xf32, #tpu.memory_space<hbm>>) target(%dma_start3A_482 : memref<64xf32, #tpu.memory_space<vmem>>) target_semaphore(%arg13 : memref<!tpu.dma_semaphore, #tpu.memory_space<semaphore_mem>>)
      %mul3A_486 = arith.constant 16 : i32
      %mul3A_487 = arith.muli %scan3A_219, %mul3A_486 : i32
      %add3A_488 = arith.constant 8 : i32
      %add3A_489 = arith.addi %mul3A_487, %add3A_488 : i32
      %slice3A_490 = vector.extract_strided_slice %get3A_225 {offsets = [8], sizes = [1], strides = [1]} : vector<16xi32> to vector<1xi32>
      %squeeze3A_491 = vector.extract %slice3A_490[0] : i32 from vector<1xi32>
      %dma_start3A_492 = arith.constant 0 : i32
      %dma_start3A_493 = tpu.memref_slice %arg9[%add3A_489, %dma_start3A_492] : memref<256x64xf32, #tpu.memory_space<vmem>> -> memref<1x64xf32, #tpu.memory_space<vmem>>
      %dma_start3A_494 = tpu.memref_squeeze %dma_start3A_493 : memref<1x64xf32, #tpu.memory_space<vmem>> -> memref<64xf32, #tpu.memory_space<vmem>>
      %dma_start3A_495 = arith.constant 0 : i32
      %dma_start3A_496 = tpu.memref_slice %arg4[%squeeze3A_491, %dma_start3A_495] : memref<1000000x64xf32, #tpu.memory_space<hbm>> -> memref<1x64xf32, #tpu.memory_space<hbm>>
      %dma_start3A_497 = tpu.memref_squeeze %dma_start3A_496 : memref<1x64xf32, #tpu.memory_space<hbm>> -> memref<64xf32, #tpu.memory_space<hbm>>
      %dma_start3A_498 = arith.constant 0 : i32
      %dma_start3A_499 = tpu.memref_slice %arg9[%add3A_489, %dma_start3A_498] : memref<256x64xf32, #tpu.memory_space<vmem>> -> memref<1x64xf32, #tpu.memory_space<vmem>>
      %dma_start3A_500 = tpu.memref_squeeze %dma_start3A_499 : memref<1x64xf32, #tpu.memory_space<vmem>> -> memref<64xf32, #tpu.memory_space<vmem>>
      %dma_start3A_501 = arith.constant 0 : i32
      %dma_start3A_502 = tpu.memref_slice %arg4[%squeeze3A_491, %dma_start3A_501] : memref<1000000x64xf32, #tpu.memory_space<hbm>> -> memref<1x64xf32, #tpu.memory_space<hbm>>
      %dma_start3A_503 = tpu.memref_squeeze %dma_start3A_502 : memref<1x64xf32, #tpu.memory_space<hbm>> -> memref<64xf32, #tpu.memory_space<hbm>>
      tpu.enqueue_dma source(%dma_start3A_503 : memref<64xf32, #tpu.memory_space<hbm>>) target(%dma_start3A_500 : memref<64xf32, #tpu.memory_space<vmem>>) target_semaphore(%arg12 : memref<!tpu.dma_semaphore, #tpu.memory_space<semaphore_mem>>)
      %slice3A_504 = vector.extract_strided_slice %get3A_232 {offsets = [8], sizes = [1], strides = [1]} : vector<16xi32> to vector<1xi32>
      %squeeze3A_505 = vector.extract %slice3A_504[0] : i32 from vector<1xi32>
      %dma_start3A_506 = arith.constant 0 : i32
      %dma_start3A_507 = tpu.memref_slice %arg10[%add3A_489, %dma_start3A_506] : memref<256x64xf32, #tpu.memory_space<vmem>> -> memref<1x64xf32, #tpu.memory_space<vmem>>
      %dma_start3A_508 = tpu.memref_squeeze %dma_start3A_507 : memref<1x64xf32, #tpu.memory_space<vmem>> -> memref<64xf32, #tpu.memory_space<vmem>>
      %dma_start3A_509 = arith.constant 0 : i32
      %dma_start3A_510 = tpu.memref_slice %arg5[%squeeze3A_505, %dma_start3A_509] : memref<1000000x64xf32, #tpu.memory_space<hbm>> -> memref<1x64xf32, #tpu.memory_space<hbm>>
      %dma_start3A_511 = tpu.memref_squeeze %dma_start3A_510 : memref<1x64xf32, #tpu.memory_space<hbm>> -> memref<64xf32, #tpu.memory_space<hbm>>
      %dma_start3A_512 = arith.constant 0 : i32
      %dma_start3A_513 = tpu.memref_slice %arg10[%add3A_489, %dma_start3A_512] : memref<256x64xf32, #tpu.memory_space<vmem>> -> memref<1x64xf32, #tpu.memory_space<vmem>>
      %dma_start3A_514 = tpu.memref_squeeze %dma_start3A_513 : memref<1x64xf32, #tpu.memory_space<vmem>> -> memref<64xf32, #tpu.memory_space<vmem>>
      %dma_start3A_515 = arith.constant 0 : i32
      %dma_start3A_516 = tpu.memref_slice %arg5[%squeeze3A_505, %dma_start3A_515] : memref<1000000x64xf32, #tpu.memory_space<hbm>> -> memref<1x64xf32, #tpu.memory_space<hbm>>
      %dma_start3A_517 = tpu.memref_squeeze %dma_start3A_516 : memref<1x64xf32, #tpu.memory_space<hbm>> -> memref<64xf32, #tpu.memory_space<hbm>>
      tpu.enqueue_dma source(%dma_start3A_517 : memref<64xf32, #tpu.memory_space<hbm>>) target(%dma_start3A_514 : memref<64xf32, #tpu.memory_space<vmem>>) target_semaphore(%arg13 : memref<!tpu.dma_semaphore, #tpu.memory_space<semaphore_mem>>)
      %mul3A_518 = arith.constant 16 : i32
      %mul3A_519 = arith.muli %scan3A_219, %mul3A_518 : i32
      %add3A_520 = arith.constant 9 : i32
      %add3A_521 = arith.addi %mul3A_519, %add3A_520 : i32
      %slice3A_522 = vector.extract_strided_slice %get3A_225 {offsets = [9], sizes = [1], strides = [1]} : vector<16xi32> to vector<1xi32>
      %squeeze3A_523 = vector.extract %slice3A_522[0] : i32 from vector<1xi32>
      %dma_start3A_524 = arith.constant 0 : i32
      %dma_start3A_525 = tpu.memref_slice %arg9[%add3A_521, %dma_start3A_524] : memref<256x64xf32, #tpu.memory_space<vmem>> -> memref<1x64xf32, #tpu.memory_space<vmem>>
      %dma_start3A_526 = tpu.memref_squeeze %dma_start3A_525 : memref<1x64xf32, #tpu.memory_space<vmem>> -> memref<64xf32, #tpu.memory_space<vmem>>
      %dma_start3A_527 = arith.constant 0 : i32
      %dma_start3A_528 = tpu.memref_slice %arg4[%squeeze3A_523, %dma_start3A_527] : memref<1000000x64xf32, #tpu.memory_space<hbm>> -> memref<1x64xf32, #tpu.memory_space<hbm>>
      %dma_start3A_529 = tpu.memref_squeeze %dma_start3A_528 : memref<1x64xf32, #tpu.memory_space<hbm>> -> memref<64xf32, #tpu.memory_space<hbm>>
      %dma_start3A_530 = arith.constant 0 : i32
      %dma_start3A_531 = tpu.memref_slice %arg9[%add3A_521, %dma_start3A_530] : memref<256x64xf32, #tpu.memory_space<vmem>> -> memref<1x64xf32, #tpu.memory_space<vmem>>
      %dma_start3A_532 = tpu.memref_squeeze %dma_start3A_531 : memref<1x64xf32, #tpu.memory_space<vmem>> -> memref<64xf32, #tpu.memory_space<vmem>>
      %dma_start3A_533 = arith.constant 0 : i32
      %dma_start3A_534 = tpu.memref_slice %arg4[%squeeze3A_523, %dma_start3A_533] : memref<1000000x64xf32, #tpu.memory_space<hbm>> -> memref<1x64xf32, #tpu.memory_space<hbm>>
      %dma_start3A_535 = tpu.memref_squeeze %dma_start3A_534 : memref<1x64xf32, #tpu.memory_space<hbm>> -> memref<64xf32, #tpu.memory_space<hbm>>
      tpu.enqueue_dma source(%dma_start3A_535 : memref<64xf32, #tpu.memory_space<hbm>>) target(%dma_start3A_532 : memref<64xf32, #tpu.memory_space<vmem>>) target_semaphore(%arg12 : memref<!tpu.dma_semaphore, #tpu.memory_space<semaphore_mem>>)
      %slice3A_536 = vector.extract_strided_slice %get3A_232 {offsets = [9], sizes = [1], strides = [1]} : vector<16xi32> to vector<1xi32>
      %squeeze3A_537 = vector.extract %slice3A_536[0] : i32 from vector<1xi32>
      %dma_start3A_538 = arith.constant 0 : i32
      %dma_start3A_539 = tpu.memref_slice %arg10[%add3A_521, %dma_start3A_538] : memref<256x64xf32, #tpu.memory_space<vmem>> -> memref<1x64xf32, #tpu.memory_space<vmem>>
      %dma_start3A_540 = tpu.memref_squeeze %dma_start3A_539 : memref<1x64xf32, #tpu.memory_space<vmem>> -> memref<64xf32, #tpu.memory_space<vmem>>
      %dma_start3A_541 = arith.constant 0 : i32
      %dma_start3A_542 = tpu.memref_slice %arg5[%squeeze3A_537, %dma_start3A_541] : memref<1000000x64xf32, #tpu.memory_space<hbm>> -> memref<1x64xf32, #tpu.memory_space<hbm>>
      %dma_start3A_543 = tpu.memref_squeeze %dma_start3A_542 : memref<1x64xf32, #tpu.memory_space<hbm>> -> memref<64xf32, #tpu.memory_space<hbm>>
      %dma_start3A_544 = arith.constant 0 : i32
      %dma_start3A_545 = tpu.memref_slice %arg10[%add3A_521, %dma_start3A_544] : memref<256x64xf32, #tpu.memory_space<vmem>> -> memref<1x64xf32, #tpu.memory_space<vmem>>
      %dma_start3A_546 = tpu.memref_squeeze %dma_start3A_545 : memref<1x64xf32, #tpu.memory_space<vmem>> -> memref<64xf32, #tpu.memory_space<vmem>>
      %dma_start3A_547 = arith.constant 0 : i32
      %dma_start3A_548 = tpu.memref_slice %arg5[%squeeze3A_537, %dma_start3A_547] : memref<1000000x64xf32, #tpu.memory_space<hbm>> -> memref<1x64xf32, #tpu.memory_space<hbm>>
      %dma_start3A_549 = tpu.memref_squeeze %dma_start3A_548 : memref<1x64xf32, #tpu.memory_space<hbm>> -> memref<64xf32, #tpu.memory_space<hbm>>
      tpu.enqueue_dma source(%dma_start3A_549 : memref<64xf32, #tpu.memory_space<hbm>>) target(%dma_start3A_546 : memref<64xf32, #tpu.memory_space<vmem>>) target_semaphore(%arg13 : memref<!tpu.dma_semaphore, #tpu.memory_space<semaphore_mem>>)
      %mul3A_550 = arith.constant 16 : i32
      %mul3A_551 = arith.muli %scan3A_219, %mul3A_550 : i32
      %add3A_552 = arith.constant 10 : i32
      %add3A_553 = arith.addi %mul3A_551, %add3A_552 : i32
      %slice3A_554 = vector.extract_strided_slice %get3A_225 {offsets = [10], sizes = [1], strides = [1]} : vector<16xi32> to vector<1xi32>
      %squeeze3A_555 = vector.extract %slice3A_554[0] : i32 from vector<1xi32>
      %dma_start3A_556 = arith.constant 0 : i32
      %dma_start3A_557 = tpu.memref_slice %arg9[%add3A_553, %dma_start3A_556] : memref<256x64xf32, #tpu.memory_space<vmem>> -> memref<1x64xf32, #tpu.memory_space<vmem>>
      %dma_start3A_558 = tpu.memref_squeeze %dma_start3A_557 : memref<1x64xf32, #tpu.memory_space<vmem>> -> memref<64xf32, #tpu.memory_space<vmem>>
      %dma_start3A_559 = arith.constant 0 : i32
      %dma_start3A_560 = tpu.memref_slice %arg4[%squeeze3A_555, %dma_start3A_559] : memref<1000000x64xf32, #tpu.memory_space<hbm>> -> memref<1x64xf32, #tpu.memory_space<hbm>>
      %dma_start3A_561 = tpu.memref_squeeze %dma_start3A_560 : memref<1x64xf32, #tpu.memory_space<hbm>> -> memref<64xf32, #tpu.memory_space<hbm>>
      %dma_start3A_562 = arith.constant 0 : i32
      %dma_start3A_563 = tpu.memref_slice %arg9[%add3A_553, %dma_start3A_562] : memref<256x64xf32, #tpu.memory_space<vmem>> -> memref<1x64xf32, #tpu.memory_space<vmem>>
      %dma_start3A_564 = tpu.memref_squeeze %dma_start3A_563 : memref<1x64xf32, #tpu.memory_space<vmem>> -> memref<64xf32, #tpu.memory_space<vmem>>
      %dma_start3A_565 = arith.constant 0 : i32
      %dma_start3A_566 = tpu.memref_slice %arg4[%squeeze3A_555, %dma_start3A_565] : memref<1000000x64xf32, #tpu.memory_space<hbm>> -> memref<1x64xf32, #tpu.memory_space<hbm>>
      %dma_start3A_567 = tpu.memref_squeeze %dma_start3A_566 : memref<1x64xf32, #tpu.memory_space<hbm>> -> memref<64xf32, #tpu.memory_space<hbm>>
      tpu.enqueue_dma source(%dma_start3A_567 : memref<64xf32, #tpu.memory_space<hbm>>) target(%dma_start3A_564 : memref<64xf32, #tpu.memory_space<vmem>>) target_semaphore(%arg12 : memref<!tpu.dma_semaphore, #tpu.memory_space<semaphore_mem>>)
      %slice3A_568 = vector.extract_strided_slice %get3A_232 {offsets = [10], sizes = [1], strides = [1]} : vector<16xi32> to vector<1xi32>
      %squeeze3A_569 = vector.extract %slice3A_568[0] : i32 from vector<1xi32>
      %dma_start3A_570 = arith.constant 0 : i32
      %dma_start3A_571 = tpu.memref_slice %arg10[%add3A_553, %dma_start3A_570] : memref<256x64xf32, #tpu.memory_space<vmem>> -> memref<1x64xf32, #tpu.memory_space<vmem>>
      %dma_start3A_572 = tpu.memref_squeeze %dma_start3A_571 : memref<1x64xf32, #tpu.memory_space<vmem>> -> memref<64xf32, #tpu.memory_space<vmem>>
      %dma_start3A_573 = arith.constant 0 : i32
      %dma_start3A_574 = tpu.memref_slice %arg5[%squeeze3A_569, %dma_start3A_573] : memref<1000000x64xf32, #tpu.memory_space<hbm>> -> memref<1x64xf32, #tpu.memory_space<hbm>>
      %dma_start3A_575 = tpu.memref_squeeze %dma_start3A_574 : memref<1x64xf32, #tpu.memory_space<hbm>> -> memref<64xf32, #tpu.memory_space<hbm>>
      %dma_start3A_576 = arith.constant 0 : i32
      %dma_start3A_577 = tpu.memref_slice %arg10[%add3A_553, %dma_start3A_576] : memref<256x64xf32, #tpu.memory_space<vmem>> -> memref<1x64xf32, #tpu.memory_space<vmem>>
      %dma_start3A_578 = tpu.memref_squeeze %dma_start3A_577 : memref<1x64xf32, #tpu.memory_space<vmem>> -> memref<64xf32, #tpu.memory_space<vmem>>
      %dma_start3A_579 = arith.constant 0 : i32
      %dma_start3A_580 = tpu.memref_slice %arg5[%squeeze3A_569, %dma_start3A_579] : memref<1000000x64xf32, #tpu.memory_space<hbm>> -> memref<1x64xf32, #tpu.memory_space<hbm>>
      %dma_start3A_581 = tpu.memref_squeeze %dma_start3A_580 : memref<1x64xf32, #tpu.memory_space<hbm>> -> memref<64xf32, #tpu.memory_space<hbm>>
      tpu.enqueue_dma source(%dma_start3A_581 : memref<64xf32, #tpu.memory_space<hbm>>) target(%dma_start3A_578 : memref<64xf32, #tpu.memory_space<vmem>>) target_semaphore(%arg13 : memref<!tpu.dma_semaphore, #tpu.memory_space<semaphore_mem>>)
      %mul3A_582 = arith.constant 16 : i32
      %mul3A_583 = arith.muli %scan3A_219, %mul3A_582 : i32
      %add3A_584 = arith.constant 11 : i32
      %add3A_585 = arith.addi %mul3A_583, %add3A_584 : i32
      %slice3A_586 = vector.extract_strided_slice %get3A_225 {offsets = [11], sizes = [1], strides = [1]} : vector<16xi32> to vector<1xi32>
      %squeeze3A_587 = vector.extract %slice3A_586[0] : i32 from vector<1xi32>
      %dma_start3A_588 = arith.constant 0 : i32
      %dma_start3A_589 = tpu.memref_slice %arg9[%add3A_585, %dma_start3A_588] : memref<256x64xf32, #tpu.memory_space<vmem>> -> memref<1x64xf32, #tpu.memory_space<vmem>>
      %dma_start3A_590 = tpu.memref_squeeze %dma_start3A_589 : memref<1x64xf32, #tpu.memory_space<vmem>> -> memref<64xf32, #tpu.memory_space<vmem>>
      %dma_start3A_591 = arith.constant 0 : i32
      %dma_start3A_592 = tpu.memref_slice %arg4[%squeeze3A_587, %dma_start3A_591] : memref<1000000x64xf32, #tpu.memory_space<hbm>> -> memref<1x64xf32, #tpu.memory_space<hbm>>
      %dma_start3A_593 = tpu.memref_squeeze %dma_start3A_592 : memref<1x64xf32, #tpu.memory_space<hbm>> -> memref<64xf32, #tpu.memory_space<hbm>>
      %dma_start3A_594 = arith.constant 0 : i32
      %dma_start3A_595 = tpu.memref_slice %arg9[%add3A_585, %dma_start3A_594] : memref<256x64xf32, #tpu.memory_space<vmem>> -> memref<1x64xf32, #tpu.memory_space<vmem>>
      %dma_start3A_596 = tpu.memref_squeeze %dma_start3A_595 : memref<1x64xf32, #tpu.memory_space<vmem>> -> memref<64xf32, #tpu.memory_space<vmem>>
      %dma_start3A_597 = arith.constant 0 : i32
      %dma_start3A_598 = tpu.memref_slice %arg4[%squeeze3A_587, %dma_start3A_597] : memref<1000000x64xf32, #tpu.memory_space<hbm>> -> memref<1x64xf32, #tpu.memory_space<hbm>>
      %dma_start3A_599 = tpu.memref_squeeze %dma_start3A_598 : memref<1x64xf32, #tpu.memory_space<hbm>> -> memref<64xf32, #tpu.memory_space<hbm>>
      tpu.enqueue_dma source(%dma_start3A_599 : memref<64xf32, #tpu.memory_space<hbm>>) target(%dma_start3A_596 : memref<64xf32, #tpu.memory_space<vmem>>) target_semaphore(%arg12 : memref<!tpu.dma_semaphore, #tpu.memory_space<semaphore_mem>>)
      %slice3A_600 = vector.extract_strided_slice %get3A_232 {offsets = [11], sizes = [1], strides = [1]} : vector<16xi32> to vector<1xi32>
      %squeeze3A_601 = vector.extract %slice3A_600[0] : i32 from vector<1xi32>
      %dma_start3A_602 = arith.constant 0 : i32
      %dma_start3A_603 = tpu.memref_slice %arg10[%add3A_585, %dma_start3A_602] : memref<256x64xf32, #tpu.memory_space<vmem>> -> memref<1x64xf32, #tpu.memory_space<vmem>>
      %dma_start3A_604 = tpu.memref_squeeze %dma_start3A_603 : memref<1x64xf32, #tpu.memory_space<vmem>> -> memref<64xf32, #tpu.memory_space<vmem>>
      %dma_start3A_605 = arith.constant 0 : i32
      %dma_start3A_606 = tpu.memref_slice %arg5[%squeeze3A_601, %dma_start3A_605] : memref<1000000x64xf32, #tpu.memory_space<hbm>> -> memref<1x64xf32, #tpu.memory_space<hbm>>
      %dma_start3A_607 = tpu.memref_squeeze %dma_start3A_606 : memref<1x64xf32, #tpu.memory_space<hbm>> -> memref<64xf32, #tpu.memory_space<hbm>>
      %dma_start3A_608 = arith.constant 0 : i32
      %dma_start3A_609 = tpu.memref_slice %arg10[%add3A_585, %dma_start3A_608] : memref<256x64xf32, #tpu.memory_space<vmem>> -> memref<1x64xf32, #tpu.memory_space<vmem>>
      %dma_start3A_610 = tpu.memref_squeeze %dma_start3A_609 : memref<1x64xf32, #tpu.memory_space<vmem>> -> memref<64xf32, #tpu.memory_space<vmem>>
      %dma_start3A_611 = arith.constant 0 : i32
      %dma_start3A_612 = tpu.memref_slice %arg5[%squeeze3A_601, %dma_start3A_611] : memref<1000000x64xf32, #tpu.memory_space<hbm>> -> memref<1x64xf32, #tpu.memory_space<hbm>>
      %dma_start3A_613 = tpu.memref_squeeze %dma_start3A_612 : memref<1x64xf32, #tpu.memory_space<hbm>> -> memref<64xf32, #tpu.memory_space<hbm>>
      tpu.enqueue_dma source(%dma_start3A_613 : memref<64xf32, #tpu.memory_space<hbm>>) target(%dma_start3A_610 : memref<64xf32, #tpu.memory_space<vmem>>) target_semaphore(%arg13 : memref<!tpu.dma_semaphore, #tpu.memory_space<semaphore_mem>>)
      %mul3A_614 = arith.constant 16 : i32
      %mul3A_615 = arith.muli %scan3A_219, %mul3A_614 : i32
      %add3A_616 = arith.constant 12 : i32
      %add3A_617 = arith.addi %mul3A_615, %add3A_616 : i32
      %slice3A_618 = vector.extract_strided_slice %get3A_225 {offsets = [12], sizes = [1], strides = [1]} : vector<16xi32> to vector<1xi32>
      %squeeze3A_619 = vector.extract %slice3A_618[0] : i32 from vector<1xi32>
      %dma_start3A_620 = arith.constant 0 : i32
      %dma_start3A_621 = tpu.memref_slice %arg9[%add3A_617, %dma_start3A_620] : memref<256x64xf32, #tpu.memory_space<vmem>> -> memref<1x64xf32, #tpu.memory_space<vmem>>
      %dma_start3A_622 = tpu.memref_squeeze %dma_start3A_621 : memref<1x64xf32, #tpu.memory_space<vmem>> -> memref<64xf32, #tpu.memory_space<vmem>>
      %dma_start3A_623 = arith.constant 0 : i32
      %dma_start3A_624 = tpu.memref_slice %arg4[%squeeze3A_619, %dma_start3A_623] : memref<1000000x64xf32, #tpu.memory_space<hbm>> -> memref<1x64xf32, #tpu.memory_space<hbm>>
      %dma_start3A_625 = tpu.memref_squeeze %dma_start3A_624 : memref<1x64xf32, #tpu.memory_space<hbm>> -> memref<64xf32, #tpu.memory_space<hbm>>
      %dma_start3A_626 = arith.constant 0 : i32
      %dma_start3A_627 = tpu.memref_slice %arg9[%add3A_617, %dma_start3A_626] : memref<256x64xf32, #tpu.memory_space<vmem>> -> memref<1x64xf32, #tpu.memory_space<vmem>>
      %dma_start3A_628 = tpu.memref_squeeze %dma_start3A_627 : memref<1x64xf32, #tpu.memory_space<vmem>> -> memref<64xf32, #tpu.memory_space<vmem>>
      %dma_start3A_629 = arith.constant 0 : i32
      %dma_start3A_630 = tpu.memref_slice %arg4[%squeeze3A_619, %dma_start3A_629] : memref<1000000x64xf32, #tpu.memory_space<hbm>> -> memref<1x64xf32, #tpu.memory_space<hbm>>
      %dma_start3A_631 = tpu.memref_squeeze %dma_start3A_630 : memref<1x64xf32, #tpu.memory_space<hbm>> -> memref<64xf32, #tpu.memory_space<hbm>>
      tpu.enqueue_dma source(%dma_start3A_631 : memref<64xf32, #tpu.memory_space<hbm>>) target(%dma_start3A_628 : memref<64xf32, #tpu.memory_space<vmem>>) target_semaphore(%arg12 : memref<!tpu.dma_semaphore, #tpu.memory_space<semaphore_mem>>)
      %slice3A_632 = vector.extract_strided_slice %get3A_232 {offsets = [12], sizes = [1], strides = [1]} : vector<16xi32> to vector<1xi32>
      %squeeze3A_633 = vector.extract %slice3A_632[0] : i32 from vector<1xi32>
      %dma_start3A_634 = arith.constant 0 : i32
      %dma_start3A_635 = tpu.memref_slice %arg10[%add3A_617, %dma_start3A_634] : memref<256x64xf32, #tpu.memory_space<vmem>> -> memref<1x64xf32, #tpu.memory_space<vmem>>
      %dma_start3A_636 = tpu.memref_squeeze %dma_start3A_635 : memref<1x64xf32, #tpu.memory_space<vmem>> -> memref<64xf32, #tpu.memory_space<vmem>>
      %dma_start3A_637 = arith.constant 0 : i32
      %dma_start3A_638 = tpu.memref_slice %arg5[%squeeze3A_633, %dma_start3A_637] : memref<1000000x64xf32, #tpu.memory_space<hbm>> -> memref<1x64xf32, #tpu.memory_space<hbm>>
      %dma_start3A_639 = tpu.memref_squeeze %dma_start3A_638 : memref<1x64xf32, #tpu.memory_space<hbm>> -> memref<64xf32, #tpu.memory_space<hbm>>
      %dma_start3A_640 = arith.constant 0 : i32
      %dma_start3A_641 = tpu.memref_slice %arg10[%add3A_617, %dma_start3A_640] : memref<256x64xf32, #tpu.memory_space<vmem>> -> memref<1x64xf32, #tpu.memory_space<vmem>>
      %dma_start3A_642 = tpu.memref_squeeze %dma_start3A_641 : memref<1x64xf32, #tpu.memory_space<vmem>> -> memref<64xf32, #tpu.memory_space<vmem>>
      %dma_start3A_643 = arith.constant 0 : i32
      %dma_start3A_644 = tpu.memref_slice %arg5[%squeeze3A_633, %dma_start3A_643] : memref<1000000x64xf32, #tpu.memory_space<hbm>> -> memref<1x64xf32, #tpu.memory_space<hbm>>
      %dma_start3A_645 = tpu.memref_squeeze %dma_start3A_644 : memref<1x64xf32, #tpu.memory_space<hbm>> -> memref<64xf32, #tpu.memory_space<hbm>>
      tpu.enqueue_dma source(%dma_start3A_645 : memref<64xf32, #tpu.memory_space<hbm>>) target(%dma_start3A_642 : memref<64xf32, #tpu.memory_space<vmem>>) target_semaphore(%arg13 : memref<!tpu.dma_semaphore, #tpu.memory_space<semaphore_mem>>)
      %mul3A_646 = arith.constant 16 : i32
      %mul3A_647 = arith.muli %scan3A_219, %mul3A_646 : i32
      %add3A_648 = arith.constant 13 : i32
      %add3A_649 = arith.addi %mul3A_647, %add3A_648 : i32
      %slice3A_650 = vector.extract_strided_slice %get3A_225 {offsets = [13], sizes = [1], strides = [1]} : vector<16xi32> to vector<1xi32>
      %squeeze3A_651 = vector.extract %slice3A_650[0] : i32 from vector<1xi32>
      %dma_start3A_652 = arith.constant 0 : i32
      %dma_start3A_653 = tpu.memref_slice %arg9[%add3A_649, %dma_start3A_652] : memref<256x64xf32, #tpu.memory_space<vmem>> -> memref<1x64xf32, #tpu.memory_space<vmem>>
      %dma_start3A_654 = tpu.memref_squeeze %dma_start3A_653 : memref<1x64xf32, #tpu.memory_space<vmem>> -> memref<64xf32, #tpu.memory_space<vmem>>
      %dma_start3A_655 = arith.constant 0 : i32
      %dma_start3A_656 = tpu.memref_slice %arg4[%squeeze3A_651, %dma_start3A_655] : memref<1000000x64xf32, #tpu.memory_space<hbm>> -> memref<1x64xf32, #tpu.memory_space<hbm>>
      %dma_start3A_657 = tpu.memref_squeeze %dma_start3A_656 : memref<1x64xf32, #tpu.memory_space<hbm>> -> memref<64xf32, #tpu.memory_space<hbm>>
      %dma_start3A_658 = arith.constant 0 : i32
      %dma_start3A_659 = tpu.memref_slice %arg9[%add3A_649, %dma_start3A_658] : memref<256x64xf32, #tpu.memory_space<vmem>> -> memref<1x64xf32, #tpu.memory_space<vmem>>
      %dma_start3A_660 = tpu.memref_squeeze %dma_start3A_659 : memref<1x64xf32, #tpu.memory_space<vmem>> -> memref<64xf32, #tpu.memory_space<vmem>>
      %dma_start3A_661 = arith.constant 0 : i32
      %dma_start3A_662 = tpu.memref_slice %arg4[%squeeze3A_651, %dma_start3A_661] : memref<1000000x64xf32, #tpu.memory_space<hbm>> -> memref<1x64xf32, #tpu.memory_space<hbm>>
      %dma_start3A_663 = tpu.memref_squeeze %dma_start3A_662 : memref<1x64xf32, #tpu.memory_space<hbm>> -> memref<64xf32, #tpu.memory_space<hbm>>
      tpu.enqueue_dma source(%dma_start3A_663 : memref<64xf32, #tpu.memory_space<hbm>>) target(%dma_start3A_660 : memref<64xf32, #tpu.memory_space<vmem>>) target_semaphore(%arg12 : memref<!tpu.dma_semaphore, #tpu.memory_space<semaphore_mem>>)
      %slice3A_664 = vector.extract_strided_slice %get3A_232 {offsets = [13], sizes = [1], strides = [1]} : vector<16xi32> to vector<1xi32>
      %squeeze3A_665 = vector.extract %slice3A_664[0] : i32 from vector<1xi32>
      %dma_start3A_666 = arith.constant 0 : i32
      %dma_start3A_667 = tpu.memref_slice %arg10[%add3A_649, %dma_start3A_666] : memref<256x64xf32, #tpu.memory_space<vmem>> -> memref<1x64xf32, #tpu.memory_space<vmem>>
      %dma_start3A_668 = tpu.memref_squeeze %dma_start3A_667 : memref<1x64xf32, #tpu.memory_space<vmem>> -> memref<64xf32, #tpu.memory_space<vmem>>
      %dma_start3A_669 = arith.constant 0 : i32
      %dma_start3A_670 = tpu.memref_slice %arg5[%squeeze3A_665, %dma_start3A_669] : memref<1000000x64xf32, #tpu.memory_space<hbm>> -> memref<1x64xf32, #tpu.memory_space<hbm>>
      %dma_start3A_671 = tpu.memref_squeeze %dma_start3A_670 : memref<1x64xf32, #tpu.memory_space<hbm>> -> memref<64xf32, #tpu.memory_space<hbm>>
      %dma_start3A_672 = arith.constant 0 : i32
      %dma_start3A_673 = tpu.memref_slice %arg10[%add3A_649, %dma_start3A_672] : memref<256x64xf32, #tpu.memory_space<vmem>> -> memref<1x64xf32, #tpu.memory_space<vmem>>
      %dma_start3A_674 = tpu.memref_squeeze %dma_start3A_673 : memref<1x64xf32, #tpu.memory_space<vmem>> -> memref<64xf32, #tpu.memory_space<vmem>>
      %dma_start3A_675 = arith.constant 0 : i32
      %dma_start3A_676 = tpu.memref_slice %arg5[%squeeze3A_665, %dma_start3A_675] : memref<1000000x64xf32, #tpu.memory_space<hbm>> -> memref<1x64xf32, #tpu.memory_space<hbm>>
      %dma_start3A_677 = tpu.memref_squeeze %dma_start3A_676 : memref<1x64xf32, #tpu.memory_space<hbm>> -> memref<64xf32, #tpu.memory_space<hbm>>
      tpu.enqueue_dma source(%dma_start3A_677 : memref<64xf32, #tpu.memory_space<hbm>>) target(%dma_start3A_674 : memref<64xf32, #tpu.memory_space<vmem>>) target_semaphore(%arg13 : memref<!tpu.dma_semaphore, #tpu.memory_space<semaphore_mem>>)
      %mul3A_678 = arith.constant 16 : i32
      %mul3A_679 = arith.muli %scan3A_219, %mul3A_678 : i32
      %add3A_680 = arith.constant 14 : i32
      %add3A_681 = arith.addi %mul3A_679, %add3A_680 : i32
      %slice3A_682 = vector.extract_strided_slice %get3A_225 {offsets = [14], sizes = [1], strides = [1]} : vector<16xi32> to vector<1xi32>
      %squeeze3A_683 = vector.extract %slice3A_682[0] : i32 from vector<1xi32>
      %dma_start3A_684 = arith.constant 0 : i32
      %dma_start3A_685 = tpu.memref_slice %arg9[%add3A_681, %dma_start3A_684] : memref<256x64xf32, #tpu.memory_space<vmem>> -> memref<1x64xf32, #tpu.memory_space<vmem>>
      %dma_start3A_686 = tpu.memref_squeeze %dma_start3A_685 : memref<1x64xf32, #tpu.memory_space<vmem>> -> memref<64xf32, #tpu.memory_space<vmem>>
      %dma_start3A_687 = arith.constant 0 : i32
      %dma_start3A_688 = tpu.memref_slice %arg4[%squeeze3A_683, %dma_start3A_687] : memref<1000000x64xf32, #tpu.memory_space<hbm>> -> memref<1x64xf32, #tpu.memory_space<hbm>>
      %dma_start3A_689 = tpu.memref_squeeze %dma_start3A_688 : memref<1x64xf32, #tpu.memory_space<hbm>> -> memref<64xf32, #tpu.memory_space<hbm>>
      %dma_start3A_690 = arith.constant 0 : i32
      %dma_start3A_691 = tpu.memref_slice %arg9[%add3A_681, %dma_start3A_690] : memref<256x64xf32, #tpu.memory_space<vmem>> -> memref<1x64xf32, #tpu.memory_space<vmem>>
      %dma_start3A_692 = tpu.memref_squeeze %dma_start3A_691 : memref<1x64xf32, #tpu.memory_space<vmem>> -> memref<64xf32, #tpu.memory_space<vmem>>
      %dma_start3A_693 = arith.constant 0 : i32
      %dma_start3A_694 = tpu.memref_slice %arg4[%squeeze3A_683, %dma_start3A_693] : memref<1000000x64xf32, #tpu.memory_space<hbm>> -> memref<1x64xf32, #tpu.memory_space<hbm>>
      %dma_start3A_695 = tpu.memref_squeeze %dma_start3A_694 : memref<1x64xf32, #tpu.memory_space<hbm>> -> memref<64xf32, #tpu.memory_space<hbm>>
      tpu.enqueue_dma source(%dma_start3A_695 : memref<64xf32, #tpu.memory_space<hbm>>) target(%dma_start3A_692 : memref<64xf32, #tpu.memory_space<vmem>>) target_semaphore(%arg12 : memref<!tpu.dma_semaphore, #tpu.memory_space<semaphore_mem>>)
      %slice3A_696 = vector.extract_strided_slice %get3A_232 {offsets = [14], sizes = [1], strides = [1]} : vector<16xi32> to vector<1xi32>
      %squeeze3A_697 = vector.extract %slice3A_696[0] : i32 from vector<1xi32>
      %dma_start3A_698 = arith.constant 0 : i32
      %dma_start3A_699 = tpu.memref_slice %arg10[%add3A_681, %dma_start3A_698] : memref<256x64xf32, #tpu.memory_space<vmem>> -> memref<1x64xf32, #tpu.memory_space<vmem>>
      %dma_start3A_700 = tpu.memref_squeeze %dma_start3A_699 : memref<1x64xf32, #tpu.memory_space<vmem>> -> memref<64xf32, #tpu.memory_space<vmem>>
      %dma_start3A_701 = arith.constant 0 : i32
      %dma_start3A_702 = tpu.memref_slice %arg5[%squeeze3A_697, %dma_start3A_701] : memref<1000000x64xf32, #tpu.memory_space<hbm>> -> memref<1x64xf32, #tpu.memory_space<hbm>>
      %dma_start3A_703 = tpu.memref_squeeze %dma_start3A_702 : memref<1x64xf32, #tpu.memory_space<hbm>> -> memref<64xf32, #tpu.memory_space<hbm>>
      %dma_start3A_704 = arith.constant 0 : i32
      %dma_start3A_705 = tpu.memref_slice %arg10[%add3A_681, %dma_start3A_704] : memref<256x64xf32, #tpu.memory_space<vmem>> -> memref<1x64xf32, #tpu.memory_space<vmem>>
      %dma_start3A_706 = tpu.memref_squeeze %dma_start3A_705 : memref<1x64xf32, #tpu.memory_space<vmem>> -> memref<64xf32, #tpu.memory_space<vmem>>
      %dma_start3A_707 = arith.constant 0 : i32
      %dma_start3A_708 = tpu.memref_slice %arg5[%squeeze3A_697, %dma_start3A_707] : memref<1000000x64xf32, #tpu.memory_space<hbm>> -> memref<1x64xf32, #tpu.memory_space<hbm>>
      %dma_start3A_709 = tpu.memref_squeeze %dma_start3A_708 : memref<1x64xf32, #tpu.memory_space<hbm>> -> memref<64xf32, #tpu.memory_space<hbm>>
      tpu.enqueue_dma source(%dma_start3A_709 : memref<64xf32, #tpu.memory_space<hbm>>) target(%dma_start3A_706 : memref<64xf32, #tpu.memory_space<vmem>>) target_semaphore(%arg13 : memref<!tpu.dma_semaphore, #tpu.memory_space<semaphore_mem>>)
      %mul3A_710 = arith.constant 16 : i32
      %mul3A_711 = arith.muli %scan3A_219, %mul3A_710 : i32
      %add3A_712 = arith.constant 15 : i32
      %add3A_713 = arith.addi %mul3A_711, %add3A_712 : i32
      %slice3A_714 = vector.extract_strided_slice %get3A_225 {offsets = [15], sizes = [1], strides = [1]} : vector<16xi32> to vector<1xi32>
      %squeeze3A_715 = vector.extract %slice3A_714[0] : i32 from vector<1xi32>
      %dma_start3A_716 = arith.constant 0 : i32
      %dma_start3A_717 = tpu.memref_slice %arg9[%add3A_713, %dma_start3A_716] : memref<256x64xf32, #tpu.memory_space<vmem>> -> memref<1x64xf32, #tpu.memory_space<vmem>>
      %dma_start3A_718 = tpu.memref_squeeze %dma_start3A_717 : memref<1x64xf32, #tpu.memory_space<vmem>> -> memref<64xf32, #tpu.memory_space<vmem>>
      %dma_start3A_719 = arith.constant 0 : i32
      %dma_start3A_720 = tpu.memref_slice %arg4[%squeeze3A_715, %dma_start3A_719] : memref<1000000x64xf32, #tpu.memory_space<hbm>> -> memref<1x64xf32, #tpu.memory_space<hbm>>
      %dma_start3A_721 = tpu.memref_squeeze %dma_start3A_720 : memref<1x64xf32, #tpu.memory_space<hbm>> -> memref<64xf32, #tpu.memory_space<hbm>>
      %dma_start3A_722 = arith.constant 0 : i32
      %dma_start3A_723 = tpu.memref_slice %arg9[%add3A_713, %dma_start3A_722] : memref<256x64xf32, #tpu.memory_space<vmem>> -> memref<1x64xf32, #tpu.memory_space<vmem>>
      %dma_start3A_724 = tpu.memref_squeeze %dma_start3A_723 : memref<1x64xf32, #tpu.memory_space<vmem>> -> memref<64xf32, #tpu.memory_space<vmem>>
      %dma_start3A_725 = arith.constant 0 : i32
      %dma_start3A_726 = tpu.memref_slice %arg4[%squeeze3A_715, %dma_start3A_725] : memref<1000000x64xf32, #tpu.memory_space<hbm>> -> memref<1x64xf32, #tpu.memory_space<hbm>>
      %dma_start3A_727 = tpu.memref_squeeze %dma_start3A_726 : memref<1x64xf32, #tpu.memory_space<hbm>> -> memref<64xf32, #tpu.memory_space<hbm>>
      tpu.enqueue_dma source(%dma_start3A_727 : memref<64xf32, #tpu.memory_space<hbm>>) target(%dma_start3A_724 : memref<64xf32, #tpu.memory_space<vmem>>) target_semaphore(%arg12 : memref<!tpu.dma_semaphore, #tpu.memory_space<semaphore_mem>>)
      %slice3A_728 = vector.extract_strided_slice %get3A_232 {offsets = [15], sizes = [1], strides = [1]} : vector<16xi32> to vector<1xi32>
      %squeeze3A_729 = vector.extract %slice3A_728[0] : i32 from vector<1xi32>
      %dma_start3A_730 = arith.constant 0 : i32
      %dma_start3A_731 = tpu.memref_slice %arg10[%add3A_713, %dma_start3A_730] : memref<256x64xf32, #tpu.memory_space<vmem>> -> memref<1x64xf32, #tpu.memory_space<vmem>>
      %dma_start3A_732 = tpu.memref_squeeze %dma_start3A_731 : memref<1x64xf32, #tpu.memory_space<vmem>> -> memref<64xf32, #tpu.memory_space<vmem>>
      %dma_start3A_733 = arith.constant 0 : i32
      %dma_start3A_734 = tpu.memref_slice %arg5[%squeeze3A_729, %dma_start3A_733] : memref<1000000x64xf32, #tpu.memory_space<hbm>> -> memref<1x64xf32, #tpu.memory_space<hbm>>
      %dma_start3A_735 = tpu.memref_squeeze %dma_start3A_734 : memref<1x64xf32, #tpu.memory_space<hbm>> -> memref<64xf32, #tpu.memory_space<hbm>>
      %dma_start3A_736 = arith.constant 0 : i32
      %dma_start3A_737 = tpu.memref_slice %arg10[%add3A_713, %dma_start3A_736] : memref<256x64xf32, #tpu.memory_space<vmem>> -> memref<1x64xf32, #tpu.memory_space<vmem>>
      %dma_start3A_738 = tpu.memref_squeeze %dma_start3A_737 : memref<1x64xf32, #tpu.memory_space<vmem>> -> memref<64xf32, #tpu.memory_space<vmem>>
      %dma_start3A_739 = arith.constant 0 : i32
      %dma_start3A_740 = tpu.memref_slice %arg5[%squeeze3A_729, %dma_start3A_739] : memref<1000000x64xf32, #tpu.memory_space<hbm>> -> memref<1x64xf32, #tpu.memory_space<hbm>>
      %dma_start3A_741 = tpu.memref_squeeze %dma_start3A_740 : memref<1x64xf32, #tpu.memory_space<hbm>> -> memref<64xf32, #tpu.memory_space<hbm>>
      tpu.enqueue_dma source(%dma_start3A_741 : memref<64xf32, #tpu.memory_space<hbm>>) target(%dma_start3A_738 : memref<64xf32, #tpu.memory_space<vmem>>) target_semaphore(%arg13 : memref<!tpu.dma_semaphore, #tpu.memory_space<semaphore_mem>>)
      %ge3A = arith.constant 4 : i32
      %ge3A_742 = arith.cmpi sge, %scan3A_219, %ge3A : i32
      %convert_element_type3A = arith.extui %ge3A_742 : i1 to i32
      %cond3A = arith.constant 0 : i32
      %cond3A_743 = arith.cmpi ne, %convert_element_type3A, %cond3A : i32
      scf.if %cond3A_743 {
        %dma_wait3A_744 = arith.constant 0 : i32
        %dma_wait3A_745 = arith.constant 0 : i32
        %dma_wait3A_746 = tpu.memref_slice %arg9[%dma_wait3A_744, %dma_wait3A_745] : memref<256x64xf32, #tpu.memory_space<vmem>> -> memref<16x64xf32, #tpu.memory_space<vmem>>
        %dma_wait3A_747 = arith.constant 0 : i32
        %dma_wait3A_748 = arith.constant 0 : i32
        %dma_wait3A_749 = tpu.memref_slice %arg4[%dma_wait3A_747, %dma_wait3A_748] : memref<1000000x64xf32, #tpu.memory_space<hbm>> -> memref<16x64xf32, #tpu.memory_space<hbm>>
        %dma_wait3A_750 = arith.constant 0 : i32
        %dma_wait3A_751 = arith.constant 0 : i32
        %dma_wait3A_752 = tpu.memref_slice %arg9[%dma_wait3A_750, %dma_wait3A_751] : memref<256x64xf32, #tpu.memory_space<vmem>> -> memref<16x64xf32, #tpu.memory_space<vmem>>
        %dma_wait3A_753 = arith.constant 0 : i32
        %dma_wait3A_754 = arith.constant 0 : i32
        %dma_wait3A_755 = tpu.memref_slice %arg4[%dma_wait3A_753, %dma_wait3A_754] : memref<1000000x64xf32, #tpu.memory_space<hbm>> -> memref<16x64xf32, #tpu.memory_space<hbm>>
        tpu.wait_dma2 semaphore(%arg12 : memref<!tpu.dma_semaphore, #tpu.memory_space<semaphore_mem>>) src(%dma_wait3A_755 : memref<16x64xf32, #tpu.memory_space<hbm>>) dst(%dma_wait3A_752 : memref<16x64xf32, #tpu.memory_space<vmem>>)
        %dma_wait3A_756 = arith.constant 0 : i32
        %dma_wait3A_757 = arith.constant 0 : i32
        %dma_wait3A_758 = tpu.memref_slice %arg9[%dma_wait3A_756, %dma_wait3A_757] : memref<256x64xf32, #tpu.memory_space<vmem>> -> memref<16x64xf32, #tpu.memory_space<vmem>>
        %dma_wait3A_759 = arith.constant 0 : i32
        %dma_wait3A_760 = arith.constant 0 : i32
        %dma_wait3A_761 = tpu.memref_slice %arg4[%dma_wait3A_759, %dma_wait3A_760] : memref<1000000x64xf32, #tpu.memory_space<hbm>> -> memref<16x64xf32, #tpu.memory_space<hbm>>
        %dma_wait3A_762 = arith.constant 0 : i32
        %dma_wait3A_763 = arith.constant 0 : i32
        %dma_wait3A_764 = tpu.memref_slice %arg9[%dma_wait3A_762, %dma_wait3A_763] : memref<256x64xf32, #tpu.memory_space<vmem>> -> memref<16x64xf32, #tpu.memory_space<vmem>>
        %dma_wait3A_765 = arith.constant 0 : i32
        %dma_wait3A_766 = arith.constant 0 : i32
        %dma_wait3A_767 = tpu.memref_slice %arg4[%dma_wait3A_765, %dma_wait3A_766] : memref<1000000x64xf32, #tpu.memory_space<hbm>> -> memref<16x64xf32, #tpu.memory_space<hbm>>
        tpu.wait_dma2 semaphore(%arg13 : memref<!tpu.dma_semaphore, #tpu.memory_space<semaphore_mem>>) src(%dma_wait3A_767 : memref<16x64xf32, #tpu.memory_space<hbm>>) dst(%dma_wait3A_764 : memref<16x64xf32, #tpu.memory_space<vmem>>)
      } else {
      }
    }
    %scan3A_114 = arith.constant 16 : i32
    %dma_wait3A_115 = arith.constant 0 : i32
    %dma_wait3A_116 = arith.constant 0 : i32
    %dma_wait3A_117 = tpu.memref_slice %arg9[%dma_wait3A_115, %dma_wait3A_116] : memref<256x64xf32, #tpu.memory_space<vmem>> -> memref<16x64xf32, #tpu.memory_space<vmem>>
    %dma_wait3A_118 = arith.constant 0 : i32
    %dma_wait3A_119 = arith.constant 0 : i32
    %dma_wait3A_120 = tpu.memref_slice %arg4[%dma_wait3A_118, %dma_wait3A_119] : memref<1000000x64xf32, #tpu.memory_space<hbm>> -> memref<16x64xf32, #tpu.memory_space<hbm>>
    %dma_wait3A_121 = arith.constant 0 : i32
    %dma_wait3A_122 = arith.constant 0 : i32
    %dma_wait3A_123 = tpu.memref_slice %arg9[%dma_wait3A_121, %dma_wait3A_122] : memref<256x64xf32, #tpu.memory_space<vmem>> -> memref<16x64xf32, #tpu.memory_space<vmem>>
    %dma_wait3A_124 = arith.constant 0 : i32
    %dma_wait3A_125 = arith.constant 0 : i32
    %dma_wait3A_126 = tpu.memref_slice %arg4[%dma_wait3A_124, %dma_wait3A_125] : memref<1000000x64xf32, #tpu.memory_space<hbm>> -> memref<16x64xf32, #tpu.memory_space<hbm>>
    tpu.wait_dma2 semaphore(%arg12 : memref<!tpu.dma_semaphore, #tpu.memory_space<semaphore_mem>>) src(%dma_wait3A_126 : memref<16x64xf32, #tpu.memory_space<hbm>>) dst(%dma_wait3A_123 : memref<16x64xf32, #tpu.memory_space<vmem>>)
    %dma_wait3A_127 = arith.constant 0 : i32
    %dma_wait3A_128 = arith.constant 0 : i32
    %dma_wait3A_129 = tpu.memref_slice %arg9[%dma_wait3A_127, %dma_wait3A_128] : memref<256x64xf32, #tpu.memory_space<vmem>> -> memref<16x64xf32, #tpu.memory_space<vmem>>
    %dma_wait3A_130 = arith.constant 0 : i32
    %dma_wait3A_131 = arith.constant 0 : i32
    %dma_wait3A_132 = tpu.memref_slice %arg4[%dma_wait3A_130, %dma_wait3A_131] : memref<1000000x64xf32, #tpu.memory_space<hbm>> -> memref<16x64xf32, #tpu.memory_space<hbm>>
    %dma_wait3A_133 = arith.constant 0 : i32
    %dma_wait3A_134 = arith.constant 0 : i32
    %dma_wait3A_135 = tpu.memref_slice %arg9[%dma_wait3A_133, %dma_wait3A_134] : memref<256x64xf32, #tpu.memory_space<vmem>> -> memref<16x64xf32, #tpu.memory_space<vmem>>
    %dma_wait3A_136 = arith.constant 0 : i32
    %dma_wait3A_137 = arith.constant 0 : i32
    %dma_wait3A_138 = tpu.memref_slice %arg4[%dma_wait3A_136, %dma_wait3A_137] : memref<1000000x64xf32, #tpu.memory_space<hbm>> -> memref<16x64xf32, #tpu.memory_space<hbm>>
    tpu.wait_dma2 semaphore(%arg13 : memref<!tpu.dma_semaphore, #tpu.memory_space<semaphore_mem>>) src(%dma_wait3A_138 : memref<16x64xf32, #tpu.memory_space<hbm>>) dst(%dma_wait3A_135 : memref<16x64xf32, #tpu.memory_space<vmem>>)
    %dma_wait3A_139 = arith.constant 0 : i32
    %dma_wait3A_140 = arith.constant 0 : i32
    %dma_wait3A_141 = tpu.memref_slice %arg9[%dma_wait3A_139, %dma_wait3A_140] : memref<256x64xf32, #tpu.memory_space<vmem>> -> memref<16x64xf32, #tpu.memory_space<vmem>>
    %dma_wait3A_142 = arith.constant 0 : i32
    %dma_wait3A_143 = arith.constant 0 : i32
    %dma_wait3A_144 = tpu.memref_slice %arg4[%dma_wait3A_142, %dma_wait3A_143] : memref<1000000x64xf32, #tpu.memory_space<hbm>> -> memref<16x64xf32, #tpu.memory_space<hbm>>
    %dma_wait3A_145 = arith.constant 0 : i32
    %dma_wait3A_146 = arith.constant 0 : i32
    %dma_wait3A_147 = tpu.memref_slice %arg9[%dma_wait3A_145, %dma_wait3A_146] : memref<256x64xf32, #tpu.memory_space<vmem>> -> memref<16x64xf32, #tpu.memory_space<vmem>>
    %dma_wait3A_148 = arith.constant 0 : i32
    %dma_wait3A_149 = arith.constant 0 : i32
    %dma_wait3A_150 = tpu.memref_slice %arg4[%dma_wait3A_148, %dma_wait3A_149] : memref<1000000x64xf32, #tpu.memory_space<hbm>> -> memref<16x64xf32, #tpu.memory_space<hbm>>
    tpu.wait_dma2 semaphore(%arg12 : memref<!tpu.dma_semaphore, #tpu.memory_space<semaphore_mem>>) src(%dma_wait3A_150 : memref<16x64xf32, #tpu.memory_space<hbm>>) dst(%dma_wait3A_147 : memref<16x64xf32, #tpu.memory_space<vmem>>)
    %dma_wait3A_151 = arith.constant 0 : i32
    %dma_wait3A_152 = arith.constant 0 : i32
    %dma_wait3A_153 = tpu.memref_slice %arg9[%dma_wait3A_151, %dma_wait3A_152] : memref<256x64xf32, #tpu.memory_space<vmem>> -> memref<16x64xf32, #tpu.memory_space<vmem>>
    %dma_wait3A_154 = arith.constant 0 : i32
    %dma_wait3A_155 = arith.constant 0 : i32
    %dma_wait3A_156 = tpu.memref_slice %arg4[%dma_wait3A_154, %dma_wait3A_155] : memref<1000000x64xf32, #tpu.memory_space<hbm>> -> memref<16x64xf32, #tpu.memory_space<hbm>>
    %dma_wait3A_157 = arith.constant 0 : i32
    %dma_wait3A_158 = arith.constant 0 : i32
    %dma_wait3A_159 = tpu.memref_slice %arg9[%dma_wait3A_157, %dma_wait3A_158] : memref<256x64xf32, #tpu.memory_space<vmem>> -> memref<16x64xf32, #tpu.memory_space<vmem>>
    %dma_wait3A_160 = arith.constant 0 : i32
    %dma_wait3A_161 = arith.constant 0 : i32
    %dma_wait3A_162 = tpu.memref_slice %arg4[%dma_wait3A_160, %dma_wait3A_161] : memref<1000000x64xf32, #tpu.memory_space<hbm>> -> memref<16x64xf32, #tpu.memory_space<hbm>>
    tpu.wait_dma2 semaphore(%arg13 : memref<!tpu.dma_semaphore, #tpu.memory_space<semaphore_mem>>) src(%dma_wait3A_162 : memref<16x64xf32, #tpu.memory_space<hbm>>) dst(%dma_wait3A_159 : memref<16x64xf32, #tpu.memory_space<vmem>>)
    %dma_wait3A_163 = arith.constant 0 : i32
    %dma_wait3A_164 = arith.constant 0 : i32
    %dma_wait3A_165 = tpu.memref_slice %arg9[%dma_wait3A_163, %dma_wait3A_164] : memref<256x64xf32, #tpu.memory_space<vmem>> -> memref<16x64xf32, #tpu.memory_space<vmem>>
    %dma_wait3A_166 = arith.constant 0 : i32
    %dma_wait3A_167 = arith.constant 0 : i32
    %dma_wait3A_168 = tpu.memref_slice %arg4[%dma_wait3A_166, %dma_wait3A_167] : memref<1000000x64xf32, #tpu.memory_space<hbm>> -> memref<16x64xf32, #tpu.memory_space<hbm>>
    %dma_wait3A_169 = arith.constant 0 : i32
    %dma_wait3A_170 = arith.constant 0 : i32
    %dma_wait3A_171 = tpu.memref_slice %arg9[%dma_wait3A_169, %dma_wait3A_170] : memref<256x64xf32, #tpu.memory_space<vmem>> -> memref<16x64xf32, #tpu.memory_space<vmem>>
    %dma_wait3A_172 = arith.constant 0 : i32
    %dma_wait3A_173 = arith.constant 0 : i32
    %dma_wait3A_174 = tpu.memref_slice %arg4[%dma_wait3A_172, %dma_wait3A_173] : memref<1000000x64xf32, #tpu.memory_space<hbm>> -> memref<16x64xf32, #tpu.memory_space<hbm>>
    tpu.wait_dma2 semaphore(%arg12 : memref<!tpu.dma_semaphore, #tpu.memory_space<semaphore_mem>>) src(%dma_wait3A_174 : memref<16x64xf32, #tpu.memory_space<hbm>>) dst(%dma_wait3A_171 : memref<16x64xf32, #tpu.memory_space<vmem>>)
    %dma_wait3A_175 = arith.constant 0 : i32
    %dma_wait3A_176 = arith.constant 0 : i32
    %dma_wait3A_177 = tpu.memref_slice %arg9[%dma_wait3A_175, %dma_wait3A_176] : memref<256x64xf32, #tpu.memory_space<vmem>> -> memref<16x64xf32, #tpu.memory_space<vmem>>
    %dma_wait3A_178 = arith.constant 0 : i32
    %dma_wait3A_179 = arith.constant 0 : i32
    %dma_wait3A_180 = tpu.memref_slice %arg4[%dma_wait3A_178, %dma_wait3A_179] : memref<1000000x64xf32, #tpu.memory_space<hbm>> -> memref<16x64xf32, #tpu.memory_space<hbm>>
    %dma_wait3A_181 = arith.constant 0 : i32
    %dma_wait3A_182 = arith.constant 0 : i32
    %dma_wait3A_183 = tpu.memref_slice %arg9[%dma_wait3A_181, %dma_wait3A_182] : memref<256x64xf32, #tpu.memory_space<vmem>> -> memref<16x64xf32, #tpu.memory_space<vmem>>
    %dma_wait3A_184 = arith.constant 0 : i32
    %dma_wait3A_185 = arith.constant 0 : i32
    %dma_wait3A_186 = tpu.memref_slice %arg4[%dma_wait3A_184, %dma_wait3A_185] : memref<1000000x64xf32, #tpu.memory_space<hbm>> -> memref<16x64xf32, #tpu.memory_space<hbm>>
    tpu.wait_dma2 semaphore(%arg13 : memref<!tpu.dma_semaphore, #tpu.memory_space<semaphore_mem>>) src(%dma_wait3A_186 : memref<16x64xf32, #tpu.memory_space<hbm>>) dst(%dma_wait3A_183 : memref<16x64xf32, #tpu.memory_space<vmem>>)
    %dma_wait3A_187 = arith.constant 0 : i32
    %dma_wait3A_188 = arith.constant 0 : i32
    %dma_wait3A_189 = tpu.memref_slice %arg9[%dma_wait3A_187, %dma_wait3A_188] : memref<256x64xf32, #tpu.memory_space<vmem>> -> memref<16x64xf32, #tpu.memory_space<vmem>>
    %dma_wait3A_190 = arith.constant 0 : i32
    %dma_wait3A_191 = arith.constant 0 : i32
    %dma_wait3A_192 = tpu.memref_slice %arg4[%dma_wait3A_190, %dma_wait3A_191] : memref<1000000x64xf32, #tpu.memory_space<hbm>> -> memref<16x64xf32, #tpu.memory_space<hbm>>
    %dma_wait3A_193 = arith.constant 0 : i32
    %dma_wait3A_194 = arith.constant 0 : i32
    %dma_wait3A_195 = tpu.memref_slice %arg9[%dma_wait3A_193, %dma_wait3A_194] : memref<256x64xf32, #tpu.memory_space<vmem>> -> memref<16x64xf32, #tpu.memory_space<vmem>>
    %dma_wait3A_196 = arith.constant 0 : i32
    %dma_wait3A_197 = arith.constant 0 : i32
    %dma_wait3A_198 = tpu.memref_slice %arg4[%dma_wait3A_196, %dma_wait3A_197] : memref<1000000x64xf32, #tpu.memory_space<hbm>> -> memref<16x64xf32, #tpu.memory_space<hbm>>
    tpu.wait_dma2 semaphore(%arg12 : memref<!tpu.dma_semaphore, #tpu.memory_space<semaphore_mem>>) src(%dma_wait3A_198 : memref<16x64xf32, #tpu.memory_space<hbm>>) dst(%dma_wait3A_195 : memref<16x64xf32, #tpu.memory_space<vmem>>)
    %dma_wait3A_199 = arith.constant 0 : i32
    %dma_wait3A_200 = arith.constant 0 : i32
    %dma_wait3A_201 = tpu.memref_slice %arg9[%dma_wait3A_199, %dma_wait3A_200] : memref<256x64xf32, #tpu.memory_space<vmem>> -> memref<16x64xf32, #tpu.memory_space<vmem>>
    %dma_wait3A_202 = arith.constant 0 : i32
    %dma_wait3A_203 = arith.constant 0 : i32
    %dma_wait3A_204 = tpu.memref_slice %arg4[%dma_wait3A_202, %dma_wait3A_203] : memref<1000000x64xf32, #tpu.memory_space<hbm>> -> memref<16x64xf32, #tpu.memory_space<hbm>>
    %dma_wait3A_205 = arith.constant 0 : i32
    %dma_wait3A_206 = arith.constant 0 : i32
    %dma_wait3A_207 = tpu.memref_slice %arg9[%dma_wait3A_205, %dma_wait3A_206] : memref<256x64xf32, #tpu.memory_space<vmem>> -> memref<16x64xf32, #tpu.memory_space<vmem>>
    %dma_wait3A_208 = arith.constant 0 : i32
    %dma_wait3A_209 = arith.constant 0 : i32
    %dma_wait3A_210 = tpu.memref_slice %arg4[%dma_wait3A_208, %dma_wait3A_209] : memref<1000000x64xf32, #tpu.memory_space<hbm>> -> memref<16x64xf32, #tpu.memory_space<hbm>>
    tpu.wait_dma2 semaphore(%arg13 : memref<!tpu.dma_semaphore, #tpu.memory_space<semaphore_mem>>) src(%dma_wait3A_210 : memref<16x64xf32, #tpu.memory_space<hbm>>) dst(%dma_wait3A_207 : memref<16x64xf32, #tpu.memory_space<vmem>>)
    %scan3A_211 = arith.constant 0 : i32
    %scan3A_212 = arith.constant 0 : i32
    %scan3A_213 = arith.constant 256 : i32
    %scan3A_214 = arith.addi %scan3A_212, %scan3A_213 : i32
    %scan3A_215 = arith.constant 1 : i32
    scf.for %scan3A_219 = %scan3A_212 to %scan3A_214 step %scan3A_215  : i32 {
      %add3A_220 = arith.constant 256 : i32
      %add3A_221 = arith.addi %add3A_220, %scan3A_219 : i32
      %mul3A_222 = arith.constant 64 : i32
      %mul3A_223 = arith.muli %add3A_221, %mul3A_222 : i32
      %add3A_224 = arith.constant 0 : i32
      %add3A_225 = arith.addi %mul3A_223, %add3A_224 : i32
      %get3A = arith.index_cast %scan3A_219 : i32 to index
      %get3A_226 = arith.constant 0 : index
      %get3A_227 = tpu.vector_load %arg9[%get3A, %get3A_226] {strides = array<i32>} : memref<256x64xf32, #tpu.memory_space<vmem>>, vector<1x16xf32>,
      %get3A_228 = vector.shape_cast %get3A_227 : vector<1x16xf32> to vector<16xf32>
      %get3A_229 = arith.index_cast %scan3A_219 : i32 to index
      %get3A_230 = arith.constant 0 : index
      %get3A_231 = tpu.vector_load %arg10[%get3A_229, %get3A_230] {strides = array<i32>} : memref<256x64xf32, #tpu.memory_space<vmem>>, vector<1x16xf32>,
      %get3A_232 = vector.shape_cast %get3A_231 : vector<1x16xf32> to vector<16xf32>
      %mul3A_233 = arith.mulf %get3A_228, %get3A_232 : vector<16xf32>
      %swap3A = arith.index_cast %add3A_225 : i32 to index
      %swap3A_234 = tpu.vector_load %arg11[%swap3A] {strides = array<i32>} : memref<32768xf32, #tpu.memory_space<vmem>>, vector<16xf32>,
      %swap3A_235 = vector.shape_cast %swap3A_234 : vector<16xf32> to vector<16xf32>
      %swap3A_236 = vector.shape_cast %mul3A_233 : vector<16xf32> to vector<16xf32>
      tpu.vector_store %arg11[%swap3A], %swap3A_236 {strides = array<i32>} : memref<32768xf32, #tpu.memory_space<vmem>>, vector<16xf32>,
      %add3A_237 = arith.constant 256 : i32
      %add3A_238 = arith.addi %add3A_237, %scan3A_219 : i32
      %mul3A_239 = arith.constant 64 : i32
      %mul3A_240 = arith.muli %add3A_238, %mul3A_239 : i32
      %add3A_241 = arith.constant 16 : i32
      %add3A_242 = arith.addi %mul3A_240, %add3A_241 : i32
      %get3A_243 = arith.index_cast %scan3A_219 : i32 to index
      %get3A_244 = arith.constant 16 : index
      %get3A_245 = tpu.vector_load %arg9[%get3A_243, %get3A_244] {strides = array<i32>} : memref<256x64xf32, #tpu.memory_space<vmem>>, vector<1x16xf32>,
      %get3A_246 = vector.shape_cast %get3A_245 : vector<1x16xf32> to vector<16xf32>
      %get3A_247 = arith.index_cast %scan3A_219 : i32 to index
      %get3A_248 = arith.constant 16 : index
      %get3A_249 = tpu.vector_load %arg10[%get3A_247, %get3A_248] {strides = array<i32>} : memref<256x64xf32, #tpu.memory_space<vmem>>, vector<1x16xf32>,
      %get3A_250 = vector.shape_cast %get3A_249 : vector<1x16xf32> to vector<16xf32>
      %mul3A_251 = arith.mulf %get3A_246, %get3A_250 : vector<16xf32>
      %swap3A_252 = arith.index_cast %add3A_242 : i32 to index
      %swap3A_253 = tpu.vector_load %arg11[%swap3A_252] {strides = array<i32>} : memref<32768xf32, #tpu.memory_space<vmem>>, vector<16xf32>,
      %swap3A_254 = vector.shape_cast %swap3A_253 : vector<16xf32> to vector<16xf32>
      %swap3A_255 = vector.shape_cast %mul3A_251 : vector<16xf32> to vector<16xf32>
      tpu.vector_store %arg11[%swap3A_252], %swap3A_255 {strides = array<i32>} : memref<32768xf32, #tpu.memory_space<vmem>>, vector<16xf32>,
      %add3A_256 = arith.constant 256 : i32
      %add3A_257 = arith.addi %add3A_256, %scan3A_219 : i32
      %mul3A_258 = arith.constant 64 : i32
      %mul3A_259 = arith.muli %add3A_257, %mul3A_258 : i32
      %add3A_260 = arith.constant 32 : i32
      %add3A_261 = arith.addi %mul3A_259, %add3A_260 : i32
      %get3A_262 = arith.index_cast %scan3A_219 : i32 to index
      %get3A_263 = arith.constant 32 : index
      %get3A_264 = tpu.vector_load %arg9[%get3A_262, %get3A_263] {strides = array<i32>} : memref<256x64xf32, #tpu.memory_space<vmem>>, vector<1x16xf32>,
      %get3A_265 = vector.shape_cast %get3A_264 : vector<1x16xf32> to vector<16xf32>
      %get3A_266 = arith.index_cast %scan3A_219 : i32 to index
      %get3A_267 = arith.constant 32 : index
      %get3A_268 = tpu.vector_load %arg10[%get3A_266, %get3A_267] {strides = array<i32>} : memref<256x64xf32, #tpu.memory_space<vmem>>, vector<1x16xf32>,
      %get3A_269 = vector.shape_cast %get3A_268 : vector<1x16xf32> to vector<16xf32>
      %mul3A_270 = arith.mulf %get3A_265, %get3A_269 : vector<16xf32>
      %swap3A_271 = arith.index_cast %add3A_261 : i32 to index
      %swap3A_272 = tpu.vector_load %arg11[%swap3A_271] {strides = array<i32>} : memref<32768xf32, #tpu.memory_space<vmem>>, vector<16xf32>,
      %swap3A_273 = vector.shape_cast %swap3A_272 : vector<16xf32> to vector<16xf32>
      %swap3A_274 = vector.shape_cast %mul3A_270 : vector<16xf32> to vector<16xf32>
      tpu.vector_store %arg11[%swap3A_271], %swap3A_274 {strides = array<i32>} : memref<32768xf32, #tpu.memory_space<vmem>>, vector<16xf32>,
      %add3A_275 = arith.constant 256 : i32
      %add3A_276 = arith.addi %add3A_275, %scan3A_219 : i32
      %mul3A_277 = arith.constant 64 : i32
      %mul3A_278 = arith.muli %add3A_276, %mul3A_277 : i32
      %add3A_279 = arith.constant 48 : i32
      %add3A_280 = arith.addi %mul3A_278, %add3A_279 : i32
      %get3A_281 = arith.index_cast %scan3A_219 : i32 to index
      %get3A_282 = arith.constant 48 : index
      %get3A_283 = tpu.vector_load %arg9[%get3A_281, %get3A_282] {strides = array<i32>} : memref<256x64xf32, #tpu.memory_space<vmem>>, vector<1x16xf32>,
      %get3A_284 = vector.shape_cast %get3A_283 : vector<1x16xf32> to vector<16xf32>
      %get3A_285 = arith.index_cast %scan3A_219 : i32 to index
      %get3A_286 = arith.constant 48 : index
      %get3A_287 = tpu.vector_load %arg10[%get3A_285, %get3A_286] {strides = array<i32>} : memref<256x64xf32, #tpu.memory_space<vmem>>, vector<1x16xf32>,
      %get3A_288 = vector.shape_cast %get3A_287 : vector<1x16xf32> to vector<16xf32>
      %mul3A_289 = arith.mulf %get3A_284, %get3A_288 : vector<16xf32>
      %swap3A_290 = arith.index_cast %add3A_280 : i32 to index
      %swap3A_291 = tpu.vector_load %arg11[%swap3A_290] {strides = array<i32>} : memref<32768xf32, #tpu.memory_space<vmem>>, vector<16xf32>,
      %swap3A_292 = vector.shape_cast %swap3A_291 : vector<16xf32> to vector<16xf32>
      %swap3A_293 = vector.shape_cast %mul3A_289 : vector<16xf32> to vector<16xf32>
      tpu.vector_store %arg11[%swap3A_290], %swap3A_293 {strides = array<i32>} : memref<32768xf32, #tpu.memory_space<vmem>>, vector<16xf32>,
    }
    %scan3A_216 = arith.constant 256 : i32
    %mul3A_217 = arith.constant 64 : i32
    %mul3A_218 = arith.muli %mul3A_2, %mul3A_217 : i32
    "tpu.region"() ({
      %run_scoped3A = tpu.sem_alloc : memref<!tpu.dma_semaphore, #tpu.memory_space<semaphore_mem>>
      %dma_start3A = tpu.memref_slice %arg6[%mul3A_218] : memref<1048576xf32, #tpu.memory_space<hbm>> -> memref<32768xf32, #tpu.memory_space<hbm>>
      %dma_start3A_219 = tpu.memref_slice %arg6[%mul3A_218] : memref<1048576xf32, #tpu.memory_space<hbm>> -> memref<32768xf32, #tpu.memory_space<hbm>>
      tpu.enqueue_dma source(%arg11 : memref<32768xf32, #tpu.memory_space<vmem>>) target(%dma_start3A_219 : memref<32768xf32, #tpu.memory_space<hbm>>) target_semaphore(%run_scoped3A : memref<!tpu.dma_semaphore, #tpu.memory_space<semaphore_mem>>)
      %dma_wait3A_220 = tpu.memref_slice %arg6[%mul3A_218] : memref<1048576xf32, #tpu.memory_space<hbm>> -> memref<32768xf32, #tpu.memory_space<hbm>>
      %dma_wait3A_221 = tpu.memref_slice %arg6[%mul3A_218] : memref<1048576xf32, #tpu.memory_space<hbm>> -> memref<32768xf32, #tpu.memory_space<hbm>>
      tpu.wait_dma2 semaphore(%run_scoped3A : memref<!tpu.dma_semaphore, #tpu.memory_space<semaphore_mem>>) src(%arg11 : memref<32768xf32, #tpu.memory_space<vmem>>) dst(%dma_wait3A_221 : memref<32768xf32, #tpu.memory_space<hbm>>)
      tpu.yield
    }) : () -> ()
    return
  }
}

</mosaic_0001>

<sc_bundles>
// kernel: kernel.3.cloned.1.call-start
scs
__scs_entry_jumppad:
0x0: {  	(pc) =	sbr.rel $0x88, $3  }
0x1: {  	(tag) =	ssettag $0x0;
	lr =	simm.s32 $0x1  }
0x2: {  	[smem:$0x3F9D] =	sst lr;
	_ =	strace $0xD0000000  }
0x3: {  	_ = 	snop  }
0x4: {  	_ = 	snop  }
0x5: {  	_ = 	snop  }
0x6: {  	_ = 	snop  }
0x7: {  	_ = 	snop  }
__scs_overlays_trampoline_lowered:
0x8: {  	[smem:$0x3FAC] =	sst s0  }
0x9: {  	[smem:$0x3FAD] =	sst s1  }
0xa: {  	[smem:$0x3FAE] =	sst s2  }
0xb: {  	[smem:$0x3FAF] =	sst s3  }
0xc: {  	[smem:$0x3FB0] =	sst s4  }
0xd: {  	[smem:$0x3FB1] =	sst s5  }
0xe: {  	[smem:$0x3FB2] =	sst s6  }
0xf: {  	[smem:$0x3FB3] =	sst s7  }
0x10: {  	[smem:$0x3FB4] =	sst s8  }
0x11: {  	[smem:$0x3FB5] =	sst s9;
	s0 =	simm.s32 @!p0 $0x0  }
0x12: {  	s1 =	sld [smem:$0x3F9B];
	s0 =	simm.s32 @p0 $0x1  }
0x13: {  	[smem:$0x3FB6] =	sst s0;
	s0 =	simm.s32 @!p1 $0x0  }
0x14: {  	s2 =	sld [smem:$0x3F9A];
	s0 =	simm.s32 @p1 $0x1  }
0x15: {  	[smem:$0x3FB7] =	sst s0;
	s0 =	simm.s32 @!p2 $0x0  }
0x16: {  	s3 =	sld [smem:$0x3FDB];
	s0 =	simm.s32 @p2 $0x1  }
0x17: {  	s4 =	simm.s32 $0x1BF5;
	[smem:$0x3FB9] =	sst s0  }
0x18: {  	s0 =	sld [smem:$0x3F9C];
	_ =	swait.ge [sflag:s4], $0x0  }
0x19: {  	s7 =	sld [smem:$0x3F9D]  }
0x1a: {  	s8 =	sadd.s32 $0xFFFFE003, lr  }
0x1b: {  	s9 =	sadd.s32 $0xFFFFFEF7, lr;
	s5 =	simm.s32 $0xFFFFFFFF;
	p2 =	slt.u32 s8, $0xFFFFF086  }
0x1c: {  	p1 =	slt.u32 s9, $0xF7A;
	s5 =	simm.s32 @!p2 $0x0  }
0x1d: {  	s5 =	simm.s32 @p1 $0x1;
	p0 =	seq.s32 s7, s2  }
0x1e: {  	s7 =	smul.u32 @!p0 $0xF7A, s2;
	p2 =	seq.s32 @!p0 s5, $0x0  }
0x1f: {  	s9 =	smul.u32 $0xF7A, s1;
	s8 =	simm.s32 @!p0 $0x1BF5;
	p2 =	por !p2, p0  }
0x20: {  	[sflag:s8] =	ssyncset.s32 @!p0 $0xFFFFF086;
	s6 =	sadd.s32 @!p0 s3, s7;
	s7 =	simm.s32 @!p0 $0x108  }
0x21: {  	s3 =	sadd.s32 s3, s9;
	s6 =	sadd.s32 @!p0 $0x88, s6;
	s7 =	simm.s32 @p2 $0x1082  }
0x22: {  	[simem:s7], [sflag:s8] =	dma.local @!p0 [hbm:s6], $0xF7A  }
0x23: {  	s9 =	sor.u32 $0xD0000000, s2;
	s6 =	simm.s32 $0x108;
	_ =	swait.ge @!p0 [sflag:s8], $0x0  }
0x24: {  	s3 =	sadd.s32 $0x88, s3;
	s6 =	simm.s32 @!p1 $0x1082;
	[sflag:s4] =	ssyncset.s32 $0xFFFFF086  }
0x25: {  	[simem:s6], [sflag:s4] =	dma.local [hbm:s3], $0xF7A  }
0x26: {  	[smem:$0x3F9D] =	sst s1;
	(tag) =	ssettag s2;
	_ =	strace s9  }
0x27: {  	s1 =	sld [smem:$0x3FAD]  }
0x28: {  	s2 =	sld [smem:$0x3FAE]  }
0x29: {  	s4 =	sld [smem:$0x3FB0]  }
0x2a: {  	p0 =	seq.s32 s5, $0x0;
	s5 =	sld [smem:$0x3FB1]  }
0x2b: {  	s6 =	sld [smem:$0x3FB2]  }
0x2c: {  	s7 =	sld [smem:$0x3FB3]  }
0x2d: {  	s3 =	simm.s32 $0x108;
	s8 =	sld [smem:$0x3FB4]  }
0x2e: {  	s3 =	simm.s32 @!p0 $0x1082;
	s9 =	sld [smem:$0x3FB5]  }
0x2f: {  	lr =	sadd.s32 s0, s3;
	s0 =	sld [smem:$0x3FAC]  }
0x30: {  	s3 =	sld [smem:$0x3FAF]  }
0x31: {  	[smem:$0x3FB8] =	sst s10  }
0x32: {  	s10 =	sld [smem:$0x3FB6];
	_ =	sdelay $0x3  }
0x33: {  	p0 =	seq.s32 s10, $0x1;
	s10 =	sld [smem:$0x3FB8];
	_ =	sdelay $0x3  }
0x34: {  	[smem:$0x3FB8] =	sst s10  }
0x35: {  	s10 =	sld [smem:$0x3FB7];
	_ =	sdelay $0x3  }
0x36: {  	p1 =	seq.s32 s10, $0x1;
	s10 =	sld [smem:$0x3FB8];
	_ =	sdelay $0x3  }
0x37: {  	[smem:$0x3FB8] =	sst s10  }
0x38: {  	s10 =	sld [smem:$0x3FB9]  }
0x39: {  	_ = 	snop;
	(pc) =	sbr.ind lr, $3  }
0x3a: {  	_ = 	snop  }
0x3b: {  	_ = 	snop  }
0x3c: {  	p2 =	seq.s32 s10, $0x1;
	s10 =	sld [smem:$0x3FB8]  }
0x3d: {  	_ =	shalt  }
0x3e: {  	_ =	shalt  }
0x3f: {  	_ =	shalt  }
0x40: {  	_ =	shalt  }
0x41: {  	_ =	shalt  }
0x42: {  	_ =	shalt  }
0x43: {  	_ =	shalt  }
0x44: {  	_ =	shalt  }
0x45: {  	_ =	shalt  }
0x46: {  	_ =	shalt  }
0x47: {  	_ =	shalt  }
0x48: {  	_ =	shalt  }
0x49: {  	_ =	shalt  }
0x4a: {  	_ =	shalt  }
0x4b: {  	_ =	shalt  }
0x4c: {  	_ =	shalt  }
0x4d: {  	_ =	shalt  }
0x4e: {  	_ =	shalt  }
0x4f: {  	_ =	shalt  }
0x50: {  	_ =	shalt  }
0x51: {  	_ =	shalt  }
0x52: {  	_ =	shalt  }
0x53: {  	_ =	shalt  }
0x54: {  	_ =	shalt  }
0x55: {  	_ =	shalt  }
0x56: {  	_ =	shalt  }
0x57: {  	_ =	shalt  }
0x58: {  	_ =	shalt  }
0x59: {  	_ =	shalt  }
0x5a: {  	_ =	shalt  }
0x5b: {  	_ =	shalt  }
0x5c: {  	_ =	shalt  }
0x5d: {  	_ =	shalt  }
0x5e: {  	_ =	shalt  }
0x5f: {  	_ =	shalt  }
0x60: {  	_ =	shalt  }
0x61: {  	_ =	shalt  }
0x62: {  	_ =	shalt  }
0x63: {  	_ =	shalt  }
0x64: {  	_ =	shalt  }
0x65: {  	_ =	shalt  }
0x66: {  	_ =	shalt  }
0x67: {  	_ =	shalt  }
0x68: {  	_ =	shalt  }
0x69: {  	_ =	shalt  }
0x6a: {  	_ =	shalt  }
0x6b: {  	_ =	shalt  }
0x6c: {  	_ =	shalt  }
0x6d: {  	_ =	shalt  }
0x6e: {  	_ =	shalt  }
0x6f: {  	_ =	shalt  }
0x70: {  	_ =	shalt  }
0x71: {  	_ =	shalt  }
0x72: {  	_ =	shalt  }
0x73: {  	_ =	shalt  }
0x74: {  	_ =	shalt  }
0x75: {  	_ =	shalt  }
0x76: {  	_ =	shalt  }
0x77: {  	_ =	shalt  }
0x78: {  	_ =	shalt  }
0x79: {  	_ =	shalt  }
0x7a: {  	_ =	shalt  }
0x7b: {  	_ =	shalt  }
0x7c: {  	_ =	shalt  }
0x7d: {  	_ =	shalt  }
0x7e: {  	_ =	shalt  }
0x7f: {  	_ =	shalt  }
0x80: {  	_ =	shalt  }
0x81: {  	_ =	shalt  }
0x82: {  	_ =	shalt  }
0x83: {  	_ =	shalt  }
0x84: {  	_ =	shalt  }
0x85: {  	_ =	shalt  }
0x86: {  	_ =	shalt  }
0x87: {  	_ =	shalt  }
.Lfunc_end0:
.L_simem_size_0:
called_computation_lowered:
.L_overlay_start_0:
0x88: {  	s2 =	sld [smem:$0x3FD9]  }
0x89: {  	s3 =	sld [smem:$0x3FFE];
	_ =	sdelay $0x1  }
0x8a: {  	s1 =	srdreg.scid  }
0x8b: {  	s0 =	sand.u32 $0x1, s1  }
0x8c: {  	s17 =	sshll.u32 s0, $0xA;
	s2 =	sadd.s32 s3, s2  }
0x8d: {  	s2 =	sadd.s32 s2, s17  }
0x8e: {  	[smem:$0x3FC4] =	sst s2  }
0x8f: {  	_ = 	snop  }
0x90: {  	s2 =	sld [smem:$0x3FC9]  }
0x91: {  	s18 =	sld [smem:$0x3FC8]  }
0x92: {  	s4 =	sld [smem:$0x3FD0];
	(tm) =	ssettm $0x1  }
0x93: {  	s5 =	sld [smem:$0x3FFB];
	_ =	sdelay $0x3  }
0x94: {  	_ =	strace s5  }
0x95: {  	s5 =	sld [smem:$0x3FFC];
	_ =	sdelay $0x3  }
0x96: {  	_ =	strace s5  }
0x97: {  	s5 =	sld [smem:$0x3FFD];
	_ =	sdelay $0x3  }
0x98: {  	_ =	strace s5  }
0x99: {  	_ =	strace $0x8FFFFFFF  }
0x9a: {  	s19 =	sld [smem:$0x3FDB];
	_ =	sdelay $0x1  }
0x9b: {  	s6 =	simm.s32 $_scs_section_size  }
0x9c: {  	s7 =	simm.s32 $_size__tile_overlayer_lowered;
	s8 =	simm.s32 $_tile_overlayer_lowered  }
0x9d: {  	s22 =	simm.s32 $0x1BFF;
	s21 =	sshll.u32 s8, $0x1;
	s5 =	sadd.s32 s6, s19  }
0x9e: {  	s9 =	simm.s32 $0x0;
	s20 =	sshll.u32 s7, $0x1;
	s7 =	sadd.s32 s21, s5  }
0x9f: {  	[timem:s9], [sflag:s22] =	dma.local [hbm:s7], s20  }
0xa0: {  	_ =	swait.ge [sflag:s22], s20  }
0xa1: {  	s6 =	ssub.s32 $0x0, s20;
	[sflag:s22] =	ssyncset.done $0x0  }
0xa2: {  	[sflag:s22] =	ssyncadd.s32 s6;
	_ =	sdelay $0x1  }
0xa3: {  	s23 =	simm.s32 $0x1B8B  }
0xa4: {  	_ =	swait.ge [sflag:s23], $0x1  }
0xa5: {  	[sflag:s23] =	ssyncset.done $0x0  }
0xa6: {  	s25 =	simm.s32 $0x1B8E;
	s24 =	sld [smem:$0x3FFE];
	[sflag:s23] =	ssyncadd.s32 $0xFFFFFFFF  }
0xa7: {  	s26 =	simm.s32 $execute0_lowered;
	[smem:$0x3FD2] =	sst s25  }
0xa8: {  	s7 =	sshll.u32 s26, $0x1;
	_ =	strace $0x80000046;
	[dreg:$0x1] =	wrdreg $0xFFFFFFFF  }
0xa9: {  	s28 =	simm.s32 $_size_execute0_lowered;
	s5 =	sadd.s32 s5, s7;
	[dreg:$0x0] =	wrdreg $0x0  }
0xaa: {  	s7 =	sshll.u32 s28, $0x1;
	[dreg:$0x2] =	wrdreg s5  }
0xab: {  	[dreg:$0x3] =	wrdreg s7  }
0xac: {  	[dreg:$0x4] =	wrdreg $0xC0  }
0xad: {  	_ =	task [dreg:s9], $0x5FFFF  }
0xae: {  	[dreg:$0x1] =	wrdreg $0xFFFFFFFF  }
0xaf: {  	[dreg:$0x0] =	wrdreg $0x60  }
0xb0: {  	[dreg:$0x2] =	wrdreg s2  }
0xb1: {  	[dreg:$0x3] =	wrdreg s18  }
0xb2: {  	[dreg:$0x4] =	wrdreg s24  }
0xb3: {  	[dreg:$0x5] =	wrdreg s4  }
0xb4: {  	[dreg:$0x6] =	wrdreg $0x9  }
0xb5: {  	_ =	task.clear_ibuf [dreg:s9], $0x7FFFF;
	_ =	strace $0x90000046  }
0xb6: {  	s29 =	simm.s32 $0x9;
	_ =	strace $0x80000048  }
0xb7: {  	_ =	swait.ge [sflag:s29], $0x1  }
0xb8: {  	[sflag:s29] =	ssyncadd.s32 $0xFFFFFFFF  }
0xb9: {  	_ =	strace $0x90000048  }
0xba: {  	_ =	sfence  }
0xbb: {  	s30 =	sld [smem:$0x0];
	_ =	sdelay $0x2  }
0xbc: {  	s31 =	sshll.u32 s1, $0xD;
	s1 =	sshrl.u32 s1, $0x2  }
0xbd: {  	s3 =	sand.u32 $0x4000, s31;
	s1 =	sadd.s32 s1, s30  }
0xbe: {  	s0 =	sor.u32 s3, s0;
	s1 =	sshll.u32 s1, $0x11  }
0xbf: {  	s0 =	sor.u32 s1, s0  }
0xc0: {  	s0 =	sadd.s32 $0x8F2B, s0  }
0xc1: {  	[sflag:s0] =	ssyncadd.remote.s32 $0x1  }
0xc2: {  	_ =	sfence.sel $0xFFFF  }
0xc3: {  	[dreg:$0x0] =	wrdreg $0xFFFFFFFF;
	(pc) =	sbr.abs _section_cstart, $3  }
0xc4: {  	[dreg:$0x1] =	wrdreg $0xFFFFFFFF  }
0xc5: {  	_ =	task.clear_ibuf [dreg:s9], $0x2FFFF;
	_ =	strace $0x9FFFFFFF  }
0xc6: {  	(tm) =	ssettm $0x7FFFFFFF  }
0xc7: {  	_ =	shalt  }
tec
execute0_lowered:
.L_overlay_start_1:
0x0: {  	(tag) =	ssettag $0x1  }
0x1: {  	s0 =	rddreg [dreg:$0x0]  }
0x2: {  	s1 =	rddreg [dreg:$0x1]  }
0x3: {  	s4 =	rddreg [dreg:$0x2]  }
0x4: {  	s3 =	srdreg.scid;
	s8 =	stileid.u32  }
0x5: {  	s5 =	rddreg [dreg:$0x3];
	s6 =	sand.u32 $0x1, s3;
	s8 =	sshll.u32 s8, $0x1  }
0x6: {  	s2 =	simm.s32 $0x0;
	s7 =	ssub.s32 $0x2, s6;
	s6 =	sor.u32 s6, s8  }
0x7: {  	[smem:$0x7FF] =	sst s2;
	s3 =	sadd.s32 $0x400, s4;
	s8 =	sshll.u32 s6, $0x6  }
0x8: {  	_ =	strace $0x80000047;
	s9 =	sshrl.u32 s7, $0x1;
	s0 =	sadd.s32 s0, s8  }
0x9: {  	s6 =	sshll.u32 s6, $0xC;
	s29 =	sadd.s32 s1, s8;
	[dreg:$0x1b] =	wrdreg s0  }
0xa: {  	s7 =	ssub.s32 s7, s9;
	s30 =	sadd.s32 s5, s6;
	[dreg:$0x1c] =	wrdreg s29  }
0xb: {  	s4 =	sadd.s32 $0xF42800, s4;
	[dreg:$0x1d] =	wrdreg s30;
	s31 =	smax.u32 s7, $0x1  }
0xc: {  	s1 =	simm.s32 $0x3;
	s5 =	simm.s32 $0x0;
	[dreg:$0x1e] =	wrdreg s31  }
.LBB2_1:
0xd: {  	[dreg:$0x1f] =	wrdreg s5  }
0xe: {  	s0 =	rddreg [dreg:$0x1b]  }
0xf: {  	[tilespmem:s2], [sflag:$0x3] =	stream.linear.gather [hbm4b:s0+s2], $0x200, $0x38;
	[tilespmem:$0x18400] =	vst v63  }
0x10: {  	_ =	swait.ge [sflag:s1], $0x200  }
0x11: {  	[sflag:s1] =	ssyncset.done $0x0  }
0x12: {  	s11 =	simm.s32 $0x200;
	s19 =	rddreg [dreg:$0x1c];
	[sflag:s1] =	ssyncadd.s32 $0xFFFFFE00  }
0x13: {  	[tilespmem:s11], [sflag:$0x3] =	stream.linear.gather [hbm4b:s19+s2], $0x200, $0x38;
	[tilespmem:$0x18400] =	vst v63  }
0x14: {  	_ =	swait.ge [sflag:s1], $0x200  }
0x15: {  	[sflag:s1] =	ssyncset.done $0x0  }
0x16: {  	[sflag:s1] =	ssyncadd.s32 $0xFFFFFE00  }
0x17: {  	v0 =	vld [tilespmem:s2+$0x0]  }
0x18: {  	v2 =	vld [tilespmem:s11+$0x0];
	_ =	sdelay $0x3  }
0x19: {  	v1 =	vshll.u32 v0, $0x4  }
0x1a: {  	v63 =	vshll.u32 v2, $0x4;
	(v2sf) =	vpush v1, $0x0  }
0x1b: {  	(v2sf) =	vpush v63, $0x0  }
0x1c: {  	(v2sf) =	vpush v1, $0x1;
	_ =	sdelay $0x1  }
0x1d: {  	(v2sf) =	vpush v63, $0x1  }
0x1e: {  	(v2sf) =	vpush v1, $0x2;
	_ =	sdelay $0x1  }
0x1f: {  	(v2sf) =	vpush v63, $0x2;
	_ =	sdelay $0x1  }
0x20: {  	(v2sf) =	vpush v1, $0x3;
	_ =	sdelay $0x1  }
0x21: {  	s15 =	simm.s32 $0x2000;
	s16 =	simm.s32 $0x0;
	s20 =	simm.s32 $0x8400;
	(v2sf) =	vpush v63, $0x3  }
0x22: {  	s7 =	simm.s32 $0x680;
	s6 =	simm.s32 $0x400;
	s9 =	simm.s32 $0x600  }
0x23: {  	s23 =	simm.s32 $0x480;
	s25 =	simm.s32 $0x8480;
	s29 =	simm.s32 $0x500  }
0x24: {  	s31 =	simm.s32 $0x8500;
	s13 =	simm.s32 $0x580;
	s18 =	simm.s32 $0x8580  }
0x25: {  	s5 =	simm.s32 $0x8980;
	p0 =	por $0x1, $0x1;
	s21 =	spop (v2sf)  }
0x26: {  	s1 =	simm.s32 $0x880;
	s0 =	sand.u32 $0x1FFFFFF0, s21;
	s8 =	spop (v2sf)  }
0x27: {  	(v2sf) =	vpush v1, $0x4;
	s0 =	sadd.s32 s3, s0;
	s8 =	sand.u32 $0x1FFFFFF0, s8;
	s22 =	spop (v2sf)  }
0x28: {  	(v2sf) =	vpush v63, $0x4;
	[tilespmem:s6], [sflag:$0x1] =	stream.linear.gather [hbm4b:s0+s2], $0x80, $0x38;
	[tilespmem:$0x18400] =	vst v63  }
0x29: {  	s0 =	simm.s32 $0x8900;
	s8 =	sadd.s32 s4, s8;
	s24 =	spop (v2sf)  }
0x2a: {  	(v2sf) =	vpush v1, $0x5;
	s6 =	sand.u32 $0x1FFFFFF0, s22;
	s22 =	simm.s32 $0x8600;
	s10 =	spop (v2sf)  }
0x2b: {  	(v2sf) =	vpush v63, $0x5;
	[tilespmem:s20], [sflag:$0x2] =	stream.linear.gather [hbm4b:s8+s2], $0x80, $0x38;
	[tilespmem:$0x18400] =	vst v63  }
0x2c: {  	s6 =	sadd.s32 s3, s6;
	s8 =	sand.u32 $0x1FFFFFF0, s24;
	s30 =	spop (v2sf)  }
0x2d: {  	(v2sf) =	vpush v1, $0x6;
	[tilespmem:s23], [sflag:$0x1] =	stream.linear.gather [hbm4b:s6+s2], $0x80, $0x38;
	[tilespmem:$0x18400] =	vst v63  }
0x2e: {  	s28 =	sand.u32 $0x1FFFFFF0, s10;
	s26 =	sadd.s32 s4, s8;
	s10 =	spop (v2sf)  }
0x2f: {  	(v2sf) =	vpush v63, $0x6;
	[tilespmem:s25], [sflag:$0x2] =	stream.linear.gather [hbm4b:s26+s2], $0x80, $0x38;
	[tilespmem:$0x18400] =	vst v63  }
0x30: {  	s8 =	sadd.s32 s3, s28;
	s6 =	sand.u32 $0x1FFFFFF0, s30;
	s12 =	spop (v2sf)  }
0x31: {  	[tilespmem:s29], [sflag:$0x1] =	stream.linear.gather [hbm4b:s8+s2], $0x80, $0x38;
	[tilespmem:$0x18400] =	vst v63  }
0x32: {  	s6 =	sadd.s32 s4, s6;
	s17 =	sand.u32 $0x1FFFFFF0, s12;
	s8 =	sand.u32 $0x1FFFFFF0, s10  }
0x33: {  	(v2sf) =	vpush v1, $0x7;
	[tilespmem:s31], [sflag:$0x2] =	stream.linear.gather [hbm4b:s6+s2], $0x80, $0x38;
	[tilespmem:$0x18400] =	vst v63  }
0x34: {  	s12 =	simm.s32 $0x780;
	s25 =	simm.s32 $0x8680;
	s14 =	sadd.s32 s3, s8  }
0x35: {  	[tilespmem:s13], [sflag:$0x1] =	stream.linear.gather [hbm4b:s14+s2], $0x80, $0x38;
	[tilespmem:$0x18400] =	vst v63  }
0x36: {  	s29 =	simm.s32 $0x700;
	s8 =	sadd.s32 s4, s17;
	s19 =	spop (v2sf)  }
0x37: {  	s17 =	simm.s32 $0x8780;
	(v2sf) =	vpush v63, $0x7;
	s6 =	sand.u32 $0x1FFFFFF0, s19;
	s20 =	spop (v2sf)  }
0x38: {  	(v2sf) =	vpush v1, $0x8;
	[tilespmem:s18], [sflag:$0x2] =	stream.linear.gather [hbm4b:s8+s2], $0x80, $0x38;
	[tilespmem:$0x18400] =	vst v63  }
0x39: {  	s6 =	sadd.s32 s3, s6;
	s8 =	sand.u32 $0x1FFFFFF0, s20;
	s21 =	spop (v2sf)  }
0x3a: {  	(v2sf) =	vpush v63, $0x8;
	s20 =	simm.s32 $0x800;
	s8 =	sadd.s32 s4, s8;
	s24 =	spop (v2sf)  }
0x3b: {  	[tilespmem:s9], [sflag:$0x1] =	stream.linear.gather [hbm4b:s6+s2], $0x80, $0x38;
	[tilespmem:$0x18400] =	vst v63  }
0x3c: {  	s23 =	sand.u32 $0x1FFFFFF0, s21;
	(v2sf) =	vpush v1, $0x9;
	s6 =	simm.s32 $0xA00;
	s26 =	spop (v2sf)  }
0x3d: {  	[tilespmem:s22], [sflag:$0x2] =	stream.linear.gather [hbm4b:s8+s2], $0x80, $0x38;
	[tilespmem:$0x18400] =	vst v63  }
0x3e: {  	s9 =	sadd.s32 s3, s23;
	(v2sf) =	vpush v63, $0x9;
	s28 =	spop (v2sf);
	s8 =	sand.u32 $0x1FFFFFF0, s24  }
0x3f: {  	[tilespmem:s7], [sflag:$0x1] =	stream.linear.gather [hbm4b:s9+s2], $0x80, $0x38;
	[tilespmem:$0x18400] =	vst v63  }
0x40: {  	(v2sf) =	vpush v1, $0xA;
	s31 =	sand.u32 $0x1FFFFFF0, s28;
	s8 =	sadd.s32 s4, s8;
	s9 =	sand.u32 $0x1FFFFFF0, s26  }
0x41: {  	[tilespmem:s25], [sflag:$0x2] =	stream.linear.gather [hbm4b:s8+s2], $0x80, $0x38;
	[tilespmem:$0x18400] =	vst v63  }
0x42: {  	s10 =	spop (v2sf);
	(v2sf) =	vpush v63, $0xA;
	s22 =	simm.s32 $0x8800;
	s30 =	sadd.s32 s3, s9  }
0x43: {  	[tilespmem:s29], [sflag:$0x1] =	stream.linear.gather [hbm4b:s30+s2], $0x80, $0x38;
	[tilespmem:$0x18400] =	vst v63  }
0x44: {  	s9 =	sadd.s32 s4, s31;
	s31 =	simm.s32 $0x8A00;
	s8 =	simm.s32 $0x8700  }
0x45: {  	[tilespmem:s8], [sflag:$0x2] =	stream.linear.gather [hbm4b:s9+s2], $0x80, $0x38;
	[tilespmem:$0x18400] =	vst v63  }
0x46: {  	s29 =	simm.s32 $0x8880;
	s8 =	sand.u32 $0x1FFFFFF0, s10;
	s13 =	spop (v2sf);
	(v2sf) =	vpush v1, $0xB  }
0x47: {  	s8 =	sadd.s32 s3, s8;
	s9 =	sand.u32 $0x1FFFFFF0, s13;
	s14 =	spop (v2sf)  }
0x48: {  	[tilespmem:s12], [sflag:$0x1] =	stream.linear.gather [hbm4b:s8+s2], $0x80, $0x38;
	(v2sf) =	vpush v63, $0xB;
	[tilespmem:$0x18400] =	vst v63  }
0x49: {  	s18 =	sadd.s32 s4, s9;
	s19 =	sand.u32 $0x1FFFFFF0, s14;
	s21 =	spop (v2sf)  }
0x4a: {  	[tilespmem:s17], [sflag:$0x2] =	stream.linear.gather [hbm4b:s18+s2], $0x80, $0x38;
	[tilespmem:$0x18400] =	vst v63  }
0x4b: {  	(v2sf) =	vpush v1, $0xC;
	s9 =	sadd.s32 s3, s19;
	s8 =	sand.u32 $0x1FFFFFF0, s21;
	s23 =	spop (v2sf)  }
0x4c: {  	(v2sf) =	vpush v63, $0xC;
	[tilespmem:s20], [sflag:$0x1] =	stream.linear.gather [hbm4b:s9+s2], $0x80, $0x38;
	[tilespmem:$0x18400] =	vst v63  }
0x4d: {  	s8 =	sadd.s32 s4, s8;
	s24 =	spop (v2sf);
	s9 =	sand.u32 $0x1FFFFFF0, s23  }
0x4e: {  	(v2sf) =	vpush v1, $0xD;
	[tilespmem:s22], [sflag:$0x2] =	stream.linear.gather [hbm4b:s8+s2], $0x80, $0x38;
	[tilespmem:$0x18400] =	vst v63  }
0x4f: {  	s28 =	sand.u32 $0x1FFFFFF0, s24;
	s30 =	spop (v2sf);
	s26 =	sadd.s32 s3, s9  }
0x50: {  	[tilespmem:s1], [sflag:$0x1] =	stream.linear.gather [hbm4b:s26+s2], $0x80, $0x38;
	[tilespmem:$0x18400] =	vst v63  }
0x51: {  	s9 =	sadd.s32 s4, s28;
	s10 =	spop (v2sf);
	s8 =	sand.u32 $0x1FFFFFF0, s30  }
0x52: {  	(v2sf) =	vpush v63, $0xD;
	[tilespmem:s29], [sflag:$0x2] =	stream.linear.gather [hbm4b:s9+s2], $0x80, $0x38;
	[tilespmem:$0x18400] =	vst v63  }
0x53: {  	s12 =	simm.s32 $0x900;
	(v2sf) =	vpush v1, $0xE;
	s8 =	sadd.s32 s3, s8;
	s9 =	sand.u32 $0x1FFFFFF0, s10  }
0x54: {  	[tilespmem:s12], [sflag:$0x1] =	stream.linear.gather [hbm4b:s8+s2], $0x80, $0x38;
	[tilespmem:$0x18400] =	vst v63  }
0x55: {  	s25 =	simm.s32 $0x980;
	s9 =	sadd.s32 s4, s9;
	s13 =	spop (v2sf)  }
0x56: {  	[tilespmem:s0], [sflag:$0x2] =	stream.linear.gather [hbm4b:s9+s2], $0x80, $0x38;
	[tilespmem:$0x18400] =	vst v63  }
0x57: {  	s20 =	simm.s32 $0x8A80;
	s14 =	sand.u32 $0x1FFFFFF0, s13;
	s17 =	spop (v2sf)  }
0x58: {  	s29 =	simm.s32 $0xA80;
	s0 =	sadd.s32 s3, s14;
	s8 =	sand.u32 $0x1FFFFFF0, s17  }
0x59: {  	[tilespmem:s25], [sflag:$0x1] =	stream.linear.gather [hbm4b:s0+s2], $0x80, $0x38;
	[tilespmem:$0x18400] =	vst v63  }
0x5a: {  	s18 =	spop (v2sf);
	s17 =	simm.s32 $0x1;
	s19 =	sadd.s32 s4, s8  }
0x5b: {  	s21 =	sand.u32 $0x1FFFFFF0, s18;
	s22 =	spop (v2sf);
	s18 =	simm.s32 $0x10  }
0x5c: {  	[tilespmem:s5], [sflag:$0x2] =	stream.linear.gather [hbm4b:s19+s2], $0x80, $0x38;
	[tilespmem:$0x18400] =	vst v63  }
0x5d: {  	s23 =	sadd.s32 s3, s21;
	s24 =	sand.u32 $0x1FFFFFF0, s22;
	s25 =	spop (v2sf)  }
0x5e: {  	[tilespmem:s6], [sflag:$0x1] =	stream.linear.gather [hbm4b:s23+s2], $0x80, $0x38;
	[tilespmem:$0x18400] =	vst v63  }
0x5f: {  	s22 =	simm.s32 $0xB00;
	s21 =	simm.s32 $0x8B00;
	s26 =	sadd.s32 s4, s24  }
0x60: {  	[tilespmem:s31], [sflag:$0x2] =	stream.linear.gather [hbm4b:s26+s2], $0x80, $0x38;
	[tilespmem:$0x18400] =	vst v63  }
0x61: {  	(v2sf) =	vpush v63, $0xE;
	s19 =	simm.s32 @!p0 $0x1;
	s28 =	sand.u32 $0x1FFFFFF0, s25;
	s31 =	spop (v2sf)  }
0x62: {  	(v2sf) =	vpush v1, $0xF;
	s30 =	sadd.s32 s3, s28;
	s0 =	sand.u32 $0x1FFFFFF0, s31;
	s1 =	spop (v2sf)  }
0x63: {  	(v2sf) =	vpush v63, $0xF;
	[tilespmem:s29], [sflag:$0x1] =	stream.linear.gather [hbm4b:s30+s2], $0x80, $0x38;
	[tilespmem:$0x18400] =	vst v63  }
.LBB2_2:
0x64: {  	_ =	sdelay $0x7  }
0x65: {  	s0 =	sadd.s32 s4, s0;
	s1 =	sand.u32 $0x1FFFFFF0, s1  }
0x66: {  	[tilespmem:s20], [sflag:$0x2] =	stream.linear.gather [hbm4b:s0+s2], $0x80, $0x38;
	[tilespmem:$0x18400] =	vst v63  }
0x67: {  	s24 =	sadd.s32 s3, s1  }
0x68: {  	[tilespmem:s22], [sflag:$0x1] =	stream.linear.gather [hbm4b:s24+s2], $0x80, $0x38;
	[tilespmem:$0x18400] =	vst v63  }
0x69: {  	s5 =	spop (v2sf)  }
0x6a: {  	s25 =	sand.u32 $0x1FFFFFF0, s5;
	s26 =	spop (v2sf)  }
0x6b: {  	s28 =	sadd.s32 s4, s25;
	s29 =	sand.u32 $0x1FFFFFF0, s26;
	s30 =	spop (v2sf)  }
0x6c: {  	[tilespmem:s21], [sflag:$0x2] =	stream.linear.gather [hbm4b:s28+s2], $0x80, $0x38;
	[tilespmem:$0x18400] =	vst v63  }
0x6d: {  	s31 =	sadd.s32 $0xB80, s16;
	s1 =	sadd.s32 s3, s29;
	s5 =	sand.u32 $0x1FFFFFF0, s30  }
0x6e: {  	[tilespmem:s31], [sflag:$0x1] =	stream.linear.gather [hbm4b:s1+s2], $0x80, $0x38;
	[tilespmem:$0x18400] =	vst v63  }
0x6f: {  	s5 =	sadd.s32 s4, s5;
	s1 =	sadd.s32 $0x8B80, s16  }
0x70: {  	[tilespmem:s1], [sflag:$0x2] =	stream.linear.gather [hbm4b:s5+s2], $0x80, $0x38;
	[tilespmem:$0x18400] =	vst v63  }
0x71: {  	_ =	swait.ge @!p0 [sflag:s19], $0x800  }
0x72: {  	[sflag:s19] =	ssyncset.done @!p0 $0x0  }
0x73: {  	s0 =	simm.s32 @!p0 $0x2;
	[sflag:s19] =	ssyncadd.s32 @!p0 $0xFFFFF800  }
0x74: {  	_ =	swait.ge @!p0 [sflag:s0], $0x800  }
0x75: {  	[sflag:s0] =	ssyncset.done @!p0 $0x0  }
0x76: {  	[sflag:s0] =	ssyncadd.s32 @!p0 $0xFFFFF800  }
0x77: {  	s11 =	sadd.s32 $0x10, s11;
	v0 =	vld [tilespmem:s18+$0x0]  }
0x78: {  	v2 =	vld [tilespmem:s11+$0x0];
	_ =	sdelay $0x3  }
0x79: {  	s6 =	smov.u32 s15;
	v1 =	vshll.u32 v0, $0x4  }
0x7a: {  	s15 =	sadd.s32 $0x2000, s15;
	s16 =	sshra.s32 s6, $0x2;
	v63 =	vshll.u32 v2, $0x4;
	(v2sf) =	vpush v1, $0x0  }
0x7b: {  	p1 =	sne.s32 s15, $0x20000;
	s26 =	sadd.s32 $0x8400, s16;
	s7 =	sadd.s32 $0x880, s16;
	(v2sf) =	vpush v63, $0x0  }
0x7c: {  	s29 =	sadd.s32 $0x400, s16;
	s10 =	sadd.s32 $0x600, s16;
	s8 =	sadd.s32 $0x8900, s16;
	(v2sf) =	vpush v1, $0x1  }
0x7d: {  	s14 =	sadd.s32 $0x580, s16;
	s9 =	sadd.s32 $0x8980, s16;
	s25 =	sadd.s32 $0x500, s16  }
0x7e: {  	s6 =	sadd.s32 $0xA00, s16;
	s28 =	sadd.s32 $0x8480, s16;
	[dreg:$0xf] =	wrdreg s7;
	(v2sf) =	vpush v63, $0x1  }
0x7f: {  	s24 =	sadd.s32 $0x8500, s16;
	s13 =	sadd.s32 $0x8680, s16;
	[dreg:$0xb] =	wrdreg s8  }
0x80: {  	s12 =	sadd.s32 $0x980, s16;
	s20 =	sadd.s32 $0x8880, s16;
	[dreg:$0x7] =	wrdreg s9;
	(v2sf) =	vpush v1, $0x2  }
0x81: {  	s21 =	sadd.s32 $0x900, s16;
	s22 =	sadd.s32 $0x8800, s16;
	[dreg:$0x5] =	wrdreg s6  }
0x82: {  	s30 =	sadd.s32 $0x480, s16;
	s19 =	sadd.s32 $0x8A00, s16;
	[dreg:$0xd] =	wrdreg s12;
	(v2sf) =	vpush v63, $0x2  }
0x83: {  	s23 =	sadd.s32 $0xA80, s16;
	s5 =	sadd.s32 $0x680, s16;
	[dreg:$0x9] =	wrdreg s19  }
0x84: {  	s1 =	smov.u32 s11;
	s9 =	sadd.s32 $0x700, s16;
	[dreg:$0x15] =	wrdreg s20;
	(v2sf) =	vpush v1, $0x3  }
0x85: {  	s8 =	sadd.s32 $0x8700, s16;
	[dreg:$0x13] =	wrdreg s21;
	s7 =	sadd.s32 $0x780, s16  }
0x86: {  	[dreg:$0x17] =	wrdreg s22;
	s20 =	sadd.s32 $0x8A80, s16;
	s6 =	sadd.s32 $0x8780, s16;
	(v2sf) =	vpush v63, $0x3  }
0x87: {  	s12 =	sadd.s32 $0x800, s16;
	s22 =	sadd.s32 $0xB00, s16;
	[dreg:$0x11] =	wrdreg s23  }
0x88: {  	s21 =	sadd.s32 $0x8B00, s16;
	[dreg:$0x19] =	wrdreg s12;
	s0 =	sadd.s32 $0x8580, s16;
	(v2sf) =	vpush v1, $0x4  }
0x89: {  	p0 =	slt.u32 s17, $0x4;
	s17 =	sadd.s32 $0x1, s17;
	s31 =	spop (v2sf)  }
0x8a: {  	s11 =	sadd.s32 $0x8600, s16;
	s31 =	sand.u32 $0x1FFFFFF0, s31;
	s23 =	spop (v2sf);
	(v2sf) =	vpush v63, $0x4  }
0x8b: {  	s31 =	sadd.s32 s3, s31;
	s23 =	sand.u32 $0x1FFFFFF0, s23;
	s12 =	spop (v2sf)  }
0x8c: {  	(v2sf) =	vpush v1, $0x5;
	[tilespmem:s29], [sflag:$0x1] =	stream.linear.gather [hbm4b:s31+s2], $0x80, $0x38;
	[tilespmem:$0x18400] =	vst v63  }
0x8d: {  	s23 =	sadd.s32 s4, s23;
	s12 =	sand.u32 $0x1FFFFFF0, s12;
	s31 =	spop (v2sf);
	(v2sf) =	vpush v63, $0x5  }
0x8e: {  	[tilespmem:s26], [sflag:$0x2] =	stream.linear.gather [hbm4b:s23+s2], $0x80, $0x38;
	[tilespmem:$0x18400] =	vst v63  }
0x8f: {  	s12 =	sadd.s32 s3, s12;
	s29 =	sand.u32 $0x1FFFFFF0, s31;
	s31 =	spop (v2sf)  }
0x90: {  	(v2sf) =	vpush v1, $0x6;
	[tilespmem:s30], [sflag:$0x1] =	stream.linear.gather [hbm4b:s12+s2], $0x80, $0x38;
	[tilespmem:$0x18400] =	vst v63  }
0x91: {  	s29 =	sadd.s32 s4, s29;
	s30 =	sand.u32 $0x1FFFFFF0, s31;
	s31 =	spop (v2sf)  }
0x92: {  	(v2sf) =	vpush v63, $0x6;
	[tilespmem:s28], [sflag:$0x2] =	stream.linear.gather [hbm4b:s29+s2], $0x80, $0x38;
	[tilespmem:$0x18400] =	vst v63  }
0x93: {  	s23 =	sadd.s32 s3, s30;
	s26 =	sand.u32 $0x1FFFFFF0, s31;
	s28 =	spop (v2sf)  }
0x94: {  	(v2sf) =	vpush v1, $0x7;
	[tilespmem:s25], [sflag:$0x1] =	stream.linear.gather [hbm4b:s23+s2], $0x80, $0x38;
	[tilespmem:$0x18400] =	vst v63  }
0x95: {  	s29 =	sadd.s32 s4, s26;
	s30 =	sand.u32 $0x1FFFFFF0, s28;
	s31 =	spop (v2sf)  }
0x96: {  	(v2sf) =	vpush v63, $0x7;
	[tilespmem:s24], [sflag:$0x2] =	stream.linear.gather [hbm4b:s29+s2], $0x80, $0x38;
	[tilespmem:$0x18400] =	vst v63  }
0x97: {  	s26 =	sand.u32 $0x1FFFFFF0, s31;
	s28 =	spop (v2sf);
	s24 =	sadd.s32 s3, s30  }
0x98: {  	(v2sf) =	vpush v1, $0x8;
	[tilespmem:s14], [sflag:$0x1] =	stream.linear.gather [hbm4b:s24+s2], $0x80, $0x38;
	[tilespmem:$0x18400] =	vst v63  }
0x99: {  	s19 =	simm.s32 @!p0 $0x1;
	s29 =	sadd.s32 s4, s26;
	s31 =	spop (v2sf)  }
0x9a: {  	[tilespmem:s0], [sflag:$0x2] =	stream.linear.gather [hbm4b:s29+s2], $0x80, $0x38;
	[tilespmem:$0x18400] =	vst v63  }
0x9b: {  	s18 =	sadd.s32 $0x10, s18;
	s30 =	sand.u32 $0x1FFFFFF0, s28;
	s24 =	spop (v2sf)  }
0x9c: {  	s14 =	sadd.s32 s3, s30;
	(v2sf) =	vpush v63, $0x8;
	s23 =	sand.u32 $0x1FFFFFF0, s31;
	s28 =	spop (v2sf)  }
0x9d: {  	(v2sf) =	vpush v1, $0x9;
	[tilespmem:s10], [sflag:$0x1] =	stream.linear.gather [hbm4b:s14+s2], $0x80, $0x38;
	[tilespmem:$0x18400] =	vst v63  }
0x9e: {  	s25 =	sadd.s32 s4, s23;
	s26 =	sand.u32 $0x1FFFFFF0, s24;
	s30 =	sand.u32 $0x1FFFFFF0, s28  }
0x9f: {  	(v2sf) =	vpush v63, $0x9;
	s29 =	sadd.s32 s3, s26;
	s31 =	spop (v2sf);
	s10 =	sadd.s32 s4, s30  }
0xa0: {  	[tilespmem:s11], [sflag:$0x2] =	stream.linear.gather [hbm4b:s25+s2], $0x80, $0x38;
	[tilespmem:$0x18400] =	vst v63  }
0xa1: {  	(v2sf) =	vpush v1, $0xA;
	s12 =	sand.u32 $0x1FFFFFF0, s31;
	s11 =	smov.u32 s1;
	s14 =	spop (v2sf)  }
0xa2: {  	[tilespmem:s5], [sflag:$0x1] =	stream.linear.gather [hbm4b:s29+s2], $0x80, $0x38;
	[tilespmem:$0x18400] =	vst v63  }
0xa3: {  	s23 =	sadd.s32 s3, s12;
	(v2sf) =	vpush v63, $0xA;
	s24 =	sand.u32 $0x1FFFFFF0, s14;
	s25 =	spop (v2sf)  }
0xa4: {  	[tilespmem:s13], [sflag:$0x2] =	stream.linear.gather [hbm4b:s10+s2], $0x80, $0x38;
	[tilespmem:$0x18400] =	vst v63  }
0xa5: {  	s14 =	rddreg [dreg:$0x19];
	s28 =	sand.u32 $0x1FFFFFF0, s25;
	s29 =	spop (v2sf)  }
0xa6: {  	(v2sf) =	vpush v1, $0xB;
	[tilespmem:s9], [sflag:$0x1] =	stream.linear.gather [hbm4b:s23+s2], $0x80, $0x38;
	[tilespmem:$0x18400] =	vst v63  }
0xa7: {  	s26 =	sadd.s32 s4, s24;
	s30 =	sadd.s32 s3, s28;
	s1 =	spop (v2sf)  }
0xa8: {  	(v2sf) =	vpush v63, $0xB;
	[tilespmem:s8], [sflag:$0x2] =	stream.linear.gather [hbm4b:s26+s2], $0x80, $0x38;
	[tilespmem:$0x18400] =	vst v63  }
0xa9: {  	s31 =	sand.u32 $0x1FFFFFF0, s29;
	s8 =	sand.u32 $0x1FFFFFF0, s1;
	s26 =	rddreg [dreg:$0x17]  }
0xaa: {  	(v2sf) =	vpush v1, $0xC;
	[tilespmem:s7], [sflag:$0x1] =	stream.linear.gather [hbm4b:s30+s2], $0x80, $0x38;
	[tilespmem:$0x18400] =	vst v63  }
0xab: {  	s10 =	sadd.s32 s3, s8;
	s7 =	sadd.s32 s4, s31;
	s9 =	spop (v2sf)  }
0xac: {  	s31 =	rddreg [dreg:$0xf];
	s12 =	sand.u32 $0x1FFFFFF0, s9;
	s13 =	spop (v2sf)  }
0xad: {  	[tilespmem:s6], [sflag:$0x2] =	stream.linear.gather [hbm4b:s7+s2], $0x80, $0x38;
	[tilespmem:$0x18400] =	vst v63  }
0xae: {  	(v2sf) =	vpush v63, $0xC;
	s23 =	sadd.s32 s4, s12;
	s24 =	sand.u32 $0x1FFFFFF0, s13;
	s25 =	spop (v2sf)  }
0xaf: {  	[tilespmem:s14], [sflag:$0x1] =	stream.linear.gather [hbm4b:s10+s2], $0x80, $0x38;
	[tilespmem:$0x18400] =	vst v63  }
0xb0: {  	(v2sf) =	vpush v1, $0xD;
	s28 =	sadd.s32 s3, s24;
	s29 =	sand.u32 $0x1FFFFFF0, s25;
	s30 =	spop (v2sf)  }
0xb1: {  	[tilespmem:s26], [sflag:$0x2] =	stream.linear.gather [hbm4b:s23+s2], $0x80, $0x38;
	[tilespmem:$0x18400] =	vst v63  }
0xb2: {  	s7 =	sadd.s32 s4, s29;
	s8 =	sand.u32 $0x1FFFFFF0, s30;
	s9 =	spop (v2sf)  }
0xb3: {  	(v2sf) =	vpush v63, $0xD;
	s10 =	rddreg [dreg:$0x15];
	s12 =	sadd.s32 s3, s8;
	s13 =	sand.u32 $0x1FFFFFF0, s9  }
0xb4: {  	[tilespmem:s31], [sflag:$0x1] =	stream.linear.gather [hbm4b:s28+s2], $0x80, $0x38;
	[tilespmem:$0x18400] =	vst v63  }
0xb5: {  	(v2sf) =	vpush v1, $0xE;
	s23 =	rddreg [dreg:$0x13];
	s14 =	spop (v2sf);
	s24 =	sadd.s32 s4, s13  }
0xb6: {  	[tilespmem:s10], [sflag:$0x2] =	stream.linear.gather [hbm4b:s7+s2], $0x80, $0x38;
	[tilespmem:$0x18400] =	vst v63  }
0xb7: {  	s28 =	rddreg [dreg:$0xb];
	s25 =	sand.u32 $0x1FFFFFF0, s14;
	s26 =	spop (v2sf)  }
0xb8: {  	[tilespmem:s23], [sflag:$0x1] =	stream.linear.gather [hbm4b:s12+s2], $0x80, $0x38;
	[tilespmem:$0x18400] =	vst v63  }
0xb9: {  	s29 =	sadd.s32 s3, s25;
	s31 =	spop (v2sf);
	s7 =	rddreg [dreg:$0xd]  }
0xba: {  	[tilespmem:s28], [sflag:$0x2] =	stream.linear.gather [hbm4b:s24+s2], $0x80, $0x38;
	[tilespmem:$0x18400] =	vst v63  }
0xbb: {  	s30 =	sand.u32 $0x1FFFFFF0, s26;
	s9 =	sand.u32 $0x1FFFFFF0, s31;
	s31 =	rddreg [dreg:$0x11]  }
0xbc: {  	[tilespmem:s7], [sflag:$0x1] =	stream.linear.gather [hbm4b:s29+s2], $0x80, $0x38;
	[tilespmem:$0x18400] =	vst v63  }
0xbd: {  	s8 =	sadd.s32 s4, s30;
	s12 =	rddreg [dreg:$0x7];
	s10 =	spop (v2sf)  }
0xbe: {  	[tilespmem:s12], [sflag:$0x2] =	stream.linear.gather [hbm4b:s8+s2], $0x80, $0x38;
	[tilespmem:$0x18400] =	vst v63  }
0xbf: {  	s13 =	sadd.s32 s3, s9;
	s24 =	rddreg [dreg:$0x5];
	s23 =	spop (v2sf)  }
0xc0: {  	[tilespmem:s24], [sflag:$0x1] =	stream.linear.gather [hbm4b:s13+s2], $0x80, $0x38;
	[tilespmem:$0x18400] =	vst v63  }
.Ltmp0:
0xc1: {  	s14 =	sand.u32 $0x1FFFFFF0, s10;
	s29 =	rddreg [dreg:$0x9];
	(pc) =	sbr.rel @p1 .LBB2_2-.Ltmp0, $4  }
0xc2: {  	s25 =	sadd.s32 s4, s14;
	s26 =	sand.u32 $0x1FFFFFF0, s23;
	s28 =	spop (v2sf)  }
0xc3: {  	(v2sf) =	vpush v63, $0xE;
	[tilespmem:s29], [sflag:$0x2] =	stream.linear.gather [hbm4b:s25+s2], $0x80, $0x38;
	[tilespmem:$0x18400] =	vst v63  }
0xc4: {  	(v2sf) =	vpush v1, $0xF;
	s30 =	sadd.s32 s3, s26;
	s0 =	sand.u32 $0x1FFFFFF0, s28;
	s1 =	spop (v2sf)  }
0xc5: {  	(v2sf) =	vpush v63, $0xF;
	[tilespmem:s31], [sflag:$0x1] =	stream.linear.gather [hbm4b:s30+s2], $0x80, $0x38;
	[tilespmem:$0x18400] =	vst v63  }
0xc6: {  	_ =	sdelay $0x7  }
0xc7: {  	s0 =	sadd.s32 s4, s0;
	s1 =	sand.u32 $0x1FFFFFF0, s1  }
0xc8: {  	[tilespmem:s20], [sflag:$0x2] =	stream.linear.gather [hbm4b:s0+s2], $0x80, $0x38;
	[tilespmem:$0x18400] =	vst v63  }
0xc9: {  	s17 =	sadd.s32 s3, s1  }
0xca: {  	[tilespmem:s22], [sflag:$0x1] =	stream.linear.gather [hbm4b:s17+s2], $0x80, $0x38;
	[tilespmem:$0x18400] =	vst v63  }
0xcb: {  	s5 =	spop (v2sf)  }
0xcc: {  	s18 =	sand.u32 $0x1FFFFFF0, s5;
	s20 =	spop (v2sf)  }
0xcd: {  	s23 =	sadd.s32 s4, s18;
	s24 =	sand.u32 $0x1FFFFFF0, s20;
	s25 =	spop (v2sf)  }
0xce: {  	[tilespmem:s21], [sflag:$0x2] =	stream.linear.gather [hbm4b:s23+s2], $0x80, $0x38;
	[tilespmem:$0x18400] =	vst v63  }
0xcf: {  	s26 =	sadd.s32 $0xB80, s16;
	s1 =	sadd.s32 s3, s24;
	s5 =	sand.u32 $0x1FFFFFF0, s25  }
0xd0: {  	[tilespmem:s26], [sflag:$0x1] =	stream.linear.gather [hbm4b:s1+s2], $0x80, $0x38;
	[tilespmem:$0x18400] =	vst v63  }
0xd1: {  	s28 =	sadd.s32 $0x8B80, s16;
	s29 =	sadd.s32 s4, s5  }
0xd2: {  	[tilespmem:s28], [sflag:$0x2] =	stream.linear.gather [hbm4b:s29+s2], $0x80, $0x38;
	[tilespmem:$0x18400] =	vst v63  }
0xd3: {  	_ =	swait.ge @!p0 [sflag:s19], $0x800  }
0xd4: {  	[sflag:s19] =	ssyncset.done @!p0 $0x0  }
0xd5: {  	s0 =	simm.s32 @!p0 $0x2;
	[sflag:s19] =	ssyncadd.s32 @!p0 $0xFFFFF800  }
0xd6: {  	_ =	swait.ge @!p0 [sflag:s0], $0x800  }
0xd7: {  	[sflag:s0] =	ssyncset.done @!p0 $0x0  }
0xd8: {  	s30 =	simm.s32 $0x1;
	[sflag:s0] =	ssyncadd.s32 @!p0 $0xFFFFF800  }
0xd9: {  	_ =	swait.ge [sflag:s30], $0x800  }
0xda: {  	[sflag:s30] =	ssyncset.done $0x0  }
0xdb: {  	s31 =	simm.s32 $0x2;
	[sflag:s30] =	ssyncadd.s32 $0xFFFFF800  }
0xdc: {  	_ =	swait.ge [sflag:s31], $0x800  }
0xdd: {  	[sflag:s31] =	ssyncset.done $0x0  }
0xde: {  	[sflag:s31] =	ssyncadd.s32 $0xFFFFF800  }
0xdf: {  	_ =	swait.ge [sflag:s30], $0x800  }
0xe0: {  	[sflag:s30] =	ssyncset.done $0x0  }
0xe1: {  	[sflag:s30] =	ssyncadd.s32 $0xFFFFF800  }
0xe2: {  	_ =	swait.ge [sflag:s31], $0x800  }
0xe3: {  	[sflag:s31] =	ssyncset.done $0x0  }
0xe4: {  	[sflag:s31] =	ssyncadd.s32 $0xFFFFF800  }
0xe5: {  	_ =	swait.ge [sflag:s30], $0x800  }
0xe6: {  	[sflag:s30] =	ssyncset.done $0x0  }
0xe7: {  	[sflag:s30] =	ssyncadd.s32 $0xFFFFF800  }
0xe8: {  	_ =	swait.ge [sflag:s31], $0x800  }
0xe9: {  	[sflag:s31] =	ssyncset.done $0x0  }
0xea: {  	[sflag:s31] =	ssyncadd.s32 $0xFFFFF800  }
0xeb: {  	_ =	swait.ge [sflag:s30], $0x800  }
0xec: {  	[sflag:s30] =	ssyncset.done $0x0  }
0xed: {  	[sflag:s30] =	ssyncadd.s32 $0xFFFFF800  }
0xee: {  	_ =	swait.ge [sflag:s31], $0x800  }
0xef: {  	[sflag:s31] =	ssyncset.done $0x0  }
0xf0: {  	s14 =	simm.s32 $0x0;
	[sflag:s31] =	ssyncadd.s32 $0xFFFFF800  }
0xf1: {  	v0 =	vld [tilespmem:s14+$0x400]  }
0xf2: {  	v1 =	vld [tilespmem:s14+$0x8400];
	_ =	sdelay $0x4  }
0xf3: {  	v0 =	vmul.f32 v1, v0  }
0xf4: {  	s0 =	simm.s32 $0x10420  }
0xf5: {  	[tilespmem:s0+$0xFFFFFFE0] =	vst v0  }
0xf6: {  	v0 =	vld [tilespmem:s14+$0x410]  }
0xf7: {  	v1 =	vld [tilespmem:s14+$0x8410];
	_ =	sdelay $0x4  }
0xf8: {  	v0 =	vmul.f32 v1, v0;
	_ =	sdelay $0x1  }
0xf9: {  	[tilespmem:s0+$0xFFFFFFF0] =	vst v0  }
0xfa: {  	v0 =	vld [tilespmem:s14+$0x420]  }
0xfb: {  	v1 =	vld [tilespmem:s14+$0x8420];
	_ =	sdelay $0x4  }
0xfc: {  	v0 =	vmul.f32 v1, v0;
	_ =	sdelay $0x1  }
0xfd: {  	[tilespmem:s0+$0x0] =	vst v0  }
0xfe: {  	v0 =	vld [tilespmem:s14+$0x430]  }
0xff: {  	s5 =	simm.s32 $0x10420;
	s1 =	simm.s32 $0x200;
	v1 =	vld [tilespmem:s14+$0x8430]  }
.LBB2_4:
0x100: {  	_ = 	snop  }
0x101: {  	p0 =	sne.s32 s1, $0x1FE00  }
0x102: {  	s0 =	sadd.s32 $0x40, s0;
	s6 =	smov.u32 s1;
	s1 =	sadd.s32 $0x200, s1  }
0x103: {  	_ = 	snop  }
0x104: {  	v0 =	vmul.f32 v1, v0;
	_ =	sdelay $0x1  }
0x105: {  	s6 =	sshra.s32 s6, $0x2;
	[tilespmem:s5+$0x10] =	vst v0;
	s5 =	smov.u32 s0  }
0x106: {  	v0 =	vld [tilespmem:s6+$0x400]  }
0x107: {  	v1 =	vld [tilespmem:s6+$0x8400];
	_ =	sdelay $0x4  }
0x108: {  	v0 =	vmul.f32 v1, v0;
	_ =	sdelay $0x1  }
0x109: {  	[tilespmem:s0+$0xFFFFFFE0] =	vst v0  }
0x10a: {  	v0 =	vld [tilespmem:s6+$0x410]  }
0x10b: {  	v1 =	vld [tilespmem:s6+$0x8410];
	_ =	sdelay $0x4  }
0x10c: {  	v0 =	vmul.f32 v1, v0;
	_ =	sdelay $0x1  }
0x10d: {  	[tilespmem:s0+$0xFFFFFFF0] =	vst v0  }
0x10e: {  	v0 =	vld [tilespmem:s6+$0x420]  }
0x10f: {  	v1 =	vld [tilespmem:s6+$0x8420];
	_ =	sdelay $0x4  }
.Ltmp1:
0x110: {  	v0 =	vmul.f32 v1, v0;
	(pc) =	sbr.rel @p0 .LBB2_4-.Ltmp1, $4  }
0x111: {  	_ = 	snop  }
0x112: {  	[tilespmem:s0+$0x0] =	vst v0  }
0x113: {  	v0 =	vld [tilespmem:s6+$0x430]  }
0x114: {  	v1 =	vld [tilespmem:s6+$0x8430]  }
0x115: {  	_ =	sdelay $0x3  }
0x116: {  	v0 =	vmul.f32 v1, v0;
	_ =	sdelay $0x1  }
0x117: {  	s0 =	simm.s32 $0x100;
	[tilespmem:s5+$0x10] =	vst v0  }
0x118: {  	s11 =	simm.s32 $0x300;
	v0 =	vld [tilespmem:s0+$0x0]  }
0x119: {  	v2 =	vld [tilespmem:s11+$0x0];
	_ =	sdelay $0x3  }
0x11a: {  	v62 =	vshll.u32 v0, $0x4  }
0x11b: {  	v63 =	vshll.u32 v2, $0x4;
	(v2sf) =	vpush v62, $0x0  }
0x11c: {  	(v2sf) =	vpush v63, $0x0  }
0x11d: {  	(v2sf) =	vpush v62, $0x1;
	_ =	sdelay $0x1  }
0x11e: {  	(v2sf) =	vpush v63, $0x1  }
0x11f: {  	(v2sf) =	vpush v62, $0x2;
	_ =	sdelay $0x1  }
0x120: {  	(v2sf) =	vpush v63, $0x2;
	_ =	sdelay $0x1  }
0x121: {  	(v2sf) =	vpush v62, $0x3;
	_ =	sdelay $0x1  }
0x122: {  	s16 =	simm.s32 $0x2000;
	s20 =	simm.s32 $0x8400;
	(v2sf) =	vpush v63, $0x3  }
0x123: {  	s7 =	simm.s32 $0x680;
	s1 =	simm.s32 $0x880;
	s6 =	simm.s32 $0x400  }
0x124: {  	s9 =	simm.s32 $0x600;
	s23 =	simm.s32 $0x480;
	s25 =	simm.s32 $0x8480  }
0x125: {  	s29 =	simm.s32 $0x500;
	s31 =	simm.s32 $0x8500;
	s13 =	simm.s32 $0x580  }
0x126: {  	s18 =	simm.s32 $0x8580;
	p0 =	por $0x1, $0x1;
	s21 =	spop (v2sf)  }
0x127: {  	s5 =	simm.s32 $0x8980;
	s0 =	sand.u32 $0x1FFFFFF0, s21;
	s8 =	spop (v2sf)  }
0x128: {  	(v2sf) =	vpush v62, $0x4;
	s0 =	sadd.s32 s3, s0;
	s8 =	sand.u32 $0x1FFFFFF0, s8;
	s22 =	spop (v2sf)  }
0x129: {  	(v2sf) =	vpush v63, $0x4;
	[tilespmem:s6], [sflag:$0x1] =	stream.linear.gather [hbm4b:s0+s2], $0x80, $0x38;
	[tilespmem:$0x18400] =	vst v63  }
0x12a: {  	s0 =	simm.s32 $0x8900;
	s8 =	sadd.s32 s4, s8;
	s24 =	spop (v2sf)  }
0x12b: {  	(v2sf) =	vpush v62, $0x5;
	s6 =	sand.u32 $0x1FFFFFF0, s22;
	s22 =	simm.s32 $0x8600;
	s10 =	spop (v2sf)  }
0x12c: {  	(v2sf) =	vpush v63, $0x5;
	[tilespmem:s20], [sflag:$0x2] =	stream.linear.gather [hbm4b:s8+s2], $0x80, $0x38;
	[tilespmem:$0x18400] =	vst v63  }
0x12d: {  	s6 =	sadd.s32 s3, s6;
	s8 =	sand.u32 $0x1FFFFFF0, s24;
	s30 =	spop (v2sf)  }
0x12e: {  	(v2sf) =	vpush v62, $0x6;
	[tilespmem:s23], [sflag:$0x1] =	stream.linear.gather [hbm4b:s6+s2], $0x80, $0x38;
	[tilespmem:$0x18400] =	vst v63  }
0x12f: {  	s28 =	sand.u32 $0x1FFFFFF0, s10;
	s26 =	sadd.s32 s4, s8;
	s10 =	spop (v2sf)  }
0x130: {  	(v2sf) =	vpush v63, $0x6;
	[tilespmem:s25], [sflag:$0x2] =	stream.linear.gather [hbm4b:s26+s2], $0x80, $0x38;
	[tilespmem:$0x18400] =	vst v63  }
0x131: {  	s8 =	sadd.s32 s3, s28;
	s6 =	sand.u32 $0x1FFFFFF0, s30;
	s12 =	spop (v2sf)  }
0x132: {  	[tilespmem:s29], [sflag:$0x1] =	stream.linear.gather [hbm4b:s8+s2], $0x80, $0x38;
	[tilespmem:$0x18400] =	vst v63  }
0x133: {  	s6 =	sadd.s32 s4, s6;
	s17 =	sand.u32 $0x1FFFFFF0, s12;
	s8 =	sand.u32 $0x1FFFFFF0, s10  }
0x134: {  	(v2sf) =	vpush v62, $0x7;
	[tilespmem:s31], [sflag:$0x2] =	stream.linear.gather [hbm4b:s6+s2], $0x80, $0x38;
	[tilespmem:$0x18400] =	vst v63  }
0x135: {  	s12 =	simm.s32 $0x780;
	s25 =	simm.s32 $0x8680;
	s15 =	sadd.s32 s3, s8  }
0x136: {  	[tilespmem:s13], [sflag:$0x1] =	stream.linear.gather [hbm4b:s15+s2], $0x80, $0x38;
	[tilespmem:$0x18400] =	vst v63  }
0x137: {  	s29 =	simm.s32 $0x700;
	s8 =	sadd.s32 s4, s17;
	s19 =	spop (v2sf)  }
0x138: {  	s17 =	simm.s32 $0x8780;
	(v2sf) =	vpush v63, $0x7;
	s6 =	sand.u32 $0x1FFFFFF0, s19;
	s20 =	spop (v2sf)  }
0x139: {  	(v2sf) =	vpush v62, $0x8;
	[tilespmem:s18], [sflag:$0x2] =	stream.linear.gather [hbm4b:s8+s2], $0x80, $0x38;
	[tilespmem:$0x18400] =	vst v63  }
0x13a: {  	s6 =	sadd.s32 s3, s6;
	s8 =	sand.u32 $0x1FFFFFF0, s20;
	s21 =	spop (v2sf)  }
0x13b: {  	(v2sf) =	vpush v63, $0x8;
	s20 =	simm.s32 $0x800;
	s8 =	sadd.s32 s4, s8;
	s24 =	spop (v2sf)  }
0x13c: {  	[tilespmem:s9], [sflag:$0x1] =	stream.linear.gather [hbm4b:s6+s2], $0x80, $0x38;
	[tilespmem:$0x18400] =	vst v63  }
0x13d: {  	s23 =	sand.u32 $0x1FFFFFF0, s21;
	(v2sf) =	vpush v62, $0x9;
	s6 =	simm.s32 $0xA00;
	s26 =	spop (v2sf)  }
0x13e: {  	[tilespmem:s22], [sflag:$0x2] =	stream.linear.gather [hbm4b:s8+s2], $0x80, $0x38;
	[tilespmem:$0x18400] =	vst v63  }
0x13f: {  	s9 =	sadd.s32 s3, s23;
	(v2sf) =	vpush v63, $0x9;
	s28 =	spop (v2sf);
	s8 =	sand.u32 $0x1FFFFFF0, s24  }
0x140: {  	[tilespmem:s7], [sflag:$0x1] =	stream.linear.gather [hbm4b:s9+s2], $0x80, $0x38;
	[tilespmem:$0x18400] =	vst v63  }
0x141: {  	(v2sf) =	vpush v62, $0xA;
	s31 =	sand.u32 $0x1FFFFFF0, s28;
	s8 =	sadd.s32 s4, s8;
	s9 =	sand.u32 $0x1FFFFFF0, s26  }
0x142: {  	[tilespmem:s25], [sflag:$0x2] =	stream.linear.gather [hbm4b:s8+s2], $0x80, $0x38;
	[tilespmem:$0x18400] =	vst v63  }
0x143: {  	s10 =	spop (v2sf);
	(v2sf) =	vpush v63, $0xA;
	s22 =	simm.s32 $0x8800;
	s30 =	sadd.s32 s3, s9  }
0x144: {  	[tilespmem:s29], [sflag:$0x1] =	stream.linear.gather [hbm4b:s30+s2], $0x80, $0x38;
	[tilespmem:$0x18400] =	vst v63  }
0x145: {  	s9 =	sadd.s32 s4, s31;
	s31 =	simm.s32 $0x8A00;
	s8 =	simm.s32 $0x8700  }
0x146: {  	[tilespmem:s8], [sflag:$0x2] =	stream.linear.gather [hbm4b:s9+s2], $0x80, $0x38;
	[tilespmem:$0x18400] =	vst v63  }
0x147: {  	s29 =	simm.s32 $0x8880;
	s8 =	sand.u32 $0x1FFFFFF0, s10;
	s13 =	spop (v2sf);
	(v2sf) =	vpush v62, $0xB  }
0x148: {  	s8 =	sadd.s32 s3, s8;
	s9 =	sand.u32 $0x1FFFFFF0, s13;
	s15 =	spop (v2sf)  }
0x149: {  	[tilespmem:s12], [sflag:$0x1] =	stream.linear.gather [hbm4b:s8+s2], $0x80, $0x38;
	(v2sf) =	vpush v63, $0xB;
	[tilespmem:$0x18400] =	vst v63  }
0x14a: {  	s18 =	sadd.s32 s4, s9;
	s19 =	sand.u32 $0x1FFFFFF0, s15;
	s21 =	spop (v2sf)  }
0x14b: {  	[tilespmem:s17], [sflag:$0x2] =	stream.linear.gather [hbm4b:s18+s2], $0x80, $0x38;
	[tilespmem:$0x18400] =	vst v63  }
0x14c: {  	(v2sf) =	vpush v62, $0xC;
	s9 =	sadd.s32 s3, s19;
	s8 =	sand.u32 $0x1FFFFFF0, s21;
	s23 =	spop (v2sf)  }
0x14d: {  	(v2sf) =	vpush v63, $0xC;
	[tilespmem:s20], [sflag:$0x1] =	stream.linear.gather [hbm4b:s9+s2], $0x80, $0x38;
	[tilespmem:$0x18400] =	vst v63  }
0x14e: {  	s8 =	sadd.s32 s4, s8;
	s24 =	spop (v2sf);
	s9 =	sand.u32 $0x1FFFFFF0, s23  }
0x14f: {  	(v2sf) =	vpush v62, $0xD;
	[tilespmem:s22], [sflag:$0x2] =	stream.linear.gather [hbm4b:s8+s2], $0x80, $0x38;
	[tilespmem:$0x18400] =	vst v63  }
0x150: {  	s28 =	sand.u32 $0x1FFFFFF0, s24;
	s30 =	spop (v2sf);
	s26 =	sadd.s32 s3, s9  }
0x151: {  	[tilespmem:s1], [sflag:$0x1] =	stream.linear.gather [hbm4b:s26+s2], $0x80, $0x38;
	[tilespmem:$0x18400] =	vst v63  }
0x152: {  	s9 =	sadd.s32 s4, s28;
	s10 =	spop (v2sf);
	s8 =	sand.u32 $0x1FFFFFF0, s30  }
0x153: {  	(v2sf) =	vpush v63, $0xD;
	[tilespmem:s29], [sflag:$0x2] =	stream.linear.gather [hbm4b:s9+s2], $0x80, $0x38;
	[tilespmem:$0x18400] =	vst v63  }
0x154: {  	s12 =	simm.s32 $0x900;
	(v2sf) =	vpush v62, $0xE;
	s8 =	sadd.s32 s3, s8;
	s9 =	sand.u32 $0x1FFFFFF0, s10  }
0x155: {  	[tilespmem:s12], [sflag:$0x1] =	stream.linear.gather [hbm4b:s8+s2], $0x80, $0x38;
	[tilespmem:$0x18400] =	vst v63  }
0x156: {  	s25 =	simm.s32 $0x980;
	s9 =	sadd.s32 s4, s9;
	s13 =	spop (v2sf)  }
0x157: {  	[tilespmem:s0], [sflag:$0x2] =	stream.linear.gather [hbm4b:s9+s2], $0x80, $0x38;
	[tilespmem:$0x18400] =	vst v63  }
0x158: {  	s20 =	simm.s32 $0x8A80;
	s15 =	sand.u32 $0x1FFFFFF0, s13;
	s17 =	spop (v2sf)  }
0x159: {  	s29 =	simm.s32 $0xA80;
	s0 =	sadd.s32 s3, s15;
	s8 =	sand.u32 $0x1FFFFFF0, s17  }
0x15a: {  	[tilespmem:s25], [sflag:$0x1] =	stream.linear.gather [hbm4b:s0+s2], $0x80, $0x38;
	[tilespmem:$0x18400] =	vst v63  }
0x15b: {  	s18 =	spop (v2sf);
	s17 =	simm.s32 $0x1;
	s19 =	sadd.s32 s4, s8  }
0x15c: {  	s21 =	sand.u32 $0x1FFFFFF0, s18;
	s22 =	spop (v2sf);
	s18 =	simm.s32 $0x110  }
0x15d: {  	[tilespmem:s5], [sflag:$0x2] =	stream.linear.gather [hbm4b:s19+s2], $0x80, $0x38;
	[tilespmem:$0x18400] =	vst v63  }
0x15e: {  	s23 =	sadd.s32 s3, s21;
	s24 =	sand.u32 $0x1FFFFFF0, s22;
	s25 =	spop (v2sf)  }
0x15f: {  	[tilespmem:s6], [sflag:$0x1] =	stream.linear.gather [hbm4b:s23+s2], $0x80, $0x38;
	[tilespmem:$0x18400] =	vst v63  }
0x160: {  	s22 =	simm.s32 $0xB00;
	s21 =	simm.s32 $0x8B00;
	s26 =	sadd.s32 s4, s24  }
0x161: {  	[tilespmem:s31], [sflag:$0x2] =	stream.linear.gather [hbm4b:s26+s2], $0x80, $0x38;
	[tilespmem:$0x18400] =	vst v63  }
0x162: {  	(v2sf) =	vpush v63, $0xE;
	s19 =	simm.s32 @!p0 $0x1;
	s28 =	sand.u32 $0x1FFFFFF0, s25;
	s31 =	spop (v2sf)  }
0x163: {  	(v2sf) =	vpush v62, $0xF;
	s30 =	sadd.s32 s3, s28;
	s0 =	sand.u32 $0x1FFFFFF0, s31;
	s1 =	spop (v2sf)  }
0x164: {  	(v2sf) =	vpush v63, $0xF;
	[tilespmem:s29], [sflag:$0x1] =	stream.linear.gather [hbm4b:s30+s2], $0x80, $0x38;
	[tilespmem:$0x18400] =	vst v63  }
.LBB2_6:
0x165: {  	_ =	sdelay $0x7  }
0x166: {  	s0 =	sadd.s32 s4, s0;
	s1 =	sand.u32 $0x1FFFFFF0, s1  }
0x167: {  	[tilespmem:s20], [sflag:$0x2] =	stream.linear.gather [hbm4b:s0+s2], $0x80, $0x38;
	[tilespmem:$0x18400] =	vst v63  }
0x168: {  	s24 =	sadd.s32 s3, s1  }
0x169: {  	[tilespmem:s22], [sflag:$0x1] =	stream.linear.gather [hbm4b:s24+s2], $0x80, $0x38;
	[tilespmem:$0x18400] =	vst v63  }
0x16a: {  	s5 =	spop (v2sf)  }
0x16b: {  	s25 =	sand.u32 $0x1FFFFFF0, s5;
	s26 =	spop (v2sf)  }
0x16c: {  	s28 =	sadd.s32 s4, s25;
	s29 =	sand.u32 $0x1FFFFFF0, s26;
	s30 =	spop (v2sf)  }
0x16d: {  	[tilespmem:s21], [sflag:$0x2] =	stream.linear.gather [hbm4b:s28+s2], $0x80, $0x38;
	[tilespmem:$0x18400] =	vst v63  }
0x16e: {  	s31 =	sadd.s32 $0xB80, s14;
	s1 =	sadd.s32 s3, s29;
	s5 =	sand.u32 $0x1FFFFFF0, s30  }
0x16f: {  	[tilespmem:s31], [sflag:$0x1] =	stream.linear.gather [hbm4b:s1+s2], $0x80, $0x38;
	[tilespmem:$0x18400] =	vst v63  }
0x170: {  	s5 =	sadd.s32 s4, s5;
	s1 =	sadd.s32 $0x8B80, s14  }
0x171: {  	[tilespmem:s1], [sflag:$0x2] =	stream.linear.gather [hbm4b:s5+s2], $0x80, $0x38;
	[tilespmem:$0x18400] =	vst v63  }
0x172: {  	_ =	swait.ge @!p0 [sflag:s19], $0x800  }
0x173: {  	[sflag:s19] =	ssyncset.done @!p0 $0x0  }
0x174: {  	s0 =	simm.s32 @!p0 $0x2;
	[sflag:s19] =	ssyncadd.s32 @!p0 $0xFFFFF800  }
0x175: {  	_ =	swait.ge @!p0 [sflag:s0], $0x800  }
0x176: {  	[sflag:s0] =	ssyncset.done @!p0 $0x0  }
0x177: {  	[sflag:s0] =	ssyncadd.s32 @!p0 $0xFFFFF800  }
0x178: {  	s11 =	sadd.s32 $0x10, s11;
	v0 =	vld [tilespmem:s18+$0x0]  }
0x179: {  	v2 =	vld [tilespmem:s11+$0x0];
	_ =	sdelay $0x3  }
0x17a: {  	s6 =	smov.u32 s16;
	v1 =	vshll.u32 v0, $0x4  }
0x17b: {  	s16 =	sadd.s32 $0x2000, s16;
	s14 =	sshra.s32 s6, $0x2;
	v63 =	vshll.u32 v2, $0x4;
	(v2sf) =	vpush v1, $0x0  }
0x17c: {  	p1 =	sne.s32 s16, $0x20000;
	s26 =	sadd.s32 $0x8400, s14;
	s7 =	sadd.s32 $0x880, s14;
	(v2sf) =	vpush v63, $0x0  }
0x17d: {  	s29 =	sadd.s32 $0x400, s14;
	s10 =	sadd.s32 $0x600, s14;
	s8 =	sadd.s32 $0x8900, s14;
	(v2sf) =	vpush v1, $0x1  }
0x17e: {  	s15 =	sadd.s32 $0x580, s14;
	s9 =	sadd.s32 $0x8980, s14;
	s25 =	sadd.s32 $0x500, s14  }
0x17f: {  	s6 =	sadd.s32 $0xA00, s14;
	s28 =	sadd.s32 $0x8480, s14;
	[dreg:$0x10] =	wrdreg s7;
	(v2sf) =	vpush v63, $0x1  }
0x180: {  	s24 =	sadd.s32 $0x8500, s14;
	s13 =	sadd.s32 $0x8680, s14;
	[dreg:$0xc] =	wrdreg s8  }
0x181: {  	s12 =	sadd.s32 $0x980, s14;
	s20 =	sadd.s32 $0x8880, s14;
	[dreg:$0x8] =	wrdreg s9;
	(v2sf) =	vpush v1, $0x2  }
0x182: {  	s21 =	sadd.s32 $0x900, s14;
	s22 =	sadd.s32 $0x8800, s14;
	[dreg:$0x6] =	wrdreg s6  }
0x183: {  	s30 =	sadd.s32 $0x480, s14;
	s19 =	sadd.s32 $0x8A00, s14;
	[dreg:$0xe] =	wrdreg s12;
	(v2sf) =	vpush v63, $0x2  }
0x184: {  	s23 =	sadd.s32 $0xA80, s14;
	s5 =	sadd.s32 $0x680, s14;
	[dreg:$0xa] =	wrdreg s19  }
0x185: {  	s1 =	smov.u32 s11;
	s9 =	sadd.s32 $0x700, s14;
	[dreg:$0x16] =	wrdreg s20;
	(v2sf) =	vpush v1, $0x3  }
0x186: {  	s8 =	sadd.s32 $0x8700, s14;
	[dreg:$0x14] =	wrdreg s21;
	s7 =	sadd.s32 $0x780, s14  }
0x187: {  	[dreg:$0x18] =	wrdreg s22;
	s20 =	sadd.s32 $0x8A80, s14;
	s6 =	sadd.s32 $0x8780, s14;
	(v2sf) =	vpush v63, $0x3  }
0x188: {  	s12 =	sadd.s32 $0x800, s14;
	s22 =	sadd.s32 $0xB00, s14;
	[dreg:$0x12] =	wrdreg s23  }
0x189: {  	s21 =	sadd.s32 $0x8B00, s14;
	[dreg:$0x1a] =	wrdreg s12;
	s0 =	sadd.s32 $0x8580, s14;
	(v2sf) =	vpush v1, $0x4  }
0x18a: {  	p0 =	slt.u32 s17, $0x4;
	s17 =	sadd.s32 $0x1, s17;
	s31 =	spop (v2sf)  }
0x18b: {  	s11 =	sadd.s32 $0x8600, s14;
	s31 =	sand.u32 $0x1FFFFFF0, s31;
	s23 =	spop (v2sf);
	(v2sf) =	vpush v63, $0x4  }
0x18c: {  	s31 =	sadd.s32 s3, s31;
	s23 =	sand.u32 $0x1FFFFFF0, s23;
	s12 =	spop (v2sf)  }
0x18d: {  	(v2sf) =	vpush v1, $0x5;
	[tilespmem:s29], [sflag:$0x1] =	stream.linear.gather [hbm4b:s31+s2], $0x80, $0x38;
	[tilespmem:$0x18400] =	vst v63  }
0x18e: {  	s23 =	sadd.s32 s4, s23;
	s12 =	sand.u32 $0x1FFFFFF0, s12;
	s31 =	spop (v2sf);
	(v2sf) =	vpush v63, $0x5  }
0x18f: {  	[tilespmem:s26], [sflag:$0x2] =	stream.linear.gather [hbm4b:s23+s2], $0x80, $0x38;
	[tilespmem:$0x18400] =	vst v63  }
0x190: {  	s12 =	sadd.s32 s3, s12;
	s29 =	sand.u32 $0x1FFFFFF0, s31;
	s31 =	spop (v2sf)  }
0x191: {  	(v2sf) =	vpush v1, $0x6;
	[tilespmem:s30], [sflag:$0x1] =	stream.linear.gather [hbm4b:s12+s2], $0x80, $0x38;
	[tilespmem:$0x18400] =	vst v63  }
0x192: {  	s29 =	sadd.s32 s4, s29;
	s30 =	sand.u32 $0x1FFFFFF0, s31;
	s31 =	spop (v2sf)  }
0x193: {  	(v2sf) =	vpush v63, $0x6;
	[tilespmem:s28], [sflag:$0x2] =	stream.linear.gather [hbm4b:s29+s2], $0x80, $0x38;
	[tilespmem:$0x18400] =	vst v63  }
0x194: {  	s23 =	sadd.s32 s3, s30;
	s26 =	sand.u32 $0x1FFFFFF0, s31;
	s28 =	spop (v2sf)  }
0x195: {  	(v2sf) =	vpush v1, $0x7;
	[tilespmem:s25], [sflag:$0x1] =	stream.linear.gather [hbm4b:s23+s2], $0x80, $0x38;
	[tilespmem:$0x18400] =	vst v63  }
0x196: {  	s29 =	sadd.s32 s4, s26;
	s30 =	sand.u32 $0x1FFFFFF0, s28;
	s31 =	spop (v2sf)  }
0x197: {  	(v2sf) =	vpush v63, $0x7;
	[tilespmem:s24], [sflag:$0x2] =	stream.linear.gather [hbm4b:s29+s2], $0x80, $0x38;
	[tilespmem:$0x18400] =	vst v63  }
0x198: {  	s26 =	sand.u32 $0x1FFFFFF0, s31;
	s28 =	spop (v2sf);
	s24 =	sadd.s32 s3, s30  }
0x199: {  	(v2sf) =	vpush v1, $0x8;
	[tilespmem:s15], [sflag:$0x1] =	stream.linear.gather [hbm4b:s24+s2], $0x80, $0x38;
	[tilespmem:$0x18400] =	vst v63  }
0x19a: {  	s19 =	simm.s32 @!p0 $0x1;
	s29 =	sadd.s32 s4, s26;
	s31 =	spop (v2sf)  }
0x19b: {  	[tilespmem:s0], [sflag:$0x2] =	stream.linear.gather [hbm4b:s29+s2], $0x80, $0x38;
	[tilespmem:$0x18400] =	vst v63  }
0x19c: {  	s18 =	sadd.s32 $0x10, s18;
	s30 =	sand.u32 $0x1FFFFFF0, s28;
	s24 =	spop (v2sf)  }
0x19d: {  	s15 =	sadd.s32 s3, s30;
	(v2sf) =	vpush v63, $0x8;
	s23 =	sand.u32 $0x1FFFFFF0, s31;
	s28 =	spop (v2sf)  }
0x19e: {  	(v2sf) =	vpush v1, $0x9;
	[tilespmem:s10], [sflag:$0x1] =	stream.linear.gather [hbm4b:s15+s2], $0x80, $0x38;
	[tilespmem:$0x18400] =	vst v63  }
0x19f: {  	s25 =	sadd.s32 s4, s23;
	s26 =	sand.u32 $0x1FFFFFF0, s24;
	s30 =	sand.u32 $0x1FFFFFF0, s28  }
0x1a0: {  	(v2sf) =	vpush v63, $0x9;
	s29 =	sadd.s32 s3, s26;
	s31 =	spop (v2sf);
	s10 =	sadd.s32 s4, s30  }
0x1a1: {  	[tilespmem:s11], [sflag:$0x2] =	stream.linear.gather [hbm4b:s25+s2], $0x80, $0x38;
	[tilespmem:$0x18400] =	vst v63  }
0x1a2: {  	(v2sf) =	vpush v1, $0xA;
	s12 =	sand.u32 $0x1FFFFFF0, s31;
	s11 =	smov.u32 s1;
	s15 =	spop (v2sf)  }
0x1a3: {  	[tilespmem:s5], [sflag:$0x1] =	stream.linear.gather [hbm4b:s29+s2], $0x80, $0x38;
	[tilespmem:$0x18400] =	vst v63  }
0x1a4: {  	s23 =	sadd.s32 s3, s12;
	(v2sf) =	vpush v63, $0xA;
	s24 =	sand.u32 $0x1FFFFFF0, s15;
	s25 =	spop (v2sf)  }
0x1a5: {  	[tilespmem:s13], [sflag:$0x2] =	stream.linear.gather [hbm4b:s10+s2], $0x80, $0x38;
	[tilespmem:$0x18400] =	vst v63  }
0x1a6: {  	s15 =	rddreg [dreg:$0x1a];
	s28 =	sand.u32 $0x1FFFFFF0, s25;
	s29 =	spop (v2sf)  }
0x1a7: {  	(v2sf) =	vpush v1, $0xB;
	[tilespmem:s9], [sflag:$0x1] =	stream.linear.gather [hbm4b:s23+s2], $0x80, $0x38;
	[tilespmem:$0x18400] =	vst v63  }
0x1a8: {  	s26 =	sadd.s32 s4, s24;
	s30 =	sadd.s32 s3, s28;
	s1 =	spop (v2sf)  }
0x1a9: {  	(v2sf) =	vpush v63, $0xB;
	[tilespmem:s8], [sflag:$0x2] =	stream.linear.gather [hbm4b:s26+s2], $0x80, $0x38;
	[tilespmem:$0x18400] =	vst v63  }
0x1aa: {  	s31 =	sand.u32 $0x1FFFFFF0, s29;
	s8 =	sand.u32 $0x1FFFFFF0, s1;
	s26 =	rddreg [dreg:$0x18]  }
0x1ab: {  	(v2sf) =	vpush v1, $0xC;
	[tilespmem:s7], [sflag:$0x1] =	stream.linear.gather [hbm4b:s30+s2], $0x80, $0x38;
	[tilespmem:$0x18400] =	vst v63  }
0x1ac: {  	s10 =	sadd.s32 s3, s8;
	s7 =	sadd.s32 s4, s31;
	s9 =	spop (v2sf)  }
0x1ad: {  	s31 =	rddreg [dreg:$0x10];
	s12 =	sand.u32 $0x1FFFFFF0, s9;
	s13 =	spop (v2sf)  }
0x1ae: {  	[tilespmem:s6], [sflag:$0x2] =	stream.linear.gather [hbm4b:s7+s2], $0x80, $0x38;
	[tilespmem:$0x18400] =	vst v63  }
0x1af: {  	(v2sf) =	vpush v63, $0xC;
	s23 =	sadd.s32 s4, s12;
	s24 =	sand.u32 $0x1FFFFFF0, s13;
	s25 =	spop (v2sf)  }
0x1b0: {  	[tilespmem:s15], [sflag:$0x1] =	stream.linear.gather [hbm4b:s10+s2], $0x80, $0x38;
	[tilespmem:$0x18400] =	vst v63  }
0x1b1: {  	(v2sf) =	vpush v1, $0xD;
	s28 =	sadd.s32 s3, s24;
	s29 =	sand.u32 $0x1FFFFFF0, s25;
	s30 =	spop (v2sf)  }
0x1b2: {  	[tilespmem:s26], [sflag:$0x2] =	stream.linear.gather [hbm4b:s23+s2], $0x80, $0x38;
	[tilespmem:$0x18400] =	vst v63  }
0x1b3: {  	s7 =	sadd.s32 s4, s29;
	s8 =	sand.u32 $0x1FFFFFF0, s30;
	s9 =	spop (v2sf)  }
0x1b4: {  	(v2sf) =	vpush v63, $0xD;
	s10 =	rddreg [dreg:$0x16];
	s12 =	sadd.s32 s3, s8;
	s13 =	sand.u32 $0x1FFFFFF0, s9  }
0x1b5: {  	[tilespmem:s31], [sflag:$0x1] =	stream.linear.gather [hbm4b:s28+s2], $0x80, $0x38;
	[tilespmem:$0x18400] =	vst v63  }
0x1b6: {  	(v2sf) =	vpush v1, $0xE;
	s23 =	rddreg [dreg:$0x14];
	s15 =	spop (v2sf);
	s24 =	sadd.s32 s4, s13  }
0x1b7: {  	[tilespmem:s10], [sflag:$0x2] =	stream.linear.gather [hbm4b:s7+s2], $0x80, $0x38;
	[tilespmem:$0x18400] =	vst v63  }
0x1b8: {  	s28 =	rddreg [dreg:$0xc];
	s25 =	sand.u32 $0x1FFFFFF0, s15;
	s26 =	spop (v2sf)  }
0x1b9: {  	[tilespmem:s23], [sflag:$0x1] =	stream.linear.gather [hbm4b:s12+s2], $0x80, $0x38;
	[tilespmem:$0x18400] =	vst v63  }
0x1ba: {  	s29 =	sadd.s32 s3, s25;
	s31 =	spop (v2sf);
	s7 =	rddreg [dreg:$0xe]  }
0x1bb: {  	[tilespmem:s28], [sflag:$0x2] =	stream.linear.gather [hbm4b:s24+s2], $0x80, $0x38;
	[tilespmem:$0x18400] =	vst v63  }
0x1bc: {  	s30 =	sand.u32 $0x1FFFFFF0, s26;
	s9 =	sand.u32 $0x1FFFFFF0, s31;
	s31 =	rddreg [dreg:$0x12]  }
0x1bd: {  	[tilespmem:s7], [sflag:$0x1] =	stream.linear.gather [hbm4b:s29+s2], $0x80, $0x38;
	[tilespmem:$0x18400] =	vst v63  }
0x1be: {  	s8 =	sadd.s32 s4, s30;
	s12 =	rddreg [dreg:$0x8];
	s10 =	spop (v2sf)  }
0x1bf: {  	[tilespmem:s12], [sflag:$0x2] =	stream.linear.gather [hbm4b:s8+s2], $0x80, $0x38;
	[tilespmem:$0x18400] =	vst v63  }
0x1c0: {  	s13 =	sadd.s32 s3, s9;
	s24 =	rddreg [dreg:$0x6];
	s23 =	spop (v2sf)  }
0x1c1: {  	[tilespmem:s24], [sflag:$0x1] =	stream.linear.gather [hbm4b:s13+s2], $0x80, $0x38;
	[tilespmem:$0x18400] =	vst v63  }
.Ltmp2:
0x1c2: {  	s15 =	sand.u32 $0x1FFFFFF0, s10;
	s29 =	rddreg [dreg:$0xa];
	(pc) =	sbr.rel @p1 .LBB2_6-.Ltmp2, $4  }
0x1c3: {  	s25 =	sadd.s32 s4, s15;
	s26 =	sand.u32 $0x1FFFFFF0, s23;
	s28 =	spop (v2sf)  }
0x1c4: {  	(v2sf) =	vpush v63, $0xE;
	[tilespmem:s29], [sflag:$0x2] =	stream.linear.gather [hbm4b:s25+s2], $0x80, $0x38;
	[tilespmem:$0x18400] =	vst v63  }
0x1c5: {  	(v2sf) =	vpush v1, $0xF;
	s30 =	sadd.s32 s3, s26;
	s0 =	sand.u32 $0x1FFFFFF0, s28;
	s1 =	spop (v2sf)  }
0x1c6: {  	(v2sf) =	vpush v63, $0xF;
	[tilespmem:s31], [sflag:$0x1] =	stream.linear.gather [hbm4b:s30+s2], $0x80, $0x38;
	[tilespmem:$0x18400] =	vst v63  }
0x1c7: {  	_ =	sdelay $0x7  }
0x1c8: {  	s0 =	sadd.s32 s4, s0;
	s1 =	sand.u32 $0x1FFFFFF0, s1  }
0x1c9: {  	[tilespmem:s20], [sflag:$0x2] =	stream.linear.gather [hbm4b:s0+s2], $0x80, $0x38;
	[tilespmem:$0x18400] =	vst v63  }
0x1ca: {  	s17 =	sadd.s32 s3, s1  }
0x1cb: {  	[tilespmem:s22], [sflag:$0x1] =	stream.linear.gather [hbm4b:s17+s2], $0x80, $0x38;
	[tilespmem:$0x18400] =	vst v63  }
0x1cc: {  	s5 =	spop (v2sf)  }
0x1cd: {  	s18 =	sand.u32 $0x1FFFFFF0, s5;
	s20 =	spop (v2sf)  }
0x1ce: {  	s22 =	sadd.s32 s4, s18;
	s23 =	sand.u32 $0x1FFFFFF0, s20;
	s24 =	spop (v2sf)  }
0x1cf: {  	[tilespmem:s21], [sflag:$0x2] =	stream.linear.gather [hbm4b:s22+s2], $0x80, $0x38;
	[tilespmem:$0x18400] =	vst v63  }
0x1d0: {  	s25 =	sadd.s32 $0xB80, s14;
	s1 =	sadd.s32 s3, s23;
	s5 =	sand.u32 $0x1FFFFFF0, s24  }
0x1d1: {  	[tilespmem:s25], [sflag:$0x1] =	stream.linear.gather [hbm4b:s1+s2], $0x80, $0x38;
	[tilespmem:$0x18400] =	vst v63  }
0x1d2: {  	s26 =	sadd.s32 $0x8B80, s14;
	s28 =	sadd.s32 s4, s5  }
0x1d3: {  	[tilespmem:s26], [sflag:$0x2] =	stream.linear.gather [hbm4b:s28+s2], $0x80, $0x38;
	[tilespmem:$0x18400] =	vst v63  }
0x1d4: {  	_ =	swait.ge @!p0 [sflag:s19], $0x800  }
0x1d5: {  	[sflag:s19] =	ssyncset.done @!p0 $0x0  }
0x1d6: {  	s0 =	simm.s32 @!p0 $0x2;
	[sflag:s19] =	ssyncadd.s32 @!p0 $0xFFFFF800  }
0x1d7: {  	_ =	swait.ge @!p0 [sflag:s0], $0x800  }
0x1d8: {  	[sflag:s0] =	ssyncset.done @!p0 $0x0  }
0x1d9: {  	s29 =	simm.s32 $0x1;
	[sflag:s0] =	ssyncadd.s32 @!p0 $0xFFFFF800  }
0x1da: {  	_ =	swait.ge [sflag:s29], $0x800  }
0x1db: {  	[sflag:s29] =	ssyncset.done $0x0  }
0x1dc: {  	s30 =	simm.s32 $0x2;
	[sflag:s29] =	ssyncadd.s32 $0xFFFFF800  }
0x1dd: {  	_ =	swait.ge [sflag:s30], $0x800  }
0x1de: {  	[sflag:s30] =	ssyncset.done $0x0  }
0x1df: {  	[sflag:s30] =	ssyncadd.s32 $0xFFFFF800  }
0x1e0: {  	_ =	swait.ge [sflag:s29], $0x800  }
0x1e1: {  	[sflag:s29] =	ssyncset.done $0x0  }
0x1e2: {  	[sflag:s29] =	ssyncadd.s32 $0xFFFFF800  }
0x1e3: {  	_ =	swait.ge [sflag:s30], $0x800  }
0x1e4: {  	[sflag:s30] =	ssyncset.done $0x0  }
0x1e5: {  	[sflag:s30] =	ssyncadd.s32 $0xFFFFF800  }
0x1e6: {  	_ =	swait.ge [sflag:s29], $0x800  }
0x1e7: {  	[sflag:s29] =	ssyncset.done $0x0  }
0x1e8: {  	[sflag:s29] =	ssyncadd.s32 $0xFFFFF800  }
0x1e9: {  	_ =	swait.ge [sflag:s30], $0x800  }
0x1ea: {  	[sflag:s30] =	ssyncset.done $0x0  }
0x1eb: {  	[sflag:s30] =	ssyncadd.s32 $0xFFFFF800  }
0x1ec: {  	_ =	swait.ge [sflag:s29], $0x800  }
0x1ed: {  	[sflag:s29] =	ssyncset.done $0x0  }
0x1ee: {  	[sflag:s29] =	ssyncadd.s32 $0xFFFFF800  }
0x1ef: {  	_ =	swait.ge [sflag:s30], $0x800  }
0x1f0: {  	[sflag:s30] =	ssyncset.done $0x0  }
0x1f1: {  	s0 =	simm.s32 $0x420;
	[sflag:s30] =	ssyncadd.s32 $0xFFFFF800  }
0x1f2: {  	s1 =	simm.s32 $0x8420;
	v0 =	vld [tilespmem:s0+$0xFFFFFFE0]  }
0x1f3: {  	v1 =	vld [tilespmem:s1+$0xFFFFFFE0];
	_ =	sdelay $0x4  }
0x1f4: {  	s31 =	simm.s32 $0x0;
	v0 =	vmul.f32 v1, v0  }
0x1f5: {  	s5 =	sand.u32 $0x3FC0, s31  }
0x1f6: {  	[tilespmem:s5+$0x14400] =	vst v0  }
0x1f7: {  	v0 =	vld [tilespmem:s0+$0xFFFFFFF0]  }
0x1f8: {  	v1 =	vld [tilespmem:s1+$0xFFFFFFF0];
	_ =	sdelay $0x4  }
0x1f9: {  	v0 =	vmul.f32 v1, v0  }
0x1fa: {  	s5 =	simm.s32 $0x14410  }
0x1fb: {  	[tilespmem:s5+$0x0] =	vst v0  }
0x1fc: {  	v0 =	vld [tilespmem:s0+$0x0]  }
0x1fd: {  	v1 =	vld [tilespmem:s1+$0x0];
	_ =	sdelay $0x4  }
0x1fe: {  	v0 =	vmul.f32 v1, v0;
	_ =	sdelay $0x1  }
0x1ff: {  	[tilespmem:s5+$0x10] =	vst v0  }
0x200: {  	v0 =	vld [tilespmem:s0+$0x10]  }
0x201: {  	s6 =	simm.s32 $0x40;
	s7 =	simm.s32 $0x14410;
	v1 =	vld [tilespmem:s1+$0x10]  }
.LBB2_8:
0x202: {  	_ =	sdelay $0x2  }
0x203: {  	s5 =	sadd.s32 $0x40, s5;
	s1 =	sadd.s32 $0x80, s1;
	s0 =	sadd.s32 $0x80, s0  }
0x204: {  	p0 =	sne.s32 s6, $0x3FC0;
	s8 =	smov.u32 s6;
	s6 =	sadd.s32 $0x40, s6;
	v0 =	vmul.f32 v1, v0  }
0x205: {  	_ = 	snop  }
0x206: {  	[tilespmem:s7+$0x20] =	vst v0;
	s7 =	smov.u32 s5  }
0x207: {  	v0 =	vld [tilespmem:s0+$0xFFFFFFE0]  }
0x208: {  	v1 =	vld [tilespmem:s1+$0xFFFFFFE0];
	_ =	sdelay $0x4  }
0x209: {  	v0 =	vmul.f32 v1, v0  }
0x20a: {  	s8 =	sand.u32 $0x3FC0, s8  }
0x20b: {  	[tilespmem:s8+$0x14400] =	vst v0  }
0x20c: {  	v0 =	vld [tilespmem:s0+$0xFFFFFFF0]  }
0x20d: {  	v1 =	vld [tilespmem:s1+$0xFFFFFFF0];
	_ =	sdelay $0x4  }
0x20e: {  	v0 =	vmul.f32 v1, v0;
	_ =	sdelay $0x1  }
0x20f: {  	[tilespmem:s5+$0x0] =	vst v0  }
0x210: {  	v0 =	vld [tilespmem:s0+$0x0]  }
0x211: {  	v1 =	vld [tilespmem:s1+$0x0];
	_ =	sdelay $0x4  }
.Ltmp3:
0x212: {  	v0 =	vmul.f32 v1, v0;
	(pc) =	sbr.rel @p0 .LBB2_8-.Ltmp3, $4  }
0x213: {  	_ = 	snop  }
0x214: {  	[tilespmem:s5+$0x10] =	vst v0  }
0x215: {  	v0 =	vld [tilespmem:s0+$0x10]  }
0x216: {  	v1 =	vld [tilespmem:s1+$0x10]  }
0x217: {  	_ =	sdelay $0x3  }
0x218: {  	v0 =	vmul.f32 v1, v0;
	_ =	sdelay $0x1  }
0x219: {  	s0 =	rddreg [dreg:$0x1d];
	s1 =	simm.s32 $0x10400;
	[tilespmem:s7+$0x20] =	vst v0  }
0x21a: {  	[hbm4b:s0+s2] =	stream.linear.scatter [tilespmem:s1], [sflag:$0x3], $0x8000, $0x38;
	[tilespmem:$0x18400] =	vst v63  }
0x21b: {  	s1 =	simm.s32 $0x3  }
0x21c: {  	_ =	swait.ge [sflag:s1], $0x8000  }
0x21d: {  	s5 =	rddreg [dreg:$0x1f]  }
0x21e: {  	s31 =	rddreg [dreg:$0x1e];
	s5 =	sadd.s32 $0x1, s5  }
0x21f: {  	p0 =	sne.s32 s5, s31  }
.Ltmp4:
0x220: {  	_ = 	snop;
	(pc) =	sbr.rel @p0 .LBB2_1-.Ltmp4, $3  }
0x221: {  	_ =	sdelay $0x1  }
0x222: {  	[sflag:s1] =	ssyncset.done $0x0  }
0x223: {  	[sflag:s1] =	ssyncadd.s32 $0xFFFF8000  }
0x224: {  	_ =	sfence.sel $0x180000  }
0x225: {  	[bflag:$0x0] =	sbarrier.arrive $0xFFFF  }
0x226: {  	_ =	strace $0x90000047  }
0x227: {  	s0 =	stileid.u32;
	[bflag:$0x2] =	sbarrier.arrive $0xFFFF  }
0x228: {  	p0 =	sne.s32 s0, $0x0;
	s0 =	rddreg [dreg:$0x4]  }
0x229: {  	s0 =	sadd.s32 @!p0 $0x100000, s0  }
0x22a: {  	[sflag:s0] =	ssyncadd.tile.s32 @!p0 $0x1;
	_ =	shalt  }
.Lfunc_end2:
_tile_overlayer_lowered:
.L_overlay_start_2:
0x22b: {  	(tag) =	ssettag $0x2  }
0x22c: {  	s0 =	rddreg [dreg:$0x0];
	s2 =	stileid.u32  }
0x22d: {  	s1 =	rddreg [dreg:$0x1];
	p0 =	sne.s32 s2, $0x0  }
0x22e: {  	s3 =	rddreg [dreg:$0x2];
	[bflag:$0x3] =	sbarrier.arrive $0xFFFF;
	s2 =	simm.s32 @!p0 $0x1C03  }
0x22f: {  	[timem:s3], [sflag:s2] =	dma.local @!p0 [hbm:s0], s1  }
0x230: {  	s0 =	simm.s32 @!p0 $0x3  }
0x231: {  	_ =	swait.ge @!p0 [sflag:s0], s1  }
0x232: {  	s1 =	ssub.s32 @!p0 $0x0, s1;
	[sflag:s0] =	ssyncset.done @!p0 $0x0  }
0x233: {  	[sflag:s0] =	ssyncadd.s32 @!p0 s1  }
0x234: {  	[bflag:$0x3] =	sbarrier.arrive $0xFFFF  }
0x235: {  	_ =	shalt  }

</sc_bundles>
